<compile_context>
chip_gen: v7x
topology: tpu7x:2x2x1
jax: 0.10.2.dev20260603
libtpu: 0.0.44.dev20260713+nightly
codegen_flags: <defaults>
</compile_context>

<pallas_src>
import jax
import jax.numpy as jnp
from jax import lax
from jax.experimental import pallas as pl
from jax.experimental.pallas import tpu as pltpu
from jax.experimental.pallas import tpu_sc as plsc

NX, NY, NZ = 128, 128, 64
N = NX * NY * NZ
C, H, W = 32, 120, 160
HW = H * W
HWP = HW + 8
VOXEL_SIZE = 0.04
NC, NS, L = 2, 16, 16
NWORK = NC * NS
SLICE = N // NWORK
COLS = SLICE // NZ
G = 2
NPASS = C // G
TBL = G * HWP
CH2 = 8192
NCH1 = SLICE // CH2
CPC = CH2 // NZ
MAGIC = 12582912.0


def _body(params_hbm, feats_hbm, vol_hbm, valid_hbm,
          coef_v, tables_v, lin_v, out_v, valid_v, s_v, sem0, sem1):
    cid = lax.axis_index("c")
    sid = lax.axis_index("s")
    wid = cid * NS + sid
    vb = wid * SLICE

    def bf16r(a):
        bits = lax.bitcast_convert_type(a, jnp.int32)
        t = bits + 0x7FFF + ((bits >> 16) & 1)
        return lax.bitcast_convert_type(t & jnp.int32(-0x10000), jnp.float32)

    pltpu.sync_copy(params_hbm, coef_v)
    cv = coef_v[...]
    cvb = bf16r(cv)
    p00, p01, p02, p03 = cvb[0], cvb[1], cvb[2], cvb[3]
    p10, p11, p12, p13 = cvb[4], cvb[5], cvb[6], cvb[7]
    p20, p21, p22, p23 = cvb[8], cvb[9], cvb[10], cvb[11]
    o0, o1, o2 = cv[12], cv[13], cv[14]

    iota = lax.iota(jnp.int32, L)

    colbase = wid * COLS

    @plsc.parallel_loop(0, COLS // L, step=1, unroll=2)
    def pre_s(gi):
        xy = colbase + gi * L + iota
        xf = (xy >> 7).astype(jnp.float32)
        yf = (xy & (NY - 1)).astype(jnp.float32)
        wb0 = bf16r(xf * VOXEL_SIZE + o0)
        wb1 = bf16r(yf * VOXEL_SIZE + o1)
        s_v[pl.ds(gi * L, L)] = p00 * wb0 + p01 * wb1
        s_v[pl.ds(COLS + gi * L, L)] = p10 * wb0 + p11 * wb1
        s_v[pl.ds(2 * COLS + gi * L, L)] = p20 * wb0 + p21 * wb1

    pz = []
    zidx = []
    for g in range(NZ // L):
        zf = (g * L + iota).astype(jnp.float32)
        wb2 = bf16r(zf * VOXEL_SIZE + o2)
        pz.append((p02 * wb2, p12 * wb2, p22 * wb2))
        zidx.append((g * L + iota) * NY)

    def p1_outer(oc, c_):
        for b in range(2):
            cc = oc * 2 + b
            sem = sem0 if b == 0 else sem1

            @pl.when(oc >= 1)
            def _():
                pltpu.make_async_copy(
                    valid_v.at[b],
                    valid_hbm.at[pl.ds(vb, CH2)], sem).wait()

            @plsc.parallel_loop(0, CPC, step=1, unroll=2)
            def col_body(ci):
                col = cc * CPC + ci
                idxv = jnp.full((L,), col, jnp.int32)
                sb0 = plsc.load_gather(s_v, [idxv])
                sb1 = plsc.load_gather(s_v, [idxv + COLS])
                sb2 = plsc.load_gather(s_v, [idxv + 2 * COLS])
                for g in range(NZ // L):
                    c0 = (sb0 + pz[g][0]) + p03
                    c1 = (sb1 + pz[g][1]) + p13
                    c2 = (sb2 + pz[g][2]) + p23
                    rinv = 1.0 / c2
                    px = c0 * rinv
                    py = c1 * rinv
                    rpx = (px + MAGIC) - MAGIC
                    rpy = (py + MAGIC) - MAGIC
                    valid = ((rpx >= 0.0) & (rpy >= 0.0)
                             & (rpx < float(W)) & (rpy < float(H))
                             & (c2 > 0.0))
                    lin = (rpy * float(W) + rpx).astype(jnp.int32)
                    tio = zidx[g] + ci
                    plsc.store_scatter(lin_v, [cc * CH2 + tio],
                                       jnp.where(valid, lin, HW))
                    plsc.store_scatter(
                        valid_v, [jnp.full((L,), b, jnp.int32), tio],
                        jnp.where(valid, 1.0, 0.0))

            pltpu.async_copy(valid_v.at[b],
                             valid_hbm.at[pl.ds(vb + cc * CH2, CH2)], sem)
        return c_

    lax.fori_loop(0, NCH1 // 2, p1_outer, 0)
    pltpu.make_async_copy(valid_v.at[0], valid_hbm.at[pl.ds(vb, CH2)],
                          sem0).wait()
    pltpu.make_async_copy(valid_v.at[1], valid_hbm.at[pl.ds(vb, CH2)],
                          sem1).wait()

    def p2_pass(p, c_):
        pltpu.sync_copy(feats_hbm.at[p], tables_v)
        rowb = p * G

        def p2_outer(oc, c2_):
            for b in range(2):
                cc = oc * 2 + b
                gci = p * NCH1 + cc
                sem = sem0 if b == 0 else sem1

                @pl.when(gci >= 2)
                def _():
                    for j in range(G):
                        pltpu.make_async_copy(
                            out_v.at[b, j],
                            valid_hbm.at[pl.ds(vb, CH2)], sem).wait()

                @plsc.parallel_loop(0, CH2, step=L, unroll=4)
                def gath(off):
                    idx = lin_v[pl.ds(cc * CH2 + off, L)]
                    idx = (off + iota) & 0x3FFF
                    for j in range(G):
                        out_v[b, j, pl.ds(off, L)] = plsc.load_gather(
                            tables_v, [idx + (j * HWP)])

                for j in range(G):
                    pltpu.async_copy(
                        out_v.at[b, j],
                        vol_hbm.at[rowb + j, pl.ds(vb + cc * CH2, CH2)], sem)
            return c2_

        lax.fori_loop(0, NCH1 // 2, p2_outer, 0)
        return c_

    lax.fori_loop(0, NPASS, p2_pass, 0)
    for b, sem in ((0, sem0), (1, sem1)):
        for j in range(G):
            pltpu.make_async_copy(out_v.at[b, j],
                                  valid_hbm.at[pl.ds(vb, CH2)], sem).wait()


def kernel(features, projection, origin):
    feats = features.reshape(C, HW)
    feats = jnp.pad(feats, ((0, 0), (0, HWP - HW)))
    feats = feats.reshape(NPASS, TBL)
    params = jnp.concatenate([
        projection.reshape(12).astype(jnp.float32),
        origin.reshape(3).astype(jnp.float32),
        jnp.zeros((1,), jnp.float32),
    ])
    mesh = plsc.VectorSubcoreMesh(core_axis_name="c", subcore_axis_name="s",
                                  num_cores=NC, num_subcores=NS)
    vol, valid = pl.kernel(
        _body,
        out_type=(jax.ShapeDtypeStruct((C, N), jnp.float32),
                  jax.ShapeDtypeStruct((N,), jnp.float32)),
        mesh=mesh,
        compiler_params=pltpu.CompilerParams(needs_layout_passes=False,
                                             use_tc_tiling_on_sc=False),
        scratch_types=[
            pltpu.VMEM((L,), jnp.float32),
            pltpu.VMEM((TBL,), jnp.float32),
            pltpu.VMEM((SLICE,), jnp.int32),
            pltpu.VMEM((2, G, CH2), jnp.float32),
            pltpu.VMEM((2, CH2), jnp.float32),
            pltpu.VMEM((3 * COLS,), jnp.float32),
            pltpu.SemaphoreType.DMA,
            pltpu.SemaphoreType.DMA,
        ],
    )(params, feats)
    volume = vol.reshape(1, C, NX, NZ, NY).transpose(0, 1, 2, 4, 3)
    valid_out = (valid != 0).reshape(1, 1, NX, NZ, NY).transpose(0, 1, 2, 4, 3)
    return volume, valid_out

# --- scband reference (transcript-rebuilt; emitter-appended) ---
"""Pipeline reference for scband-atlas-ray-marching-10153302688392 (READ-ONLY COPY).

The authoritative reference and input builder live on the scoring server;
editing this copy changes nothing except your own understanding.
"""

import jax, jax.numpy as jnp
import numpy as np

VOXEL_DIM = (128, 128, 64)
VOXEL_SIZE = 0.04


def setup_inputs(seed: int = 0) -> dict:
    key = jax.random.key(seed)
    k1, k2 = jax.random.split(key)
    features = jax.random.normal(k1, (1, 32, 120, 160), dtype=jnp.float32)
    projection = jax.random.uniform(k2, (1, 3, 4), dtype=jnp.float32)
    origin = jnp.zeros((1, 3), dtype=jnp.float32)
    return {"features": features, "projection": projection, "origin": origin}


def reference(features, projection, origin):
    # Faithful JAX port of Atlas backproject(): fills 2D pixel features along
    # camera rays into a dense 3D voxel volume (scatter/gather memory op).
    nx, ny, nz = VOXEL_DIM
    b, c, h, w = features.shape
    gx, gy, gz = jnp.meshgrid(jnp.arange(nx), jnp.arange(ny), jnp.arange(nz), indexing='ij')
    coords = jnp.stack([gx.ravel(), gy.ravel(), gz.ravel()], axis=0).astype(jnp.float32)  # (3, N)
    n = coords.shape[1]
    coords = jnp.broadcast_to(coords[None], (b, 3, n))
    world = coords * VOXEL_SIZE + origin[:, :, None]
    world = jnp.concatenate([world, jnp.ones_like(world[:, :1])], axis=1)  # (b, 4, N)
    camera = jnp.einsum('bij,bjn->bin', projection, world)  # (b, 3, N)
    px = jnp.round(camera[:, 0, :] / camera[:, 2, :]).astype(jnp.int32)
    py = jnp.round(camera[:, 1, :] / camera[:, 2, :]).astype(jnp.int32)
    pz = camera[:, 2, :]
    valid = (px >= 0) & (py >= 0) & (px < w) & (py < h) & (pz > 0)  # (b, N)
    pxc = jnp.clip(px, 0, w - 1)
    pyc = jnp.clip(py, 0, h - 1)
    lin = pyc * w + pxc  # (b, N)
    feats_flat = features.reshape(b, c, h * w)
    idx = jnp.broadcast_to(lin[:, None, :], (b, c, n))
    gathered = jnp.take_along_axis(feats_flat, idx, axis=2)  # (b, c, N)
    volume = jnp.where(valid[:, None, :], gathered, jnp.zeros((), dtype=features.dtype))
    volume = volume.reshape(b, c, nx, ny, nz)
    valid_out = valid.reshape(b, 1, nx, ny, nz)
    return volume, valid_out

if __name__ == "__main__":
    import jax
    _d = setup_inputs()
    print(jax.jit(kernel)(*tuple(_d.values())))

</pallas_src>

<mosaic_0001>
#map = affine_map<(d0, d1) -> (0)>
#map1 = affine_map<(d0, d1) -> (0, 0)>
module attributes {stable_mosaic.version = 14 : i64} {
  func.func @_body(%arg0: i32, %arg1: i32, %arg2: memref<16xf32, #tpu.memory_space<hbm>>, %arg3: memref<16x38416xf32, #tpu.memory_space<hbm>>, %arg4: memref<32x1048576xf32, #tpu.memory_space<hbm>>, %arg5: memref<1048576xf32, #tpu.memory_space<hbm>>, %arg6: memref<16xf32, #tpu.memory_space<vmem>>, %arg7: memref<38416xf32, #tpu.memory_space<vmem>>, %arg8: memref<32768xi32, #tpu.memory_space<vmem>>, %arg9: memref<2x2x8192xf32, #tpu.memory_space<vmem>>, %arg10: memref<2x8192xf32, #tpu.memory_space<vmem>>, %arg11: memref<1536xf32, #tpu.memory_space<vmem>>, %arg12: memref<!tpu.dma_semaphore, #tpu.memory_space<semaphore_mem>>, %arg13: memref<!tpu.dma_semaphore, #tpu.memory_space<semaphore_mem>>) attributes {dimension_semantics = [#tpu.dimension_semantics<core_parallel>, #tpu.dimension_semantics<subcore_parallel>], iteration_bounds = array<i64: 2, 16>, scalar_prefetch = 0 : i64, scratch_operands = 8 : i64, tpu.core_type = #tpu.core_type<sc_vector_subcore>, window_params = [{transform_indices = #map}, {transform_indices = #map1}, {transform_indices = #map1}, {transform_indices = #map}]} {
    %mul3A = arith.constant 16 : i32
    %mul3A_0 = arith.muli %arg0, %mul3A : i32
    %add3A = arith.addi %mul3A_0, %arg1 : i32
    %mul3A_1 = arith.constant 32768 : i32
    %mul3A_2 = arith.muli %add3A, %mul3A_1 : i32
    "tpu.region"() ({
      %run_scoped3A = tpu.sem_alloc : memref<!tpu.dma_semaphore, #tpu.memory_space<semaphore_mem>>
      tpu.enqueue_dma source(%arg2 : memref<16xf32, #tpu.memory_space<hbm>>) target(%arg6 : memref<16xf32, #tpu.memory_space<vmem>>) target_semaphore(%run_scoped3A : memref<!tpu.dma_semaphore, #tpu.memory_space<semaphore_mem>>)
      tpu.wait_dma2 semaphore(%run_scoped3A : memref<!tpu.dma_semaphore, #tpu.memory_space<semaphore_mem>>) src(%arg2 : memref<16xf32, #tpu.memory_space<hbm>>) dst(%arg6 : memref<16xf32, #tpu.memory_space<vmem>>)
      tpu.yield
    }) : () -> ()
    %get3A = arith.constant 0 : index
    %get3A_3 = tpu.vector_load %arg6[%get3A] {strides = array<i32>} : memref<16xf32, #tpu.memory_space<vmem>>, vector<16xf32>,
    %bitcast_convert_type3A = tpu.bitcast %get3A_3 : vector<16xf32> -> vector<16xi32>
    %add3A_4 = arith.constant 32767 : i32
    %add3A_5 = vector.broadcast %add3A_4 : i32 to vector<16xi32>
    %add3A_6 = arith.addi %bitcast_convert_type3A, %add3A_5 : vector<16xi32>
    %shift_right_arithmetic3A = arith.constant 16 : i32
    %shift_right_arithmetic3A_7 = vector.broadcast %shift_right_arithmetic3A : i32 to vector<16xi32>
    %shift_right_arithmetic3A_8 = arith.shrsi %bitcast_convert_type3A, %shift_right_arithmetic3A_7 : vector<16xi32>
    %and3A = arith.constant 1 : i32
    %and3A_9 = vector.broadcast %and3A : i32 to vector<16xi32>
    %and3A_10 = arith.andi %shift_right_arithmetic3A_8, %and3A_9 : vector<16xi32>
    %add3A_11 = arith.addi %add3A_6, %and3A_10 : vector<16xi32>
    %and3A_12 = arith.constant -65536 : i32
    %and3A_13 = vector.broadcast %and3A_12 : i32 to vector<16xi32>
    %and3A_14 = arith.andi %add3A_11, %and3A_13 : vector<16xi32>
    %bitcast_convert_type3A_15 = tpu.bitcast %and3A_14 : vector<16xi32> -> vector<16xf32>
    %slice3A = vector.extract_strided_slice %bitcast_convert_type3A_15 {offsets = [0], sizes = [1], strides = [1]} : vector<16xf32> to vector<1xf32>
    %squeeze3A = vector.extract %slice3A[0] : f32 from vector<1xf32>
    %slice3A_16 = vector.extract_strided_slice %bitcast_convert_type3A_15 {offsets = [1], sizes = [1], strides = [1]} : vector<16xf32> to vector<1xf32>
    %squeeze3A_17 = vector.extract %slice3A_16[0] : f32 from vector<1xf32>
    %slice3A_18 = vector.extract_strided_slice %bitcast_convert_type3A_15 {offsets = [2], sizes = [1], strides = [1]} : vector<16xf32> to vector<1xf32>
    %squeeze3A_19 = vector.extract %slice3A_18[0] : f32 from vector<1xf32>
    %slice3A_20 = vector.extract_strided_slice %bitcast_convert_type3A_15 {offsets = [3], sizes = [1], strides = [1]} : vector<16xf32> to vector<1xf32>
    %squeeze3A_21 = vector.extract %slice3A_20[0] : f32 from vector<1xf32>
    %slice3A_22 = vector.extract_strided_slice %bitcast_convert_type3A_15 {offsets = [4], sizes = [1], strides = [1]} : vector<16xf32> to vector<1xf32>
    %squeeze3A_23 = vector.extract %slice3A_22[0] : f32 from vector<1xf32>
    %slice3A_24 = vector.extract_strided_slice %bitcast_convert_type3A_15 {offsets = [5], sizes = [1], strides = [1]} : vector<16xf32> to vector<1xf32>
    %squeeze3A_25 = vector.extract %slice3A_24[0] : f32 from vector<1xf32>
    %slice3A_26 = vector.extract_strided_slice %bitcast_convert_type3A_15 {offsets = [6], sizes = [1], strides = [1]} : vector<16xf32> to vector<1xf32>
    %squeeze3A_27 = vector.extract %slice3A_26[0] : f32 from vector<1xf32>
    %slice3A_28 = vector.extract_strided_slice %bitcast_convert_type3A_15 {offsets = [7], sizes = [1], strides = [1]} : vector<16xf32> to vector<1xf32>
    %squeeze3A_29 = vector.extract %slice3A_28[0] : f32 from vector<1xf32>
    %slice3A_30 = vector.extract_strided_slice %bitcast_convert_type3A_15 {offsets = [8], sizes = [1], strides = [1]} : vector<16xf32> to vector<1xf32>
    %squeeze3A_31 = vector.extract %slice3A_30[0] : f32 from vector<1xf32>
    %slice3A_32 = vector.extract_strided_slice %bitcast_convert_type3A_15 {offsets = [9], sizes = [1], strides = [1]} : vector<16xf32> to vector<1xf32>
    %squeeze3A_33 = vector.extract %slice3A_32[0] : f32 from vector<1xf32>
    %slice3A_34 = vector.extract_strided_slice %bitcast_convert_type3A_15 {offsets = [10], sizes = [1], strides = [1]} : vector<16xf32> to vector<1xf32>
    %squeeze3A_35 = vector.extract %slice3A_34[0] : f32 from vector<1xf32>
    %slice3A_36 = vector.extract_strided_slice %bitcast_convert_type3A_15 {offsets = [11], sizes = [1], strides = [1]} : vector<16xf32> to vector<1xf32>
    %squeeze3A_37 = vector.extract %slice3A_36[0] : f32 from vector<1xf32>
    %slice3A_38 = vector.extract_strided_slice %get3A_3 {offsets = [12], sizes = [1], strides = [1]} : vector<16xf32> to vector<1xf32>
    %squeeze3A_39 = vector.extract %slice3A_38[0] : f32 from vector<1xf32>
    %slice3A_40 = vector.extract_strided_slice %get3A_3 {offsets = [13], sizes = [1], strides = [1]} : vector<16xf32> to vector<1xf32>
    %squeeze3A_41 = vector.extract %slice3A_40[0] : f32 from vector<1xf32>
    %slice3A_42 = vector.extract_strided_slice %get3A_3 {offsets = [14], sizes = [1], strides = [1]} : vector<16xf32> to vector<1xf32>
    %squeeze3A_43 = vector.extract %slice3A_42[0] : f32 from vector<1xf32>
    %iota3A = tpu.iota {dimensions = array<i32: 0>} : vector<16xi32>
    %mul3A_44 = arith.constant 512 : i32
    %mul3A_45 = arith.muli %add3A, %mul3A_44 : i32
    %parallel_loop3A = arith.constant 0 : i32
    %parallel_loop3A_46 = arith.constant 32 : i32
    %parallel_loop3A_47 = arith.constant 1 : i32
    scf.for %parallel_loop3A_259 = %parallel_loop3A to %parallel_loop3A_46 step %parallel_loop3A_47  : i32 {
      %parallel_loop3A_260 = arith.constant 16 : i32
      %parallel_loop3A_261 = arith.muli %parallel_loop3A_259, %parallel_loop3A_260 : i32
      %parallel_loop3A_262 = arith.addi %mul3A_45, %parallel_loop3A_261 : i32
      %parallel_loop3A_263 = vector.broadcast %parallel_loop3A_262 : i32 to vector<16xi32>
      %parallel_loop3A_264 = arith.addi %parallel_loop3A_263, %iota3A : vector<16xi32>
      %parallel_loop3A_265 = arith.constant 7 : i32
      %parallel_loop3A_266 = vector.broadcast %parallel_loop3A_265 : i32 to vector<16xi32>
      %parallel_loop3A_267 = arith.shrsi %parallel_loop3A_264, %parallel_loop3A_266 : vector<16xi32>
      %parallel_loop3A_268 = arith.sitofp %parallel_loop3A_267 : vector<16xi32> to vector<16xf32>
      %parallel_loop3A_269 = arith.constant 127 : i32
      %parallel_loop3A_270 = vector.broadcast %parallel_loop3A_269 : i32 to vector<16xi32>
      %parallel_loop3A_271 = arith.andi %parallel_loop3A_264, %parallel_loop3A_270 : vector<16xi32>
      %parallel_loop3A_272 = arith.sitofp %parallel_loop3A_271 : vector<16xi32> to vector<16xf32>
      %parallel_loop3A_273 = arith.constant 4.000000e-02 : f32
      %parallel_loop3A_274 = vector.broadcast %parallel_loop3A_273 : f32 to vector<16xf32>
      %parallel_loop3A_275 = arith.mulf %parallel_loop3A_268, %parallel_loop3A_274 : vector<16xf32>
      %parallel_loop3A_276 = vector.broadcast %squeeze3A_39 : f32 to vector<16xf32>
      %parallel_loop3A_277 = arith.addf %parallel_loop3A_275, %parallel_loop3A_276 : vector<16xf32>
      %parallel_loop3A_278 = tpu.bitcast %parallel_loop3A_277 : vector<16xf32> -> vector<16xi32>
      %parallel_loop3A_279 = arith.constant 32767 : i32
      %parallel_loop3A_280 = vector.broadcast %parallel_loop3A_279 : i32 to vector<16xi32>
      %parallel_loop3A_281 = arith.addi %parallel_loop3A_278, %parallel_loop3A_280 : vector<16xi32>
      %parallel_loop3A_282 = arith.constant 16 : i32
      %parallel_loop3A_283 = vector.broadcast %parallel_loop3A_282 : i32 to vector<16xi32>
      %parallel_loop3A_284 = arith.shrsi %parallel_loop3A_278, %parallel_loop3A_283 : vector<16xi32>
      %parallel_loop3A_285 = arith.constant 1 : i32
      %parallel_loop3A_286 = vector.broadcast %parallel_loop3A_285 : i32 to vector<16xi32>
      %parallel_loop3A_287 = arith.andi %parallel_loop3A_284, %parallel_loop3A_286 : vector<16xi32>
      %parallel_loop3A_288 = arith.addi %parallel_loop3A_281, %parallel_loop3A_287 : vector<16xi32>
      %parallel_loop3A_289 = arith.constant -65536 : i32
      %parallel_loop3A_290 = vector.broadcast %parallel_loop3A_289 : i32 to vector<16xi32>
      %parallel_loop3A_291 = arith.andi %parallel_loop3A_288, %parallel_loop3A_290 : vector<16xi32>
      %parallel_loop3A_292 = tpu.bitcast %parallel_loop3A_291 : vector<16xi32> -> vector<16xf32>
      %parallel_loop3A_293 = arith.constant 4.000000e-02 : f32
      %parallel_loop3A_294 = vector.broadcast %parallel_loop3A_293 : f32 to vector<16xf32>
      %parallel_loop3A_295 = arith.mulf %parallel_loop3A_272, %parallel_loop3A_294 : vector<16xf32>
      %parallel_loop3A_296 = vector.broadcast %squeeze3A_41 : f32 to vector<16xf32>
      %parallel_loop3A_297 = arith.addf %parallel_loop3A_295, %parallel_loop3A_296 : vector<16xf32>
      %parallel_loop3A_298 = tpu.bitcast %parallel_loop3A_297 : vector<16xf32> -> vector<16xi32>
      %parallel_loop3A_299 = arith.constant 32767 : i32
      %parallel_loop3A_300 = vector.broadcast %parallel_loop3A_299 : i32 to vector<16xi32>
      %parallel_loop3A_301 = arith.addi %parallel_loop3A_298, %parallel_loop3A_300 : vector<16xi32>
      %parallel_loop3A_302 = arith.constant 16 : i32
      %parallel_loop3A_303 = vector.broadcast %parallel_loop3A_302 : i32 to vector<16xi32>
      %parallel_loop3A_304 = arith.shrsi %parallel_loop3A_298, %parallel_loop3A_303 : vector<16xi32>
      %parallel_loop3A_305 = arith.constant 1 : i32
      %parallel_loop3A_306 = vector.broadcast %parallel_loop3A_305 : i32 to vector<16xi32>
      %parallel_loop3A_307 = arith.andi %parallel_loop3A_304, %parallel_loop3A_306 : vector<16xi32>
      %parallel_loop3A_308 = arith.addi %parallel_loop3A_301, %parallel_loop3A_307 : vector<16xi32>
      %parallel_loop3A_309 = arith.constant -65536 : i32
      %parallel_loop3A_310 = vector.broadcast %parallel_loop3A_309 : i32 to vector<16xi32>
      %parallel_loop3A_311 = arith.andi %parallel_loop3A_308, %parallel_loop3A_310 : vector<16xi32>
      %parallel_loop3A_312 = tpu.bitcast %parallel_loop3A_311 : vector<16xi32> -> vector<16xf32>
      %parallel_loop3A_313 = vector.broadcast %squeeze3A : f32 to vector<16xf32>
      %parallel_loop3A_314 = arith.mulf %parallel_loop3A_313, %parallel_loop3A_292 : vector<16xf32>
      %parallel_loop3A_315 = vector.broadcast %squeeze3A_17 : f32 to vector<16xf32>
      %parallel_loop3A_316 = arith.mulf %parallel_loop3A_315, %parallel_loop3A_312 : vector<16xf32>
      %parallel_loop3A_317 = arith.addf %parallel_loop3A_314, %parallel_loop3A_316 : vector<16xf32>
      %parallel_loop3A_318 = arith.constant 16 : i32
      %parallel_loop3A_319 = arith.muli %parallel_loop3A_259, %parallel_loop3A_318 : i32
      %parallel_loop3A_320 = arith.index_cast %parallel_loop3A_319 : i32 to index
      %parallel_loop3A_321 = tpu.vector_load %arg11[%parallel_loop3A_320] {strides = array<i32>} : memref<1536xf32, #tpu.memory_space<vmem>>, vector<16xf32>,
      tpu.vector_store %arg11[%parallel_loop3A_320], %parallel_loop3A_317 {strides = array<i32>} : memref<1536xf32, #tpu.memory_space<vmem>>, vector<16xf32>,
      %parallel_loop3A_322 = vector.broadcast %squeeze3A_23 : f32 to vector<16xf32>
      %parallel_loop3A_323 = arith.mulf %parallel_loop3A_322, %parallel_loop3A_292 : vector<16xf32>
      %parallel_loop3A_324 = vector.broadcast %squeeze3A_25 : f32 to vector<16xf32>
      %parallel_loop3A_325 = arith.mulf %parallel_loop3A_324, %parallel_loop3A_312 : vector<16xf32>
      %parallel_loop3A_326 = arith.addf %parallel_loop3A_323, %parallel_loop3A_325 : vector<16xf32>
      %parallel_loop3A_327 = arith.constant 16 : i32
      %parallel_loop3A_328 = arith.muli %parallel_loop3A_259, %parallel_loop3A_327 : i32
      %parallel_loop3A_329 = arith.constant 512 : i32
      %parallel_loop3A_330 = arith.addi %parallel_loop3A_329, %parallel_loop3A_328 : i32
      %parallel_loop3A_331 = arith.index_cast %parallel_loop3A_330 : i32 to index
      %parallel_loop3A_332 = tpu.vector_load %arg11[%parallel_loop3A_331] {strides = array<i32>} : memref<1536xf32, #tpu.memory_space<vmem>>, vector<16xf32>,
      tpu.vector_store %arg11[%parallel_loop3A_331], %parallel_loop3A_326 {strides = array<i32>} : memref<1536xf32, #tpu.memory_space<vmem>>, vector<16xf32>,
      %parallel_loop3A_333 = vector.broadcast %squeeze3A_31 : f32 to vector<16xf32>
      %parallel_loop3A_334 = arith.mulf %parallel_loop3A_333, %parallel_loop3A_292 : vector<16xf32>
      %parallel_loop3A_335 = vector.broadcast %squeeze3A_33 : f32 to vector<16xf32>
      %parallel_loop3A_336 = arith.mulf %parallel_loop3A_335, %parallel_loop3A_312 : vector<16xf32>
      %parallel_loop3A_337 = arith.addf %parallel_loop3A_334, %parallel_loop3A_336 : vector<16xf32>
      %parallel_loop3A_338 = arith.constant 16 : i32
      %parallel_loop3A_339 = arith.muli %parallel_loop3A_259, %parallel_loop3A_338 : i32
      %parallel_loop3A_340 = arith.constant 1024 : i32
      %parallel_loop3A_341 = arith.addi %parallel_loop3A_340, %parallel_loop3A_339 : i32
      %parallel_loop3A_342 = arith.index_cast %parallel_loop3A_341 : i32 to index
      %parallel_loop3A_343 = tpu.vector_load %arg11[%parallel_loop3A_342] {strides = array<i32>} : memref<1536xf32, #tpu.memory_space<vmem>>, vector<16xf32>,
      tpu.vector_store %arg11[%parallel_loop3A_342], %parallel_loop3A_337 {strides = array<i32>} : memref<1536xf32, #tpu.memory_space<vmem>>, vector<16xf32>,
    } {sc.loop_unroll_factor = 2 : i64, sc.parallel_access}
    %add3A_48 = arith.constant 0 : i32
    %add3A_49 = vector.broadcast %add3A_48 : i32 to vector<16xi32>
    %add3A_50 = arith.addi %add3A_49, %iota3A : vector<16xi32>
    %convert_element_type3A = arith.sitofp %add3A_50 : vector<16xi32> to vector<16xf32>
    %mul3A_51 = arith.constant 4.000000e-02 : f32
    %mul3A_52 = vector.broadcast %mul3A_51 : f32 to vector<16xf32>
    %mul3A_53 = arith.mulf %convert_element_type3A, %mul3A_52 : vector<16xf32>
    %add3A_54 = vector.broadcast %squeeze3A_43 : f32 to vector<16xf32>
    %add3A_55 = arith.addf %mul3A_53, %add3A_54 : vector<16xf32>
    %bitcast_convert_type3A_56 = tpu.bitcast %add3A_55 : vector<16xf32> -> vector<16xi32>
    %add3A_57 = arith.constant 32767 : i32
    %add3A_58 = vector.broadcast %add3A_57 : i32 to vector<16xi32>
    %add3A_59 = arith.addi %bitcast_convert_type3A_56, %add3A_58 : vector<16xi32>
    %shift_right_arithmetic3A_60 = arith.constant 16 : i32
    %shift_right_arithmetic3A_61 = vector.broadcast %shift_right_arithmetic3A_60 : i32 to vector<16xi32>
    %shift_right_arithmetic3A_62 = arith.shrsi %bitcast_convert_type3A_56, %shift_right_arithmetic3A_61 : vector<16xi32>
    %and3A_63 = arith.constant 1 : i32
    %and3A_64 = vector.broadcast %and3A_63 : i32 to vector<16xi32>
    %and3A_65 = arith.andi %shift_right_arithmetic3A_62, %and3A_64 : vector<16xi32>
    %add3A_66 = arith.addi %add3A_59, %and3A_65 : vector<16xi32>
    %and3A_67 = arith.constant -65536 : i32
    %and3A_68 = vector.broadcast %and3A_67 : i32 to vector<16xi32>
    %and3A_69 = arith.andi %add3A_66, %and3A_68 : vector<16xi32>
    %bitcast_convert_type3A_70 = tpu.bitcast %and3A_69 : vector<16xi32> -> vector<16xf32>
    %mul3A_71 = vector.broadcast %squeeze3A_19 : f32 to vector<16xf32>
    %mul3A_72 = arith.mulf %mul3A_71, %bitcast_convert_type3A_70 : vector<16xf32>
    %mul3A_73 = vector.broadcast %squeeze3A_27 : f32 to vector<16xf32>
    %mul3A_74 = arith.mulf %mul3A_73, %bitcast_convert_type3A_70 : vector<16xf32>
    %mul3A_75 = vector.broadcast %squeeze3A_35 : f32 to vector<16xf32>
    %mul3A_76 = arith.mulf %mul3A_75, %bitcast_convert_type3A_70 : vector<16xf32>
    %add3A_77 = arith.constant 0 : i32
    %add3A_78 = vector.broadcast %add3A_77 : i32 to vector<16xi32>
    %add3A_79 = arith.addi %add3A_78, %iota3A : vector<16xi32>
    %mul3A_80 = arith.constant 128 : i32
    %mul3A_81 = vector.broadcast %mul3A_80 : i32 to vector<16xi32>
    %mul3A_82 = arith.muli %add3A_79, %mul3A_81 : vector<16xi32>
    %add3A_83 = arith.constant 16 : i32
    %add3A_84 = vector.broadcast %add3A_83 : i32 to vector<16xi32>
    %add3A_85 = arith.addi %add3A_84, %iota3A : vector<16xi32>
    %convert_element_type3A_86 = arith.sitofp %add3A_85 : vector<16xi32> to vector<16xf32>
    %mul3A_87 = arith.constant 4.000000e-02 : f32
    %mul3A_88 = vector.broadcast %mul3A_87 : f32 to vector<16xf32>
    %mul3A_89 = arith.mulf %convert_element_type3A_86, %mul3A_88 : vector<16xf32>
    %add3A_90 = vector.broadcast %squeeze3A_43 : f32 to vector<16xf32>
    %add3A_91 = arith.addf %mul3A_89, %add3A_90 : vector<16xf32>
    %bitcast_convert_type3A_92 = tpu.bitcast %add3A_91 : vector<16xf32> -> vector<16xi32>
    %add3A_93 = arith.constant 32767 : i32
    %add3A_94 = vector.broadcast %add3A_93 : i32 to vector<16xi32>
    %add3A_95 = arith.addi %bitcast_convert_type3A_92, %add3A_94 : vector<16xi32>
    %shift_right_arithmetic3A_96 = arith.constant 16 : i32
    %shift_right_arithmetic3A_97 = vector.broadcast %shift_right_arithmetic3A_96 : i32 to vector<16xi32>
    %shift_right_arithmetic3A_98 = arith.shrsi %bitcast_convert_type3A_92, %shift_right_arithmetic3A_97 : vector<16xi32>
    %and3A_99 = arith.constant 1 : i32
    %and3A_100 = vector.broadcast %and3A_99 : i32 to vector<16xi32>
    %and3A_101 = arith.andi %shift_right_arithmetic3A_98, %and3A_100 : vector<16xi32>
    %add3A_102 = arith.addi %add3A_95, %and3A_101 : vector<16xi32>
    %and3A_103 = arith.constant -65536 : i32
    %and3A_104 = vector.broadcast %and3A_103 : i32 to vector<16xi32>
    %and3A_105 = arith.andi %add3A_102, %and3A_104 : vector<16xi32>
    %bitcast_convert_type3A_106 = tpu.bitcast %and3A_105 : vector<16xi32> -> vector<16xf32>
    %mul3A_107 = vector.broadcast %squeeze3A_19 : f32 to vector<16xf32>
    %mul3A_108 = arith.mulf %mul3A_107, %bitcast_convert_type3A_106 : vector<16xf32>
    %mul3A_109 = vector.broadcast %squeeze3A_27 : f32 to vector<16xf32>
    %mul3A_110 = arith.mulf %mul3A_109, %bitcast_convert_type3A_106 : vector<16xf32>
    %mul3A_111 = vector.broadcast %squeeze3A_35 : f32 to vector<16xf32>
    %mul3A_112 = arith.mulf %mul3A_111, %bitcast_convert_type3A_106 : vector<16xf32>
    %add3A_113 = arith.constant 16 : i32
    %add3A_114 = vector.broadcast %add3A_113 : i32 to vector<16xi32>
    %add3A_115 = arith.addi %add3A_114, %iota3A : vector<16xi32>
    %mul3A_116 = arith.constant 128 : i32
    %mul3A_117 = vector.broadcast %mul3A_116 : i32 to vector<16xi32>
    %mul3A_118 = arith.muli %add3A_115, %mul3A_117 : vector<16xi32>
    %add3A_119 = arith.constant 32 : i32
    %add3A_120 = vector.broadcast %add3A_119 : i32 to vector<16xi32>
    %add3A_121 = arith.addi %add3A_120, %iota3A : vector<16xi32>
    %convert_element_type3A_122 = arith.sitofp %add3A_121 : vector<16xi32> to vector<16xf32>
    %mul3A_123 = arith.constant 4.000000e-02 : f32
    %mul3A_124 = vector.broadcast %mul3A_123 : f32 to vector<16xf32>
    %mul3A_125 = arith.mulf %convert_element_type3A_122, %mul3A_124 : vector<16xf32>
    %add3A_126 = vector.broadcast %squeeze3A_43 : f32 to vector<16xf32>
    %add3A_127 = arith.addf %mul3A_125, %add3A_126 : vector<16xf32>
    %bitcast_convert_type3A_128 = tpu.bitcast %add3A_127 : vector<16xf32> -> vector<16xi32>
    %add3A_129 = arith.constant 32767 : i32
    %add3A_130 = vector.broadcast %add3A_129 : i32 to vector<16xi32>
    %add3A_131 = arith.addi %bitcast_convert_type3A_128, %add3A_130 : vector<16xi32>
    %shift_right_arithmetic3A_132 = arith.constant 16 : i32
    %shift_right_arithmetic3A_133 = vector.broadcast %shift_right_arithmetic3A_132 : i32 to vector<16xi32>
    %shift_right_arithmetic3A_134 = arith.shrsi %bitcast_convert_type3A_128, %shift_right_arithmetic3A_133 : vector<16xi32>
    %and3A_135 = arith.constant 1 : i32
    %and3A_136 = vector.broadcast %and3A_135 : i32 to vector<16xi32>
    %and3A_137 = arith.andi %shift_right_arithmetic3A_134, %and3A_136 : vector<16xi32>
    %add3A_138 = arith.addi %add3A_131, %and3A_137 : vector<16xi32>
    %and3A_139 = arith.constant -65536 : i32
    %and3A_140 = vector.broadcast %and3A_139 : i32 to vector<16xi32>
    %and3A_141 = arith.andi %add3A_138, %and3A_140 : vector<16xi32>
    %bitcast_convert_type3A_142 = tpu.bitcast %and3A_141 : vector<16xi32> -> vector<16xf32>
    %mul3A_143 = vector.broadcast %squeeze3A_19 : f32 to vector<16xf32>
    %mul3A_144 = arith.mulf %mul3A_143, %bitcast_convert_type3A_142 : vector<16xf32>
    %mul3A_145 = vector.broadcast %squeeze3A_27 : f32 to vector<16xf32>
    %mul3A_146 = arith.mulf %mul3A_145, %bitcast_convert_type3A_142 : vector<16xf32>
    %mul3A_147 = vector.broadcast %squeeze3A_35 : f32 to vector<16xf32>
    %mul3A_148 = arith.mulf %mul3A_147, %bitcast_convert_type3A_142 : vector<16xf32>
    %add3A_149 = arith.constant 32 : i32
    %add3A_150 = vector.broadcast %add3A_149 : i32 to vector<16xi32>
    %add3A_151 = arith.addi %add3A_150, %iota3A : vector<16xi32>
    %mul3A_152 = arith.constant 128 : i32
    %mul3A_153 = vector.broadcast %mul3A_152 : i32 to vector<16xi32>
    %mul3A_154 = arith.muli %add3A_151, %mul3A_153 : vector<16xi32>
    %add3A_155 = arith.constant 48 : i32
    %add3A_156 = vector.broadcast %add3A_155 : i32 to vector<16xi32>
    %add3A_157 = arith.addi %add3A_156, %iota3A : vector<16xi32>
    %convert_element_type3A_158 = arith.sitofp %add3A_157 : vector<16xi32> to vector<16xf32>
    %mul3A_159 = arith.constant 4.000000e-02 : f32
    %mul3A_160 = vector.broadcast %mul3A_159 : f32 to vector<16xf32>
    %mul3A_161 = arith.mulf %convert_element_type3A_158, %mul3A_160 : vector<16xf32>
    %add3A_162 = vector.broadcast %squeeze3A_43 : f32 to vector<16xf32>
    %add3A_163 = arith.addf %mul3A_161, %add3A_162 : vector<16xf32>
    %bitcast_convert_type3A_164 = tpu.bitcast %add3A_163 : vector<16xf32> -> vector<16xi32>
    %add3A_165 = arith.constant 32767 : i32
    %add3A_166 = vector.broadcast %add3A_165 : i32 to vector<16xi32>
    %add3A_167 = arith.addi %bitcast_convert_type3A_164, %add3A_166 : vector<16xi32>
    %shift_right_arithmetic3A_168 = arith.constant 16 : i32
    %shift_right_arithmetic3A_169 = vector.broadcast %shift_right_arithmetic3A_168 : i32 to vector<16xi32>
    %shift_right_arithmetic3A_170 = arith.shrsi %bitcast_convert_type3A_164, %shift_right_arithmetic3A_169 : vector<16xi32>
    %and3A_171 = arith.constant 1 : i32
    %and3A_172 = vector.broadcast %and3A_171 : i32 to vector<16xi32>
    %and3A_173 = arith.andi %shift_right_arithmetic3A_170, %and3A_172 : vector<16xi32>
    %add3A_174 = arith.addi %add3A_167, %and3A_173 : vector<16xi32>
    %and3A_175 = arith.constant -65536 : i32
    %and3A_176 = vector.broadcast %and3A_175 : i32 to vector<16xi32>
    %and3A_177 = arith.andi %add3A_174, %and3A_176 : vector<16xi32>
    %bitcast_convert_type3A_178 = tpu.bitcast %and3A_177 : vector<16xi32> -> vector<16xf32>
    %mul3A_179 = vector.broadcast %squeeze3A_19 : f32 to vector<16xf32>
    %mul3A_180 = arith.mulf %mul3A_179, %bitcast_convert_type3A_178 : vector<16xf32>
    %mul3A_181 = vector.broadcast %squeeze3A_27 : f32 to vector<16xf32>
    %mul3A_182 = arith.mulf %mul3A_181, %bitcast_convert_type3A_178 : vector<16xf32>
    %mul3A_183 = vector.broadcast %squeeze3A_35 : f32 to vector<16xf32>
    %mul3A_184 = arith.mulf %mul3A_183, %bitcast_convert_type3A_178 : vector<16xf32>
    %add3A_185 = arith.constant 48 : i32
    %add3A_186 = vector.broadcast %add3A_185 : i32 to vector<16xi32>
    %add3A_187 = arith.addi %add3A_186, %iota3A : vector<16xi32>
    %mul3A_188 = arith.constant 128 : i32
    %mul3A_189 = vector.broadcast %mul3A_188 : i32 to vector<16xi32>
    %mul3A_190 = arith.muli %add3A_187, %mul3A_189 : vector<16xi32>
    %scan3A = arith.constant 0 : i32
    %scan3A_191 = arith.constant 0 : i32
    %scan3A_192 = arith.constant 2 : i32
    %scan3A_193 = arith.addi %scan3A_191, %scan3A_192 : i32
    %scan3A_194 = arith.constant 1 : i32
    scf.for %scan3A_259 = %scan3A_191 to %scan3A_193 step %scan3A_194  : i32 {
      %mul3A_260 = arith.constant 2 : i32
      %mul3A_261 = arith.muli %scan3A_259, %mul3A_260 : i32
      %add3A_262 = arith.constant 0 : i32
      %add3A_263 = arith.addi %mul3A_261, %add3A_262 : i32
      %ge3A = arith.constant 1 : i32
      %ge3A_264 = arith.cmpi sge, %scan3A_259, %ge3A : i32
      %convert_element_type3A_265 = arith.extui %ge3A_264 : i1 to i32
      %cond3A = arith.constant 0 : i32
      %cond3A_266 = arith.cmpi ne, %convert_element_type3A_265, %cond3A : i32
      scf.if %cond3A_266 {
        %dma_wait3A_305 = arith.constant 0 : i32
        %dma_wait3A_306 = arith.constant 0 : i32
        %dma_wait3A_307 = tpu.memref_slice %arg10[%dma_wait3A_305, %dma_wait3A_306] : memref<2x8192xf32, #tpu.memory_space<vmem>> -> memref<1x8192xf32, #tpu.memory_space<vmem>>
        %dma_wait3A_308 = tpu.memref_squeeze %dma_wait3A_307 : memref<1x8192xf32, #tpu.memory_space<vmem>> -> memref<8192xf32, #tpu.memory_space<vmem>>
        %dma_wait3A_309 = tpu.memref_slice %arg5[%mul3A_2] : memref<1048576xf32, #tpu.memory_space<hbm>> -> memref<8192xf32, #tpu.memory_space<hbm>>
        %dma_wait3A_310 = tpu.memref_slice %arg5[%mul3A_2] : memref<1048576xf32, #tpu.memory_space<hbm>> -> memref<8192xf32, #tpu.memory_space<hbm>>
        %dma_wait3A_311 = arith.constant 0 : i32
        %dma_wait3A_312 = tpu.memref_slice %arg10[%dma_wait3A_305, %dma_wait3A_311] : memref<2x8192xf32, #tpu.memory_space<vmem>> -> memref<1x8192xf32, #tpu.memory_space<vmem>>
        %dma_wait3A_313 = tpu.memref_squeeze %dma_wait3A_312 : memref<1x8192xf32, #tpu.memory_space<vmem>> -> memref<8192xf32, #tpu.memory_space<vmem>>
        tpu.wait_dma2 semaphore(%arg12 : memref<!tpu.dma_semaphore, #tpu.memory_space<semaphore_mem>>) src(%dma_wait3A_313 : memref<8192xf32, #tpu.memory_space<vmem>>) dst(%dma_wait3A_310 : memref<8192xf32, #tpu.memory_space<hbm>>)
      } else {
      }
      %parallel_loop3A_267 = arith.constant 0 : i32
      %parallel_loop3A_268 = arith.constant 128 : i32
      %parallel_loop3A_269 = arith.constant 1 : i32
      scf.for %parallel_loop3A_305 = %parallel_loop3A_267 to %parallel_loop3A_268 step %parallel_loop3A_269  : i32 {
        %parallel_loop3A_306 = arith.constant 128 : i32
        %parallel_loop3A_307 = arith.muli %add3A_263, %parallel_loop3A_306 : i32
        %parallel_loop3A_308 = arith.addi %parallel_loop3A_307, %parallel_loop3A_305 : i32
        %parallel_loop3A_309 = vector.broadcast %parallel_loop3A_308 : i32 to vector<16xi32>
        %parallel_loop3A_310 = tpu.vector_load_idx %arg11[%parallel_loop3A_309] : memref<1536xf32, #tpu.memory_space<vmem>>[vector<16xi32>], vector<16xf32>,
        %parallel_loop3A_311 = arith.constant 512 : i32
        %parallel_loop3A_312 = vector.broadcast %parallel_loop3A_311 : i32 to vector<16xi32>
        %parallel_loop3A_313 = arith.addi %parallel_loop3A_309, %parallel_loop3A_312 : vector<16xi32>
        %parallel_loop3A_314 = tpu.vector_load_idx %arg11[%parallel_loop3A_313] : memref<1536xf32, #tpu.memory_space<vmem>>[vector<16xi32>], vector<16xf32>,
        %parallel_loop3A_315 = arith.constant 1024 : i32
        %parallel_loop3A_316 = vector.broadcast %parallel_loop3A_315 : i32 to vector<16xi32>
        %parallel_loop3A_317 = arith.addi %parallel_loop3A_309, %parallel_loop3A_316 : vector<16xi32>
        %parallel_loop3A_318 = tpu.vector_load_idx %arg11[%parallel_loop3A_317] : memref<1536xf32, #tpu.memory_space<vmem>>[vector<16xi32>], vector<16xf32>,
        %parallel_loop3A_319 = arith.addf %parallel_loop3A_310, %mul3A_72 : vector<16xf32>
        %parallel_loop3A_320 = vector.broadcast %squeeze3A_21 : f32 to vector<16xf32>
        %parallel_loop3A_321 = arith.addf %parallel_loop3A_319, %parallel_loop3A_320 : vector<16xf32>
        %parallel_loop3A_322 = arith.addf %parallel_loop3A_314, %mul3A_74 : vector<16xf32>
        %parallel_loop3A_323 = vector.broadcast %squeeze3A_29 : f32 to vector<16xf32>
        %parallel_loop3A_324 = arith.addf %parallel_loop3A_322, %parallel_loop3A_323 : vector<16xf32>
        %parallel_loop3A_325 = arith.addf %parallel_loop3A_318, %mul3A_76 : vector<16xf32>
        %parallel_loop3A_326 = vector.broadcast %squeeze3A_37 : f32 to vector<16xf32>
        %parallel_loop3A_327 = arith.addf %parallel_loop3A_325, %parallel_loop3A_326 : vector<16xf32>
        %parallel_loop3A_328 = arith.constant 1.000000e+00 : f32
        %parallel_loop3A_329 = vector.broadcast %parallel_loop3A_328 : f32 to vector<16xf32>
        %parallel_loop3A_330 = arith.divf %parallel_loop3A_329, %parallel_loop3A_327 : vector<16xf32>
        %parallel_loop3A_331 = arith.mulf %parallel_loop3A_321, %parallel_loop3A_330 : vector<16xf32>
        %parallel_loop3A_332 = arith.mulf %parallel_loop3A_324, %parallel_loop3A_330 : vector<16xf32>
        %parallel_loop3A_333 = arith.constant 0x4B400000 : f32
        %parallel_loop3A_334 = vector.broadcast %parallel_loop3A_333 : f32 to vector<16xf32>
        %parallel_loop3A_335 = arith.addf %parallel_loop3A_331, %parallel_loop3A_334 : vector<16xf32>
        %parallel_loop3A_336 = arith.constant 0x4B400000 : f32
        %parallel_loop3A_337 = vector.broadcast %parallel_loop3A_336 : f32 to vector<16xf32>
        %parallel_loop3A_338 = arith.subf %parallel_loop3A_335, %parallel_loop3A_337 : vector<16xf32>
        %parallel_loop3A_339 = arith.constant 0x4B400000 : f32
        %parallel_loop3A_340 = vector.broadcast %parallel_loop3A_339 : f32 to vector<16xf32>
        %parallel_loop3A_341 = arith.addf %parallel_loop3A_332, %parallel_loop3A_340 : vector<16xf32>
        %parallel_loop3A_342 = arith.constant 0x4B400000 : f32
        %parallel_loop3A_343 = vector.broadcast %parallel_loop3A_342 : f32 to vector<16xf32>
        %parallel_loop3A_344 = arith.subf %parallel_loop3A_341, %parallel_loop3A_343 : vector<16xf32>
        %parallel_loop3A_345 = arith.constant 0.000000e+00 : f32
        %parallel_loop3A_346 = vector.broadcast %parallel_loop3A_345 : f32 to vector<16xf32>
        %parallel_loop3A_347 = arith.cmpf oge, %parallel_loop3A_338, %parallel_loop3A_346 : vector<16xf32>
        %parallel_loop3A_348 = arith.constant 0.000000e+00 : f32
        %parallel_loop3A_349 = vector.broadcast %parallel_loop3A_348 : f32 to vector<16xf32>
        %parallel_loop3A_350 = arith.cmpf oge, %parallel_loop3A_344, %parallel_loop3A_349 : vector<16xf32>
        %parallel_loop3A_351 = arith.andi %parallel_loop3A_347, %parallel_loop3A_350 : vector<16xi1>
        %parallel_loop3A_352 = arith.constant 1.600000e+02 : f32
        %parallel_loop3A_353 = vector.broadcast %parallel_loop3A_352 : f32 to vector<16xf32>
        %parallel_loop3A_354 = arith.cmpf olt, %parallel_loop3A_338, %parallel_loop3A_353 : vector<16xf32>
        %parallel_loop3A_355 = arith.andi %parallel_loop3A_351, %parallel_loop3A_354 : vector<16xi1>
        %parallel_loop3A_356 = arith.constant 1.200000e+02 : f32
        %parallel_loop3A_357 = vector.broadcast %parallel_loop3A_356 : f32 to vector<16xf32>
        %parallel_loop3A_358 = arith.cmpf olt, %parallel_loop3A_344, %parallel_loop3A_357 : vector<16xf32>
        %parallel_loop3A_359 = arith.andi %parallel_loop3A_355, %parallel_loop3A_358 : vector<16xi1>
        %parallel_loop3A_360 = arith.constant 0.000000e+00 : f32
        %parallel_loop3A_361 = vector.broadcast %parallel_loop3A_360 : f32 to vector<16xf32>
        %parallel_loop3A_362 = arith.cmpf ogt, %parallel_loop3A_327, %parallel_loop3A_361 : vector<16xf32>
        %parallel_loop3A_363 = arith.andi %parallel_loop3A_359, %parallel_loop3A_362 : vector<16xi1>
        %parallel_loop3A_364 = arith.constant 1.600000e+02 : f32
        %parallel_loop3A_365 = vector.broadcast %parallel_loop3A_364 : f32 to vector<16xf32>
        %parallel_loop3A_366 = arith.mulf %parallel_loop3A_344, %parallel_loop3A_365 : vector<16xf32>
        %parallel_loop3A_367 = arith.addf %parallel_loop3A_366, %parallel_loop3A_338 : vector<16xf32>
        %parallel_loop3A_368 = arith.fptosi %parallel_loop3A_367 : vector<16xf32> to vector<16xi32>
        %parallel_loop3A_369 = vector.broadcast %parallel_loop3A_305 : i32 to vector<16xi32>
        %parallel_loop3A_370 = arith.addi %mul3A_82, %parallel_loop3A_369 : vector<16xi32>
        %parallel_loop3A_371 = arith.constant 8192 : i32
        %parallel_loop3A_372 = arith.muli %add3A_263, %parallel_loop3A_371 : i32
        %parallel_loop3A_373 = vector.broadcast %parallel_loop3A_372 : i32 to vector<16xi32>
        %parallel_loop3A_374 = arith.addi %parallel_loop3A_373, %parallel_loop3A_370 : vector<16xi32>
        %parallel_loop3A_375 = arith.constant 19200 : i32
        %parallel_loop3A_376 = vector.broadcast %parallel_loop3A_375 : i32 to vector<16xi32>
        %parallel_loop3A_377 = arith.select %parallel_loop3A_363, %parallel_loop3A_368, %parallel_loop3A_376 : vector<16xi1>, vector<16xi32>
        tpu.vector_store_idx %arg8[%parallel_loop3A_374], %parallel_loop3A_377 : memref<32768xi32, #tpu.memory_space<vmem>>[vector<16xi32>], vector<16xi32>,
        %parallel_loop3A_378 = arith.constant 0 : i32
        %parallel_loop3A_379 = vector.broadcast %parallel_loop3A_378 : i32 to vector<16xi32>
        %parallel_loop3A_380 = arith.constant 1.000000e+00 : f32
        %parallel_loop3A_381 = arith.constant 0.000000e+00 : f32
        %parallel_loop3A_382 = vector.broadcast %parallel_loop3A_380 : f32 to vector<16xf32>
        %parallel_loop3A_383 = vector.broadcast %parallel_loop3A_381 : f32 to vector<16xf32>
        %parallel_loop3A_384 = arith.select %parallel_loop3A_363, %parallel_loop3A_382, %parallel_loop3A_383 : vector<16xi1>, vector<16xf32>
        tpu.vector_store_idx %arg10[%parallel_loop3A_379, %parallel_loop3A_370], %parallel_loop3A_384 : memref<2x8192xf32, #tpu.memory_space<vmem>>[vector<16xi32>, vector<16xi32>], vector<16xf32>,
        %parallel_loop3A_385 = arith.addf %parallel_loop3A_310, %mul3A_108 : vector<16xf32>
        %parallel_loop3A_386 = vector.broadcast %squeeze3A_21 : f32 to vector<16xf32>
        %parallel_loop3A_387 = arith.addf %parallel_loop3A_385, %parallel_loop3A_386 : vector<16xf32>
        %parallel_loop3A_388 = arith.addf %parallel_loop3A_314, %mul3A_110 : vector<16xf32>
        %parallel_loop3A_389 = vector.broadcast %squeeze3A_29 : f32 to vector<16xf32>
        %parallel_loop3A_390 = arith.addf %parallel_loop3A_388, %parallel_loop3A_389 : vector<16xf32>
        %parallel_loop3A_391 = arith.addf %parallel_loop3A_318, %mul3A_112 : vector<16xf32>
        %parallel_loop3A_392 = vector.broadcast %squeeze3A_37 : f32 to vector<16xf32>
        %parallel_loop3A_393 = arith.addf %parallel_loop3A_391, %parallel_loop3A_392 : vector<16xf32>
        %parallel_loop3A_394 = arith.constant 1.000000e+00 : f32
        %parallel_loop3A_395 = vector.broadcast %parallel_loop3A_394 : f32 to vector<16xf32>
        %parallel_loop3A_396 = arith.divf %parallel_loop3A_395, %parallel_loop3A_393 : vector<16xf32>
        %parallel_loop3A_397 = arith.mulf %parallel_loop3A_387, %parallel_loop3A_396 : vector<16xf32>
        %parallel_loop3A_398 = arith.mulf %parallel_loop3A_390, %parallel_loop3A_396 : vector<16xf32>
        %parallel_loop3A_399 = arith.constant 0x4B400000 : f32
        %parallel_loop3A_400 = vector.broadcast %parallel_loop3A_399 : f32 to vector<16xf32>
        %parallel_loop3A_401 = arith.addf %parallel_loop3A_397, %parallel_loop3A_400 : vector<16xf32>
        %parallel_loop3A_402 = arith.constant 0x4B400000 : f32
        %parallel_loop3A_403 = vector.broadcast %parallel_loop3A_402 : f32 to vector<16xf32>
        %parallel_loop3A_404 = arith.subf %parallel_loop3A_401, %parallel_loop3A_403 : vector<16xf32>
        %parallel_loop3A_405 = arith.constant 0x4B400000 : f32
        %parallel_loop3A_406 = vector.broadcast %parallel_loop3A_405 : f32 to vector<16xf32>
        %parallel_loop3A_407 = arith.addf %parallel_loop3A_398, %parallel_loop3A_406 : vector<16xf32>
        %parallel_loop3A_408 = arith.constant 0x4B400000 : f32
        %parallel_loop3A_409 = vector.broadcast %parallel_loop3A_408 : f32 to vector<16xf32>
        %parallel_loop3A_410 = arith.subf %parallel_loop3A_407, %parallel_loop3A_409 : vector<16xf32>
        %parallel_loop3A_411 = arith.constant 0.000000e+00 : f32
        %parallel_loop3A_412 = vector.broadcast %parallel_loop3A_411 : f32 to vector<16xf32>
        %parallel_loop3A_413 = arith.cmpf oge, %parallel_loop3A_404, %parallel_loop3A_412 : vector<16xf32>
        %parallel_loop3A_414 = arith.constant 0.000000e+00 : f32
        %parallel_loop3A_415 = vector.broadcast %parallel_loop3A_414 : f32 to vector<16xf32>
        %parallel_loop3A_416 = arith.cmpf oge, %parallel_loop3A_410, %parallel_loop3A_415 : vector<16xf32>
        %parallel_loop3A_417 = arith.andi %parallel_loop3A_413, %parallel_loop3A_416 : vector<16xi1>
        %parallel_loop3A_418 = arith.constant 1.600000e+02 : f32
        %parallel_loop3A_419 = vector.broadcast %parallel_loop3A_418 : f32 to vector<16xf32>
        %parallel_loop3A_420 = arith.cmpf olt, %parallel_loop3A_404, %parallel_loop3A_419 : vector<16xf32>
        %parallel_loop3A_421 = arith.andi %parallel_loop3A_417, %parallel_loop3A_420 : vector<16xi1>
        %parallel_loop3A_422 = arith.constant 1.200000e+02 : f32
        %parallel_loop3A_423 = vector.broadcast %parallel_loop3A_422 : f32 to vector<16xf32>
        %parallel_loop3A_424 = arith.cmpf olt, %parallel_loop3A_410, %parallel_loop3A_423 : vector<16xf32>
        %parallel_loop3A_425 = arith.andi %parallel_loop3A_421, %parallel_loop3A_424 : vector<16xi1>
        %parallel_loop3A_426 = arith.constant 0.000000e+00 : f32
        %parallel_loop3A_427 = vector.broadcast %parallel_loop3A_426 : f32 to vector<16xf32>
        %parallel_loop3A_428 = arith.cmpf ogt, %parallel_loop3A_393, %parallel_loop3A_427 : vector<16xf32>
        %parallel_loop3A_429 = arith.andi %parallel_loop3A_425, %parallel_loop3A_428 : vector<16xi1>
        %parallel_loop3A_430 = arith.constant 1.600000e+02 : f32
        %parallel_loop3A_431 = vector.broadcast %parallel_loop3A_430 : f32 to vector<16xf32>
        %parallel_loop3A_432 = arith.mulf %parallel_loop3A_410, %parallel_loop3A_431 : vector<16xf32>
        %parallel_loop3A_433 = arith.addf %parallel_loop3A_432, %parallel_loop3A_404 : vector<16xf32>
        %parallel_loop3A_434 = arith.fptosi %parallel_loop3A_433 : vector<16xf32> to vector<16xi32>
        %parallel_loop3A_435 = vector.broadcast %parallel_loop3A_305 : i32 to vector<16xi32>
        %parallel_loop3A_436 = arith.addi %mul3A_118, %parallel_loop3A_435 : vector<16xi32>
        %parallel_loop3A_437 = arith.constant 8192 : i32
        %parallel_loop3A_438 = arith.muli %add3A_263, %parallel_loop3A_437 : i32
        %parallel_loop3A_439 = vector.broadcast %parallel_loop3A_438 : i32 to vector<16xi32>
        %parallel_loop3A_440 = arith.addi %parallel_loop3A_439, %parallel_loop3A_436 : vector<16xi32>
        %parallel_loop3A_441 = arith.constant 19200 : i32
        %parallel_loop3A_442 = vector.broadcast %parallel_loop3A_441 : i32 to vector<16xi32>
        %parallel_loop3A_443 = arith.select %parallel_loop3A_429, %parallel_loop3A_434, %parallel_loop3A_442 : vector<16xi1>, vector<16xi32>
        tpu.vector_store_idx %arg8[%parallel_loop3A_440], %parallel_loop3A_443 : memref<32768xi32, #tpu.memory_space<vmem>>[vector<16xi32>], vector<16xi32>,
        %parallel_loop3A_444 = arith.constant 0 : i32
        %parallel_loop3A_445 = vector.broadcast %parallel_loop3A_444 : i32 to vector<16xi32>
        %parallel_loop3A_446 = arith.constant 1.000000e+00 : f32
        %parallel_loop3A_447 = arith.constant 0.000000e+00 : f32
        %parallel_loop3A_448 = vector.broadcast %parallel_loop3A_446 : f32 to vector<16xf32>
        %parallel_loop3A_449 = vector.broadcast %parallel_loop3A_447 : f32 to vector<16xf32>
        %parallel_loop3A_450 = arith.select %parallel_loop3A_429, %parallel_loop3A_448, %parallel_loop3A_449 : vector<16xi1>, vector<16xf32>
        tpu.vector_store_idx %arg10[%parallel_loop3A_445, %parallel_loop3A_436], %parallel_loop3A_450 : memref<2x8192xf32, #tpu.memory_space<vmem>>[vector<16xi32>, vector<16xi32>], vector<16xf32>,
        %parallel_loop3A_451 = arith.addf %parallel_loop3A_310, %mul3A_144 : vector<16xf32>
        %parallel_loop3A_452 = vector.broadcast %squeeze3A_21 : f32 to vector<16xf32>
        %parallel_loop3A_453 = arith.addf %parallel_loop3A_451, %parallel_loop3A_452 : vector<16xf32>
        %parallel_loop3A_454 = arith.addf %parallel_loop3A_314, %mul3A_146 : vector<16xf32>
        %parallel_loop3A_455 = vector.broadcast %squeeze3A_29 : f32 to vector<16xf32>
        %parallel_loop3A_456 = arith.addf %parallel_loop3A_454, %parallel_loop3A_455 : vector<16xf32>
        %parallel_loop3A_457 = arith.addf %parallel_loop3A_318, %mul3A_148 : vector<16xf32>
        %parallel_loop3A_458 = vector.broadcast %squeeze3A_37 : f32 to vector<16xf32>
        %parallel_loop3A_459 = arith.addf %parallel_loop3A_457, %parallel_loop3A_458 : vector<16xf32>
        %parallel_loop3A_460 = arith.constant 1.000000e+00 : f32
        %parallel_loop3A_461 = vector.broadcast %parallel_loop3A_460 : f32 to vector<16xf32>
        %parallel_loop3A_462 = arith.divf %parallel_loop3A_461, %parallel_loop3A_459 : vector<16xf32>
        %parallel_loop3A_463 = arith.mulf %parallel_loop3A_453, %parallel_loop3A_462 : vector<16xf32>
        %parallel_loop3A_464 = arith.mulf %parallel_loop3A_456, %parallel_loop3A_462 : vector<16xf32>
        %parallel_loop3A_465 = arith.constant 0x4B400000 : f32
        %parallel_loop3A_466 = vector.broadcast %parallel_loop3A_465 : f32 to vector<16xf32>
        %parallel_loop3A_467 = arith.addf %parallel_loop3A_463, %parallel_loop3A_466 : vector<16xf32>
        %parallel_loop3A_468 = arith.constant 0x4B400000 : f32
        %parallel_loop3A_469 = vector.broadcast %parallel_loop3A_468 : f32 to vector<16xf32>
        %parallel_loop3A_470 = arith.subf %parallel_loop3A_467, %parallel_loop3A_469 : vector<16xf32>
        %parallel_loop3A_471 = arith.constant 0x4B400000 : f32
        %parallel_loop3A_472 = vector.broadcast %parallel_loop3A_471 : f32 to vector<16xf32>
        %parallel_loop3A_473 = arith.addf %parallel_loop3A_464, %parallel_loop3A_472 : vector<16xf32>
        %parallel_loop3A_474 = arith.constant 0x4B400000 : f32
        %parallel_loop3A_475 = vector.broadcast %parallel_loop3A_474 : f32 to vector<16xf32>
        %parallel_loop3A_476 = arith.subf %parallel_loop3A_473, %parallel_loop3A_475 : vector<16xf32>
        %parallel_loop3A_477 = arith.constant 0.000000e+00 : f32
        %parallel_loop3A_478 = vector.broadcast %parallel_loop3A_477 : f32 to vector<16xf32>
        %parallel_loop3A_479 = arith.cmpf oge, %parallel_loop3A_470, %parallel_loop3A_478 : vector<16xf32>
        %parallel_loop3A_480 = arith.constant 0.000000e+00 : f32
        %parallel_loop3A_481 = vector.broadcast %parallel_loop3A_480 : f32 to vector<16xf32>
        %parallel_loop3A_482 = arith.cmpf oge, %parallel_loop3A_476, %parallel_loop3A_481 : vector<16xf32>
        %parallel_loop3A_483 = arith.andi %parallel_loop3A_479, %parallel_loop3A_482 : vector<16xi1>
        %parallel_loop3A_484 = arith.constant 1.600000e+02 : f32
        %parallel_loop3A_485 = vector.broadcast %parallel_loop3A_484 : f32 to vector<16xf32>
        %parallel_loop3A_486 = arith.cmpf olt, %parallel_loop3A_470, %parallel_loop3A_485 : vector<16xf32>
        %parallel_loop3A_487 = arith.andi %parallel_loop3A_483, %parallel_loop3A_486 : vector<16xi1>
        %parallel_loop3A_488 = arith.constant 1.200000e+02 : f32
        %parallel_loop3A_489 = vector.broadcast %parallel_loop3A_488 : f32 to vector<16xf32>
        %parallel_loop3A_490 = arith.cmpf olt, %parallel_loop3A_476, %parallel_loop3A_489 : vector<16xf32>
        %parallel_loop3A_491 = arith.andi %parallel_loop3A_487, %parallel_loop3A_490 : vector<16xi1>
        %parallel_loop3A_492 = arith.constant 0.000000e+00 : f32
        %parallel_loop3A_493 = vector.broadcast %parallel_loop3A_492 : f32 to vector<16xf32>
        %parallel_loop3A_494 = arith.cmpf ogt, %parallel_loop3A_459, %parallel_loop3A_493 : vector<16xf32>
        %parallel_loop3A_495 = arith.andi %parallel_loop3A_491, %parallel_loop3A_494 : vector<16xi1>
        %parallel_loop3A_496 = arith.constant 1.600000e+02 : f32
        %parallel_loop3A_497 = vector.broadcast %parallel_loop3A_496 : f32 to vector<16xf32>
        %parallel_loop3A_498 = arith.mulf %parallel_loop3A_476, %parallel_loop3A_497 : vector<16xf32>
        %parallel_loop3A_499 = arith.addf %parallel_loop3A_498, %parallel_loop3A_470 : vector<16xf32>
        %parallel_loop3A_500 = arith.fptosi %parallel_loop3A_499 : vector<16xf32> to vector<16xi32>
        %parallel_loop3A_501 = vector.broadcast %parallel_loop3A_305 : i32 to vector<16xi32>
        %parallel_loop3A_502 = arith.addi %mul3A_154, %parallel_loop3A_501 : vector<16xi32>
        %parallel_loop3A_503 = arith.constant 8192 : i32
        %parallel_loop3A_504 = arith.muli %add3A_263, %parallel_loop3A_503 : i32
        %parallel_loop3A_505 = vector.broadcast %parallel_loop3A_504 : i32 to vector<16xi32>
        %parallel_loop3A_506 = arith.addi %parallel_loop3A_505, %parallel_loop3A_502 : vector<16xi32>
        %parallel_loop3A_507 = arith.constant 19200 : i32
        %parallel_loop3A_508 = vector.broadcast %parallel_loop3A_507 : i32 to vector<16xi32>
        %parallel_loop3A_509 = arith.select %parallel_loop3A_495, %parallel_loop3A_500, %parallel_loop3A_508 : vector<16xi1>, vector<16xi32>
        tpu.vector_store_idx %arg8[%parallel_loop3A_506], %parallel_loop3A_509 : memref<32768xi32, #tpu.memory_space<vmem>>[vector<16xi32>], vector<16xi32>,
        %parallel_loop3A_510 = arith.constant 0 : i32
        %parallel_loop3A_511 = vector.broadcast %parallel_loop3A_510 : i32 to vector<16xi32>
        %parallel_loop3A_512 = arith.constant 1.000000e+00 : f32
        %parallel_loop3A_513 = arith.constant 0.000000e+00 : f32
        %parallel_loop3A_514 = vector.broadcast %parallel_loop3A_512 : f32 to vector<16xf32>
        %parallel_loop3A_515 = vector.broadcast %parallel_loop3A_513 : f32 to vector<16xf32>
        %parallel_loop3A_516 = arith.select %parallel_loop3A_495, %parallel_loop3A_514, %parallel_loop3A_515 : vector<16xi1>, vector<16xf32>
        tpu.vector_store_idx %arg10[%parallel_loop3A_511, %parallel_loop3A_502], %parallel_loop3A_516 : memref<2x8192xf32, #tpu.memory_space<vmem>>[vector<16xi32>, vector<16xi32>], vector<16xf32>,
        %parallel_loop3A_517 = arith.addf %parallel_loop3A_310, %mul3A_180 : vector<16xf32>
        %parallel_loop3A_518 = vector.broadcast %squeeze3A_21 : f32 to vector<16xf32>
        %parallel_loop3A_519 = arith.addf %parallel_loop3A_517, %parallel_loop3A_518 : vector<16xf32>
        %parallel_loop3A_520 = arith.addf %parallel_loop3A_314, %mul3A_182 : vector<16xf32>
        %parallel_loop3A_521 = vector.broadcast %squeeze3A_29 : f32 to vector<16xf32>
        %parallel_loop3A_522 = arith.addf %parallel_loop3A_520, %parallel_loop3A_521 : vector<16xf32>
        %parallel_loop3A_523 = arith.addf %parallel_loop3A_318, %mul3A_184 : vector<16xf32>
        %parallel_loop3A_524 = vector.broadcast %squeeze3A_37 : f32 to vector<16xf32>
        %parallel_loop3A_525 = arith.addf %parallel_loop3A_523, %parallel_loop3A_524 : vector<16xf32>
        %parallel_loop3A_526 = arith.constant 1.000000e+00 : f32
        %parallel_loop3A_527 = vector.broadcast %parallel_loop3A_526 : f32 to vector<16xf32>
        %parallel_loop3A_528 = arith.divf %parallel_loop3A_527, %parallel_loop3A_525 : vector<16xf32>
        %parallel_loop3A_529 = arith.mulf %parallel_loop3A_519, %parallel_loop3A_528 : vector<16xf32>
        %parallel_loop3A_530 = arith.mulf %parallel_loop3A_522, %parallel_loop3A_528 : vector<16xf32>
        %parallel_loop3A_531 = arith.constant 0x4B400000 : f32
        %parallel_loop3A_532 = vector.broadcast %parallel_loop3A_531 : f32 to vector<16xf32>
        %parallel_loop3A_533 = arith.addf %parallel_loop3A_529, %parallel_loop3A_532 : vector<16xf32>
        %parallel_loop3A_534 = arith.constant 0x4B400000 : f32
        %parallel_loop3A_535 = vector.broadcast %parallel_loop3A_534 : f32 to vector<16xf32>
        %parallel_loop3A_536 = arith.subf %parallel_loop3A_533, %parallel_loop3A_535 : vector<16xf32>
        %parallel_loop3A_537 = arith.constant 0x4B400000 : f32
        %parallel_loop3A_538 = vector.broadcast %parallel_loop3A_537 : f32 to vector<16xf32>
        %parallel_loop3A_539 = arith.addf %parallel_loop3A_530, %parallel_loop3A_538 : vector<16xf32>
        %parallel_loop3A_540 = arith.constant 0x4B400000 : f32
        %parallel_loop3A_541 = vector.broadcast %parallel_loop3A_540 : f32 to vector<16xf32>
        %parallel_loop3A_542 = arith.subf %parallel_loop3A_539, %parallel_loop3A_541 : vector<16xf32>
        %parallel_loop3A_543 = arith.constant 0.000000e+00 : f32
        %parallel_loop3A_544 = vector.broadcast %parallel_loop3A_543 : f32 to vector<16xf32>
        %parallel_loop3A_545 = arith.cmpf oge, %parallel_loop3A_536, %parallel_loop3A_544 : vector<16xf32>
        %parallel_loop3A_546 = arith.constant 0.000000e+00 : f32
        %parallel_loop3A_547 = vector.broadcast %parallel_loop3A_546 : f32 to vector<16xf32>
        %parallel_loop3A_548 = arith.cmpf oge, %parallel_loop3A_542, %parallel_loop3A_547 : vector<16xf32>
        %parallel_loop3A_549 = arith.andi %parallel_loop3A_545, %parallel_loop3A_548 : vector<16xi1>
        %parallel_loop3A_550 = arith.constant 1.600000e+02 : f32
        %parallel_loop3A_551 = vector.broadcast %parallel_loop3A_550 : f32 to vector<16xf32>
        %parallel_loop3A_552 = arith.cmpf olt, %parallel_loop3A_536, %parallel_loop3A_551 : vector<16xf32>
        %parallel_loop3A_553 = arith.andi %parallel_loop3A_549, %parallel_loop3A_552 : vector<16xi1>
        %parallel_loop3A_554 = arith.constant 1.200000e+02 : f32
        %parallel_loop3A_555 = vector.broadcast %parallel_loop3A_554 : f32 to vector<16xf32>
        %parallel_loop3A_556 = arith.cmpf olt, %parallel_loop3A_542, %parallel_loop3A_555 : vector<16xf32>
        %parallel_loop3A_557 = arith.andi %parallel_loop3A_553, %parallel_loop3A_556 : vector<16xi1>
        %parallel_loop3A_558 = arith.constant 0.000000e+00 : f32
        %parallel_loop3A_559 = vector.broadcast %parallel_loop3A_558 : f32 to vector<16xf32>
        %parallel_loop3A_560 = arith.cmpf ogt, %parallel_loop3A_525, %parallel_loop3A_559 : vector<16xf32>
        %parallel_loop3A_561 = arith.andi %parallel_loop3A_557, %parallel_loop3A_560 : vector<16xi1>
        %parallel_loop3A_562 = arith.constant 1.600000e+02 : f32
        %parallel_loop3A_563 = vector.broadcast %parallel_loop3A_562 : f32 to vector<16xf32>
        %parallel_loop3A_564 = arith.mulf %parallel_loop3A_542, %parallel_loop3A_563 : vector<16xf32>
        %parallel_loop3A_565 = arith.addf %parallel_loop3A_564, %parallel_loop3A_536 : vector<16xf32>
        %parallel_loop3A_566 = arith.fptosi %parallel_loop3A_565 : vector<16xf32> to vector<16xi32>
        %parallel_loop3A_567 = vector.broadcast %parallel_loop3A_305 : i32 to vector<16xi32>
        %parallel_loop3A_568 = arith.addi %mul3A_190, %parallel_loop3A_567 : vector<16xi32>
        %parallel_loop3A_569 = arith.constant 8192 : i32
        %parallel_loop3A_570 = arith.muli %add3A_263, %parallel_loop3A_569 : i32
        %parallel_loop3A_571 = vector.broadcast %parallel_loop3A_570 : i32 to vector<16xi32>
        %parallel_loop3A_572 = arith.addi %parallel_loop3A_571, %parallel_loop3A_568 : vector<16xi32>
        %parallel_loop3A_573 = arith.constant 19200 : i32
        %parallel_loop3A_574 = vector.broadcast %parallel_loop3A_573 : i32 to vector<16xi32>
        %parallel_loop3A_575 = arith.select %parallel_loop3A_561, %parallel_loop3A_566, %parallel_loop3A_574 : vector<16xi1>, vector<16xi32>
        tpu.vector_store_idx %arg8[%parallel_loop3A_572], %parallel_loop3A_575 : memref<32768xi32, #tpu.memory_space<vmem>>[vector<16xi32>], vector<16xi32>,
        %parallel_loop3A_576 = arith.constant 0 : i32
        %parallel_loop3A_577 = vector.broadcast %parallel_loop3A_576 : i32 to vector<16xi32>
        %parallel_loop3A_578 = arith.constant 1.000000e+00 : f32
        %parallel_loop3A_579 = arith.constant 0.000000e+00 : f32
        %parallel_loop3A_580 = vector.broadcast %parallel_loop3A_578 : f32 to vector<16xf32>
        %parallel_loop3A_581 = vector.broadcast %parallel_loop3A_579 : f32 to vector<16xf32>
        %parallel_loop3A_582 = arith.select %parallel_loop3A_561, %parallel_loop3A_580, %parallel_loop3A_581 : vector<16xi1>, vector<16xf32>
        tpu.vector_store_idx %arg10[%parallel_loop3A_577, %parallel_loop3A_568], %parallel_loop3A_582 : memref<2x8192xf32, #tpu.memory_space<vmem>>[vector<16xi32>, vector<16xi32>], vector<16xf32>,
      } {sc.loop_unroll_factor = 2 : i64, sc.parallel_access}
      %mul3A_270 = arith.constant 8192 : i32
      %mul3A_271 = arith.muli %add3A_263, %mul3A_270 : i32
      %add3A_272 = arith.addi %mul3A_2, %mul3A_271 : i32
      %dma_start3A = arith.constant 0 : i32
      %dma_start3A_273 = arith.constant 0 : i32
      %dma_start3A_274 = tpu.memref_slice %arg10[%dma_start3A, %dma_start3A_273] : memref<2x8192xf32, #tpu.memory_space<vmem>> -> memref<1x8192xf32, #tpu.memory_space<vmem>>
      %dma_start3A_275 = tpu.memref_squeeze %dma_start3A_274 : memref<1x8192xf32, #tpu.memory_space<vmem>> -> memref<8192xf32, #tpu.memory_space<vmem>>
      %dma_start3A_276 = tpu.memref_slice %arg5[%add3A_272] : memref<1048576xf32, #tpu.memory_space<hbm>> -> memref<8192xf32, #tpu.memory_space<hbm>>
      %dma_start3A_277 = tpu.memref_slice %arg5[%add3A_272] : memref<1048576xf32, #tpu.memory_space<hbm>> -> memref<8192xf32, #tpu.memory_space<hbm>>
      %dma_start3A_278 = arith.constant 0 : i32
      %dma_start3A_279 = tpu.memref_slice %arg10[%dma_start3A, %dma_start3A_278] : memref<2x8192xf32, #tpu.memory_space<vmem>> -> memref<1x8192xf32, #tpu.memory_space<vmem>>
      %dma_start3A_280 = tpu.memref_squeeze %dma_start3A_279 : memref<1x8192xf32, #tpu.memory_space<vmem>> -> memref<8192xf32, #tpu.memory_space<vmem>>
      tpu.enqueue_dma source(%dma_start3A_280 : memref<8192xf32, #tpu.memory_space<vmem>>) target(%dma_start3A_277 : memref<8192xf32, #tpu.memory_space<hbm>>) target_semaphore(%arg12 : memref<!tpu.dma_semaphore, #tpu.memory_space<semaphore_mem>>)
      %mul3A_281 = arith.constant 2 : i32
      %mul3A_282 = arith.muli %scan3A_259, %mul3A_281 : i32
      %add3A_283 = arith.constant 1 : i32
      %add3A_284 = arith.addi %mul3A_282, %add3A_283 : i32
      %ge3A_285 = arith.constant 1 : i32
      %ge3A_286 = arith.cmpi sge, %scan3A_259, %ge3A_285 : i32
      %convert_element_type3A_287 = arith.extui %ge3A_286 : i1 to i32
      %cond3A_288 = arith.constant 0 : i32
      %cond3A_289 = arith.cmpi ne, %convert_element_type3A_287, %cond3A_288 : i32
      scf.if %cond3A_289 {
        %dma_wait3A_305 = arith.constant 1 : i32
        %dma_wait3A_306 = arith.constant 0 : i32
        %dma_wait3A_307 = tpu.memref_slice %arg10[%dma_wait3A_305, %dma_wait3A_306] : memref<2x8192xf32, #tpu.memory_space<vmem>> -> memref<1x8192xf32, #tpu.memory_space<vmem>>
        %dma_wait3A_308 = tpu.memref_squeeze %dma_wait3A_307 : memref<1x8192xf32, #tpu.memory_space<vmem>> -> memref<8192xf32, #tpu.memory_space<vmem>>
        %dma_wait3A_309 = tpu.memref_slice %arg5[%mul3A_2] : memref<1048576xf32, #tpu.memory_space<hbm>> -> memref<8192xf32, #tpu.memory_space<hbm>>
        %dma_wait3A_310 = tpu.memref_slice %arg5[%mul3A_2] : memref<1048576xf32, #tpu.memory_space<hbm>> -> memref<8192xf32, #tpu.memory_space<hbm>>
        %dma_wait3A_311 = arith.constant 0 : i32
        %dma_wait3A_312 = tpu.memref_slice %arg10[%dma_wait3A_305, %dma_wait3A_311] : memref<2x8192xf32, #tpu.memory_space<vmem>> -> memref<1x8192xf32, #tpu.memory_space<vmem>>
        %dma_wait3A_313 = tpu.memref_squeeze %dma_wait3A_312 : memref<1x8192xf32, #tpu.memory_space<vmem>> -> memref<8192xf32, #tpu.memory_space<vmem>>
        tpu.wait_dma2 semaphore(%arg13 : memref<!tpu.dma_semaphore, #tpu.memory_space<semaphore_mem>>) src(%dma_wait3A_313 : memref<8192xf32, #tpu.memory_space<vmem>>) dst(%dma_wait3A_310 : memref<8192xf32, #tpu.memory_space<hbm>>)
      } else {
      }
      %parallel_loop3A_290 = arith.constant 0 : i32
      %parallel_loop3A_291 = arith.constant 128 : i32
      %parallel_loop3A_292 = arith.constant 1 : i32
      scf.for %parallel_loop3A_305 = %parallel_loop3A_290 to %parallel_loop3A_291 step %parallel_loop3A_292  : i32 {
        %parallel_loop3A_306 = arith.constant 128 : i32
        %parallel_loop3A_307 = arith.muli %add3A_284, %parallel_loop3A_306 : i32
        %parallel_loop3A_308 = arith.addi %parallel_loop3A_307, %parallel_loop3A_305 : i32
        %parallel_loop3A_309 = vector.broadcast %parallel_loop3A_308 : i32 to vector<16xi32>
        %parallel_loop3A_310 = tpu.vector_load_idx %arg11[%parallel_loop3A_309] : memref<1536xf32, #tpu.memory_space<vmem>>[vector<16xi32>], vector<16xf32>,
        %parallel_loop3A_311 = arith.constant 512 : i32
        %parallel_loop3A_312 = vector.broadcast %parallel_loop3A_311 : i32 to vector<16xi32>
        %parallel_loop3A_313 = arith.addi %parallel_loop3A_309, %parallel_loop3A_312 : vector<16xi32>
        %parallel_loop3A_314 = tpu.vector_load_idx %arg11[%parallel_loop3A_313] : memref<1536xf32, #tpu.memory_space<vmem>>[vector<16xi32>], vector<16xf32>,
        %parallel_loop3A_315 = arith.constant 1024 : i32
        %parallel_loop3A_316 = vector.broadcast %parallel_loop3A_315 : i32 to vector<16xi32>
        %parallel_loop3A_317 = arith.addi %parallel_loop3A_309, %parallel_loop3A_316 : vector<16xi32>
        %parallel_loop3A_318 = tpu.vector_load_idx %arg11[%parallel_loop3A_317] : memref<1536xf32, #tpu.memory_space<vmem>>[vector<16xi32>], vector<16xf32>,
        %parallel_loop3A_319 = arith.addf %parallel_loop3A_310, %mul3A_72 : vector<16xf32>
        %parallel_loop3A_320 = vector.broadcast %squeeze3A_21 : f32 to vector<16xf32>
        %parallel_loop3A_321 = arith.addf %parallel_loop3A_319, %parallel_loop3A_320 : vector<16xf32>
        %parallel_loop3A_322 = arith.addf %parallel_loop3A_314, %mul3A_74 : vector<16xf32>
        %parallel_loop3A_323 = vector.broadcast %squeeze3A_29 : f32 to vector<16xf32>
        %parallel_loop3A_324 = arith.addf %parallel_loop3A_322, %parallel_loop3A_323 : vector<16xf32>
        %parallel_loop3A_325 = arith.addf %parallel_loop3A_318, %mul3A_76 : vector<16xf32>
        %parallel_loop3A_326 = vector.broadcast %squeeze3A_37 : f32 to vector<16xf32>
        %parallel_loop3A_327 = arith.addf %parallel_loop3A_325, %parallel_loop3A_326 : vector<16xf32>
        %parallel_loop3A_328 = arith.constant 1.000000e+00 : f32
        %parallel_loop3A_329 = vector.broadcast %parallel_loop3A_328 : f32 to vector<16xf32>
        %parallel_loop3A_330 = arith.divf %parallel_loop3A_329, %parallel_loop3A_327 : vector<16xf32>
        %parallel_loop3A_331 = arith.mulf %parallel_loop3A_321, %parallel_loop3A_330 : vector<16xf32>
        %parallel_loop3A_332 = arith.mulf %parallel_loop3A_324, %parallel_loop3A_330 : vector<16xf32>
        %parallel_loop3A_333 = arith.constant 0x4B400000 : f32
        %parallel_loop3A_334 = vector.broadcast %parallel_loop3A_333 : f32 to vector<16xf32>
        %parallel_loop3A_335 = arith.addf %parallel_loop3A_331, %parallel_loop3A_334 : vector<16xf32>
        %parallel_loop3A_336 = arith.constant 0x4B400000 : f32
        %parallel_loop3A_337 = vector.broadcast %parallel_loop3A_336 : f32 to vector<16xf32>
        %parallel_loop3A_338 = arith.subf %parallel_loop3A_335, %parallel_loop3A_337 : vector<16xf32>
        %parallel_loop3A_339 = arith.constant 0x4B400000 : f32
        %parallel_loop3A_340 = vector.broadcast %parallel_loop3A_339 : f32 to vector<16xf32>
        %parallel_loop3A_341 = arith.addf %parallel_loop3A_332, %parallel_loop3A_340 : vector<16xf32>
        %parallel_loop3A_342 = arith.constant 0x4B400000 : f32
        %parallel_loop3A_343 = vector.broadcast %parallel_loop3A_342 : f32 to vector<16xf32>
        %parallel_loop3A_344 = arith.subf %parallel_loop3A_341, %parallel_loop3A_343 : vector<16xf32>
        %parallel_loop3A_345 = arith.constant 0.000000e+00 : f32
        %parallel_loop3A_346 = vector.broadcast %parallel_loop3A_345 : f32 to vector<16xf32>
        %parallel_loop3A_347 = arith.cmpf oge, %parallel_loop3A_338, %parallel_loop3A_346 : vector<16xf32>
        %parallel_loop3A_348 = arith.constant 0.000000e+00 : f32
        %parallel_loop3A_349 = vector.broadcast %parallel_loop3A_348 : f32 to vector<16xf32>
        %parallel_loop3A_350 = arith.cmpf oge, %parallel_loop3A_344, %parallel_loop3A_349 : vector<16xf32>
        %parallel_loop3A_351 = arith.andi %parallel_loop3A_347, %parallel_loop3A_350 : vector<16xi1>
        %parallel_loop3A_352 = arith.constant 1.600000e+02 : f32
        %parallel_loop3A_353 = vector.broadcast %parallel_loop3A_352 : f32 to vector<16xf32>
        %parallel_loop3A_354 = arith.cmpf olt, %parallel_loop3A_338, %parallel_loop3A_353 : vector<16xf32>
        %parallel_loop3A_355 = arith.andi %parallel_loop3A_351, %parallel_loop3A_354 : vector<16xi1>
        %parallel_loop3A_356 = arith.constant 1.200000e+02 : f32
        %parallel_loop3A_357 = vector.broadcast %parallel_loop3A_356 : f32 to vector<16xf32>
        %parallel_loop3A_358 = arith.cmpf olt, %parallel_loop3A_344, %parallel_loop3A_357 : vector<16xf32>
        %parallel_loop3A_359 = arith.andi %parallel_loop3A_355, %parallel_loop3A_358 : vector<16xi1>
        %parallel_loop3A_360 = arith.constant 0.000000e+00 : f32
        %parallel_loop3A_361 = vector.broadcast %parallel_loop3A_360 : f32 to vector<16xf32>
        %parallel_loop3A_362 = arith.cmpf ogt, %parallel_loop3A_327, %parallel_loop3A_361 : vector<16xf32>
        %parallel_loop3A_363 = arith.andi %parallel_loop3A_359, %parallel_loop3A_362 : vector<16xi1>
        %parallel_loop3A_364 = arith.constant 1.600000e+02 : f32
        %parallel_loop3A_365 = vector.broadcast %parallel_loop3A_364 : f32 to vector<16xf32>
        %parallel_loop3A_366 = arith.mulf %parallel_loop3A_344, %parallel_loop3A_365 : vector<16xf32>
        %parallel_loop3A_367 = arith.addf %parallel_loop3A_366, %parallel_loop3A_338 : vector<16xf32>
        %parallel_loop3A_368 = arith.fptosi %parallel_loop3A_367 : vector<16xf32> to vector<16xi32>
        %parallel_loop3A_369 = vector.broadcast %parallel_loop3A_305 : i32 to vector<16xi32>
        %parallel_loop3A_370 = arith.addi %mul3A_82, %parallel_loop3A_369 : vector<16xi32>
        %parallel_loop3A_371 = arith.constant 8192 : i32
        %parallel_loop3A_372 = arith.muli %add3A_284, %parallel_loop3A_371 : i32
        %parallel_loop3A_373 = vector.broadcast %parallel_loop3A_372 : i32 to vector<16xi32>
        %parallel_loop3A_374 = arith.addi %parallel_loop3A_373, %parallel_loop3A_370 : vector<16xi32>
        %parallel_loop3A_375 = arith.constant 19200 : i32
        %parallel_loop3A_376 = vector.broadcast %parallel_loop3A_375 : i32 to vector<16xi32>
        %parallel_loop3A_377 = arith.select %parallel_loop3A_363, %parallel_loop3A_368, %parallel_loop3A_376 : vector<16xi1>, vector<16xi32>
        tpu.vector_store_idx %arg8[%parallel_loop3A_374], %parallel_loop3A_377 : memref<32768xi32, #tpu.memory_space<vmem>>[vector<16xi32>], vector<16xi32>,
        %parallel_loop3A_378 = arith.constant 1 : i32
        %parallel_loop3A_379 = vector.broadcast %parallel_loop3A_378 : i32 to vector<16xi32>
        %parallel_loop3A_380 = arith.constant 1.000000e+00 : f32
        %parallel_loop3A_381 = arith.constant 0.000000e+00 : f32
        %parallel_loop3A_382 = vector.broadcast %parallel_loop3A_380 : f32 to vector<16xf32>
        %parallel_loop3A_383 = vector.broadcast %parallel_loop3A_381 : f32 to vector<16xf32>
        %parallel_loop3A_384 = arith.select %parallel_loop3A_363, %parallel_loop3A_382, %parallel_loop3A_383 : vector<16xi1>, vector<16xf32>
        tpu.vector_store_idx %arg10[%parallel_loop3A_379, %parallel_loop3A_370], %parallel_loop3A_384 : memref<2x8192xf32, #tpu.memory_space<vmem>>[vector<16xi32>, vector<16xi32>], vector<16xf32>,
        %parallel_loop3A_385 = arith.addf %parallel_loop3A_310, %mul3A_108 : vector<16xf32>
        %parallel_loop3A_386 = vector.broadcast %squeeze3A_21 : f32 to vector<16xf32>
        %parallel_loop3A_387 = arith.addf %parallel_loop3A_385, %parallel_loop3A_386 : vector<16xf32>
        %parallel_loop3A_388 = arith.addf %parallel_loop3A_314, %mul3A_110 : vector<16xf32>
        %parallel_loop3A_389 = vector.broadcast %squeeze3A_29 : f32 to vector<16xf32>
        %parallel_loop3A_390 = arith.addf %parallel_loop3A_388, %parallel_loop3A_389 : vector<16xf32>
        %parallel_loop3A_391 = arith.addf %parallel_loop3A_318, %mul3A_112 : vector<16xf32>
        %parallel_loop3A_392 = vector.broadcast %squeeze3A_37 : f32 to vector<16xf32>
        %parallel_loop3A_393 = arith.addf %parallel_loop3A_391, %parallel_loop3A_392 : vector<16xf32>
        %parallel_loop3A_394 = arith.constant 1.000000e+00 : f32
        %parallel_loop3A_395 = vector.broadcast %parallel_loop3A_394 : f32 to vector<16xf32>
        %parallel_loop3A_396 = arith.divf %parallel_loop3A_395, %parallel_loop3A_393 : vector<16xf32>
        %parallel_loop3A_397 = arith.mulf %parallel_loop3A_387, %parallel_loop3A_396 : vector<16xf32>
        %parallel_loop3A_398 = arith.mulf %parallel_loop3A_390, %parallel_loop3A_396 : vector<16xf32>
        %parallel_loop3A_399 = arith.constant 0x4B400000 : f32
        %parallel_loop3A_400 = vector.broadcast %parallel_loop3A_399 : f32 to vector<16xf32>
        %parallel_loop3A_401 = arith.addf %parallel_loop3A_397, %parallel_loop3A_400 : vector<16xf32>
        %parallel_loop3A_402 = arith.constant 0x4B400000 : f32
        %parallel_loop3A_403 = vector.broadcast %parallel_loop3A_402 : f32 to vector<16xf32>
        %parallel_loop3A_404 = arith.subf %parallel_loop3A_401, %parallel_loop3A_403 : vector<16xf32>
        %parallel_loop3A_405 = arith.constant 0x4B400000 : f32
        %parallel_loop3A_406 = vector.broadcast %parallel_loop3A_405 : f32 to vector<16xf32>
        %parallel_loop3A_407 = arith.addf %parallel_loop3A_398, %parallel_loop3A_406 : vector<16xf32>
        %parallel_loop3A_408 = arith.constant 0x4B400000 : f32
        %parallel_loop3A_409 = vector.broadcast %parallel_loop3A_408 : f32 to vector<16xf32>
        %parallel_loop3A_410 = arith.subf %parallel_loop3A_407, %parallel_loop3A_409 : vector<16xf32>
        %parallel_loop3A_411 = arith.constant 0.000000e+00 : f32
        %parallel_loop3A_412 = vector.broadcast %parallel_loop3A_411 : f32 to vector<16xf32>
        %parallel_loop3A_413 = arith.cmpf oge, %parallel_loop3A_404, %parallel_loop3A_412 : vector<16xf32>
        %parallel_loop3A_414 = arith.constant 0.000000e+00 : f32
        %parallel_loop3A_415 = vector.broadcast %parallel_loop3A_414 : f32 to vector<16xf32>
        %parallel_loop3A_416 = arith.cmpf oge, %parallel_loop3A_410, %parallel_loop3A_415 : vector<16xf32>
        %parallel_loop3A_417 = arith.andi %parallel_loop3A_413, %parallel_loop3A_416 : vector<16xi1>
        %parallel_loop3A_418 = arith.constant 1.600000e+02 : f32
        %parallel_loop3A_419 = vector.broadcast %parallel_loop3A_418 : f32 to vector<16xf32>
        %parallel_loop3A_420 = arith.cmpf olt, %parallel_loop3A_404, %parallel_loop3A_419 : vector<16xf32>
        %parallel_loop3A_421 = arith.andi %parallel_loop3A_417, %parallel_loop3A_420 : vector<16xi1>
        %parallel_loop3A_422 = arith.constant 1.200000e+02 : f32
        %parallel_loop3A_423 = vector.broadcast %parallel_loop3A_422 : f32 to vector<16xf32>
        %parallel_loop3A_424 = arith.cmpf olt, %parallel_loop3A_410, %parallel_loop3A_423 : vector<16xf32>
        %parallel_loop3A_425 = arith.andi %parallel_loop3A_421, %parallel_loop3A_424 : vector<16xi1>
        %parallel_loop3A_426 = arith.constant 0.000000e+00 : f32
        %parallel_loop3A_427 = vector.broadcast %parallel_loop3A_426 : f32 to vector<16xf32>
        %parallel_loop3A_428 = arith.cmpf ogt, %parallel_loop3A_393, %parallel_loop3A_427 : vector<16xf32>
        %parallel_loop3A_429 = arith.andi %parallel_loop3A_425, %parallel_loop3A_428 : vector<16xi1>
        %parallel_loop3A_430 = arith.constant 1.600000e+02 : f32
        %parallel_loop3A_431 = vector.broadcast %parallel_loop3A_430 : f32 to vector<16xf32>
        %parallel_loop3A_432 = arith.mulf %parallel_loop3A_410, %parallel_loop3A_431 : vector<16xf32>
        %parallel_loop3A_433 = arith.addf %parallel_loop3A_432, %parallel_loop3A_404 : vector<16xf32>
        %parallel_loop3A_434 = arith.fptosi %parallel_loop3A_433 : vector<16xf32> to vector<16xi32>
        %parallel_loop3A_435 = vector.broadcast %parallel_loop3A_305 : i32 to vector<16xi32>
        %parallel_loop3A_436 = arith.addi %mul3A_118, %parallel_loop3A_435 : vector<16xi32>
        %parallel_loop3A_437 = arith.constant 8192 : i32
        %parallel_loop3A_438 = arith.muli %add3A_284, %parallel_loop3A_437 : i32
        %parallel_loop3A_439 = vector.broadcast %parallel_loop3A_438 : i32 to vector<16xi32>
        %parallel_loop3A_440 = arith.addi %parallel_loop3A_439, %parallel_loop3A_436 : vector<16xi32>
        %parallel_loop3A_441 = arith.constant 19200 : i32
        %parallel_loop3A_442 = vector.broadcast %parallel_loop3A_441 : i32 to vector<16xi32>
        %parallel_loop3A_443 = arith.select %parallel_loop3A_429, %parallel_loop3A_434, %parallel_loop3A_442 : vector<16xi1>, vector<16xi32>
        tpu.vector_store_idx %arg8[%parallel_loop3A_440], %parallel_loop3A_443 : memref<32768xi32, #tpu.memory_space<vmem>>[vector<16xi32>], vector<16xi32>,
        %parallel_loop3A_444 = arith.constant 1 : i32
        %parallel_loop3A_445 = vector.broadcast %parallel_loop3A_444 : i32 to vector<16xi32>
        %parallel_loop3A_446 = arith.constant 1.000000e+00 : f32
        %parallel_loop3A_447 = arith.constant 0.000000e+00 : f32
        %parallel_loop3A_448 = vector.broadcast %parallel_loop3A_446 : f32 to vector<16xf32>
        %parallel_loop3A_449 = vector.broadcast %parallel_loop3A_447 : f32 to vector<16xf32>
        %parallel_loop3A_450 = arith.select %parallel_loop3A_429, %parallel_loop3A_448, %parallel_loop3A_449 : vector<16xi1>, vector<16xf32>
        tpu.vector_store_idx %arg10[%parallel_loop3A_445, %parallel_loop3A_436], %parallel_loop3A_450 : memref<2x8192xf32, #tpu.memory_space<vmem>>[vector<16xi32>, vector<16xi32>], vector<16xf32>,
        %parallel_loop3A_451 = arith.addf %parallel_loop3A_310, %mul3A_144 : vector<16xf32>
        %parallel_loop3A_452 = vector.broadcast %squeeze3A_21 : f32 to vector<16xf32>
        %parallel_loop3A_453 = arith.addf %parallel_loop3A_451, %parallel_loop3A_452 : vector<16xf32>
        %parallel_loop3A_454 = arith.addf %parallel_loop3A_314, %mul3A_146 : vector<16xf32>
        %parallel_loop3A_455 = vector.broadcast %squeeze3A_29 : f32 to vector<16xf32>
        %parallel_loop3A_456 = arith.addf %parallel_loop3A_454, %parallel_loop3A_455 : vector<16xf32>
        %parallel_loop3A_457 = arith.addf %parallel_loop3A_318, %mul3A_148 : vector<16xf32>
        %parallel_loop3A_458 = vector.broadcast %squeeze3A_37 : f32 to vector<16xf32>
        %parallel_loop3A_459 = arith.addf %parallel_loop3A_457, %parallel_loop3A_458 : vector<16xf32>
        %parallel_loop3A_460 = arith.constant 1.000000e+00 : f32
        %parallel_loop3A_461 = vector.broadcast %parallel_loop3A_460 : f32 to vector<16xf32>
        %parallel_loop3A_462 = arith.divf %parallel_loop3A_461, %parallel_loop3A_459 : vector<16xf32>
        %parallel_loop3A_463 = arith.mulf %parallel_loop3A_453, %parallel_loop3A_462 : vector<16xf32>
        %parallel_loop3A_464 = arith.mulf %parallel_loop3A_456, %parallel_loop3A_462 : vector<16xf32>
        %parallel_loop3A_465 = arith.constant 0x4B400000 : f32
        %parallel_loop3A_466 = vector.broadcast %parallel_loop3A_465 : f32 to vector<16xf32>
        %parallel_loop3A_467 = arith.addf %parallel_loop3A_463, %parallel_loop3A_466 : vector<16xf32>
        %parallel_loop3A_468 = arith.constant 0x4B400000 : f32
        %parallel_loop3A_469 = vector.broadcast %parallel_loop3A_468 : f32 to vector<16xf32>
        %parallel_loop3A_470 = arith.subf %parallel_loop3A_467, %parallel_loop3A_469 : vector<16xf32>
        %parallel_loop3A_471 = arith.constant 0x4B400000 : f32
        %parallel_loop3A_472 = vector.broadcast %parallel_loop3A_471 : f32 to vector<16xf32>
        %parallel_loop3A_473 = arith.addf %parallel_loop3A_464, %parallel_loop3A_472 : vector<16xf32>
        %parallel_loop3A_474 = arith.constant 0x4B400000 : f32
        %parallel_loop3A_475 = vector.broadcast %parallel_loop3A_474 : f32 to vector<16xf32>
        %parallel_loop3A_476 = arith.subf %parallel_loop3A_473, %parallel_loop3A_475 : vector<16xf32>
        %parallel_loop3A_477 = arith.constant 0.000000e+00 : f32
        %parallel_loop3A_478 = vector.broadcast %parallel_loop3A_477 : f32 to vector<16xf32>
        %parallel_loop3A_479 = arith.cmpf oge, %parallel_loop3A_470, %parallel_loop3A_478 : vector<16xf32>
        %parallel_loop3A_480 = arith.constant 0.000000e+00 : f32
        %parallel_loop3A_481 = vector.broadcast %parallel_loop3A_480 : f32 to vector<16xf32>
        %parallel_loop3A_482 = arith.cmpf oge, %parallel_loop3A_476, %parallel_loop3A_481 : vector<16xf32>
        %parallel_loop3A_483 = arith.andi %parallel_loop3A_479, %parallel_loop3A_482 : vector<16xi1>
        %parallel_loop3A_484 = arith.constant 1.600000e+02 : f32
        %parallel_loop3A_485 = vector.broadcast %parallel_loop3A_484 : f32 to vector<16xf32>
        %parallel_loop3A_486 = arith.cmpf olt, %parallel_loop3A_470, %parallel_loop3A_485 : vector<16xf32>
        %parallel_loop3A_487 = arith.andi %parallel_loop3A_483, %parallel_loop3A_486 : vector<16xi1>
        %parallel_loop3A_488 = arith.constant 1.200000e+02 : f32
        %parallel_loop3A_489 = vector.broadcast %parallel_loop3A_488 : f32 to vector<16xf32>
        %parallel_loop3A_490 = arith.cmpf olt, %parallel_loop3A_476, %parallel_loop3A_489 : vector<16xf32>
        %parallel_loop3A_491 = arith.andi %parallel_loop3A_487, %parallel_loop3A_490 : vector<16xi1>
        %parallel_loop3A_492 = arith.constant 0.000000e+00 : f32
        %parallel_loop3A_493 = vector.broadcast %parallel_loop3A_492 : f32 to vector<16xf32>
        %parallel_loop3A_494 = arith.cmpf ogt, %parallel_loop3A_459, %parallel_loop3A_493 : vector<16xf32>
        %parallel_loop3A_495 = arith.andi %parallel_loop3A_491, %parallel_loop3A_494 : vector<16xi1>
        %parallel_loop3A_496 = arith.constant 1.600000e+02 : f32
        %parallel_loop3A_497 = vector.broadcast %parallel_loop3A_496 : f32 to vector<16xf32>
        %parallel_loop3A_498 = arith.mulf %parallel_loop3A_476, %parallel_loop3A_497 : vector<16xf32>
        %parallel_loop3A_499 = arith.addf %parallel_loop3A_498, %parallel_loop3A_470 : vector<16xf32>
        %parallel_loop3A_500 = arith.fptosi %parallel_loop3A_499 : vector<16xf32> to vector<16xi32>
        %parallel_loop3A_501 = vector.broadcast %parallel_loop3A_305 : i32 to vector<16xi32>
        %parallel_loop3A_502 = arith.addi %mul3A_154, %parallel_loop3A_501 : vector<16xi32>
        %parallel_loop3A_503 = arith.constant 8192 : i32
        %parallel_loop3A_504 = arith.muli %add3A_284, %parallel_loop3A_503 : i32
        %parallel_loop3A_505 = vector.broadcast %parallel_loop3A_504 : i32 to vector<16xi32>
        %parallel_loop3A_506 = arith.addi %parallel_loop3A_505, %parallel_loop3A_502 : vector<16xi32>
        %parallel_loop3A_507 = arith.constant 19200 : i32
        %parallel_loop3A_508 = vector.broadcast %parallel_loop3A_507 : i32 to vector<16xi32>
        %parallel_loop3A_509 = arith.select %parallel_loop3A_495, %parallel_loop3A_500, %parallel_loop3A_508 : vector<16xi1>, vector<16xi32>
        tpu.vector_store_idx %arg8[%parallel_loop3A_506], %parallel_loop3A_509 : memref<32768xi32, #tpu.memory_space<vmem>>[vector<16xi32>], vector<16xi32>,
        %parallel_loop3A_510 = arith.constant 1 : i32
        %parallel_loop3A_511 = vector.broadcast %parallel_loop3A_510 : i32 to vector<16xi32>
        %parallel_loop3A_512 = arith.constant 1.000000e+00 : f32
        %parallel_loop3A_513 = arith.constant 0.000000e+00 : f32
        %parallel_loop3A_514 = vector.broadcast %parallel_loop3A_512 : f32 to vector<16xf32>
        %parallel_loop3A_515 = vector.broadcast %parallel_loop3A_513 : f32 to vector<16xf32>
        %parallel_loop3A_516 = arith.select %parallel_loop3A_495, %parallel_loop3A_514, %parallel_loop3A_515 : vector<16xi1>, vector<16xf32>
        tpu.vector_store_idx %arg10[%parallel_loop3A_511, %parallel_loop3A_502], %parallel_loop3A_516 : memref<2x8192xf32, #tpu.memory_space<vmem>>[vector<16xi32>, vector<16xi32>], vector<16xf32>,
        %parallel_loop3A_517 = arith.addf %parallel_loop3A_310, %mul3A_180 : vector<16xf32>
        %parallel_loop3A_518 = vector.broadcast %squeeze3A_21 : f32 to vector<16xf32>
        %parallel_loop3A_519 = arith.addf %parallel_loop3A_517, %parallel_loop3A_518 : vector<16xf32>
        %parallel_loop3A_520 = arith.addf %parallel_loop3A_314, %mul3A_182 : vector<16xf32>
        %parallel_loop3A_521 = vector.broadcast %squeeze3A_29 : f32 to vector<16xf32>
        %parallel_loop3A_522 = arith.addf %parallel_loop3A_520, %parallel_loop3A_521 : vector<16xf32>
        %parallel_loop3A_523 = arith.addf %parallel_loop3A_318, %mul3A_184 : vector<16xf32>
        %parallel_loop3A_524 = vector.broadcast %squeeze3A_37 : f32 to vector<16xf32>
        %parallel_loop3A_525 = arith.addf %parallel_loop3A_523, %parallel_loop3A_524 : vector<16xf32>
        %parallel_loop3A_526 = arith.constant 1.000000e+00 : f32
        %parallel_loop3A_527 = vector.broadcast %parallel_loop3A_526 : f32 to vector<16xf32>
        %parallel_loop3A_528 = arith.divf %parallel_loop3A_527, %parallel_loop3A_525 : vector<16xf32>
        %parallel_loop3A_529 = arith.mulf %parallel_loop3A_519, %parallel_loop3A_528 : vector<16xf32>
        %parallel_loop3A_530 = arith.mulf %parallel_loop3A_522, %parallel_loop3A_528 : vector<16xf32>
        %parallel_loop3A_531 = arith.constant 0x4B400000 : f32
        %parallel_loop3A_532 = vector.broadcast %parallel_loop3A_531 : f32 to vector<16xf32>
        %parallel_loop3A_533 = arith.addf %parallel_loop3A_529, %parallel_loop3A_532 : vector<16xf32>
        %parallel_loop3A_534 = arith.constant 0x4B400000 : f32
        %parallel_loop3A_535 = vector.broadcast %parallel_loop3A_534 : f32 to vector<16xf32>
        %parallel_loop3A_536 = arith.subf %parallel_loop3A_533, %parallel_loop3A_535 : vector<16xf32>
        %parallel_loop3A_537 = arith.constant 0x4B400000 : f32
        %parallel_loop3A_538 = vector.broadcast %parallel_loop3A_537 : f32 to vector<16xf32>
        %parallel_loop3A_539 = arith.addf %parallel_loop3A_530, %parallel_loop3A_538 : vector<16xf32>
        %parallel_loop3A_540 = arith.constant 0x4B400000 : f32
        %parallel_loop3A_541 = vector.broadcast %parallel_loop3A_540 : f32 to vector<16xf32>
        %parallel_loop3A_542 = arith.subf %parallel_loop3A_539, %parallel_loop3A_541 : vector<16xf32>
        %parallel_loop3A_543 = arith.constant 0.000000e+00 : f32
        %parallel_loop3A_544 = vector.broadcast %parallel_loop3A_543 : f32 to vector<16xf32>
        %parallel_loop3A_545 = arith.cmpf oge, %parallel_loop3A_536, %parallel_loop3A_544 : vector<16xf32>
        %parallel_loop3A_546 = arith.constant 0.000000e+00 : f32
        %parallel_loop3A_547 = vector.broadcast %parallel_loop3A_546 : f32 to vector<16xf32>
        %parallel_loop3A_548 = arith.cmpf oge, %parallel_loop3A_542, %parallel_loop3A_547 : vector<16xf32>
        %parallel_loop3A_549 = arith.andi %parallel_loop3A_545, %parallel_loop3A_548 : vector<16xi1>
        %parallel_loop3A_550 = arith.constant 1.600000e+02 : f32
        %parallel_loop3A_551 = vector.broadcast %parallel_loop3A_550 : f32 to vector<16xf32>
        %parallel_loop3A_552 = arith.cmpf olt, %parallel_loop3A_536, %parallel_loop3A_551 : vector<16xf32>
        %parallel_loop3A_553 = arith.andi %parallel_loop3A_549, %parallel_loop3A_552 : vector<16xi1>
        %parallel_loop3A_554 = arith.constant 1.200000e+02 : f32
        %parallel_loop3A_555 = vector.broadcast %parallel_loop3A_554 : f32 to vector<16xf32>
        %parallel_loop3A_556 = arith.cmpf olt, %parallel_loop3A_542, %parallel_loop3A_555 : vector<16xf32>
        %parallel_loop3A_557 = arith.andi %parallel_loop3A_553, %parallel_loop3A_556 : vector<16xi1>
        %parallel_loop3A_558 = arith.constant 0.000000e+00 : f32
        %parallel_loop3A_559 = vector.broadcast %parallel_loop3A_558 : f32 to vector<16xf32>
        %parallel_loop3A_560 = arith.cmpf ogt, %parallel_loop3A_525, %parallel_loop3A_559 : vector<16xf32>
        %parallel_loop3A_561 = arith.andi %parallel_loop3A_557, %parallel_loop3A_560 : vector<16xi1>
        %parallel_loop3A_562 = arith.constant 1.600000e+02 : f32
        %parallel_loop3A_563 = vector.broadcast %parallel_loop3A_562 : f32 to vector<16xf32>
        %parallel_loop3A_564 = arith.mulf %parallel_loop3A_542, %parallel_loop3A_563 : vector<16xf32>
        %parallel_loop3A_565 = arith.addf %parallel_loop3A_564, %parallel_loop3A_536 : vector<16xf32>
        %parallel_loop3A_566 = arith.fptosi %parallel_loop3A_565 : vector<16xf32> to vector<16xi32>
        %parallel_loop3A_567 = vector.broadcast %parallel_loop3A_305 : i32 to vector<16xi32>
        %parallel_loop3A_568 = arith.addi %mul3A_190, %parallel_loop3A_567 : vector<16xi32>
        %parallel_loop3A_569 = arith.constant 8192 : i32
        %parallel_loop3A_570 = arith.muli %add3A_284, %parallel_loop3A_569 : i32
        %parallel_loop3A_571 = vector.broadcast %parallel_loop3A_570 : i32 to vector<16xi32>
        %parallel_loop3A_572 = arith.addi %parallel_loop3A_571, %parallel_loop3A_568 : vector<16xi32>
        %parallel_loop3A_573 = arith.constant 19200 : i32
        %parallel_loop3A_574 = vector.broadcast %parallel_loop3A_573 : i32 to vector<16xi32>
        %parallel_loop3A_575 = arith.select %parallel_loop3A_561, %parallel_loop3A_566, %parallel_loop3A_574 : vector<16xi1>, vector<16xi32>
        tpu.vector_store_idx %arg8[%parallel_loop3A_572], %parallel_loop3A_575 : memref<32768xi32, #tpu.memory_space<vmem>>[vector<16xi32>], vector<16xi32>,
        %parallel_loop3A_576 = arith.constant 1 : i32
        %parallel_loop3A_577 = vector.broadcast %parallel_loop3A_576 : i32 to vector<16xi32>
        %parallel_loop3A_578 = arith.constant 1.000000e+00 : f32
        %parallel_loop3A_579 = arith.constant 0.000000e+00 : f32
        %parallel_loop3A_580 = vector.broadcast %parallel_loop3A_578 : f32 to vector<16xf32>
        %parallel_loop3A_581 = vector.broadcast %parallel_loop3A_579 : f32 to vector<16xf32>
        %parallel_loop3A_582 = arith.select %parallel_loop3A_561, %parallel_loop3A_580, %parallel_loop3A_581 : vector<16xi1>, vector<16xf32>
        tpu.vector_store_idx %arg10[%parallel_loop3A_577, %parallel_loop3A_568], %parallel_loop3A_582 : memref<2x8192xf32, #tpu.memory_space<vmem>>[vector<16xi32>, vector<16xi32>], vector<16xf32>,
      } {sc.loop_unroll_factor = 2 : i64, sc.parallel_access}
      %mul3A_293 = arith.constant 8192 : i32
      %mul3A_294 = arith.muli %add3A_284, %mul3A_293 : i32
      %add3A_295 = arith.addi %mul3A_2, %mul3A_294 : i32
      %dma_start3A_296 = arith.constant 1 : i32
      %dma_start3A_297 = arith.constant 0 : i32
      %dma_start3A_298 = tpu.memref_slice %arg10[%dma_start3A_296, %dma_start3A_297] : memref<2x8192xf32, #tpu.memory_space<vmem>> -> memref<1x8192xf32, #tpu.memory_space<vmem>>
      %dma_start3A_299 = tpu.memref_squeeze %dma_start3A_298 : memref<1x8192xf32, #tpu.memory_space<vmem>> -> memref<8192xf32, #tpu.memory_space<vmem>>
      %dma_start3A_300 = tpu.memref_slice %arg5[%add3A_295] : memref<1048576xf32, #tpu.memory_space<hbm>> -> memref<8192xf32, #tpu.memory_space<hbm>>
      %dma_start3A_301 = tpu.memref_slice %arg5[%add3A_295] : memref<1048576xf32, #tpu.memory_space<hbm>> -> memref<8192xf32, #tpu.memory_space<hbm>>
      %dma_start3A_302 = arith.constant 0 : i32
      %dma_start3A_303 = tpu.memref_slice %arg10[%dma_start3A_296, %dma_start3A_302] : memref<2x8192xf32, #tpu.memory_space<vmem>> -> memref<1x8192xf32, #tpu.memory_space<vmem>>
      %dma_start3A_304 = tpu.memref_squeeze %dma_start3A_303 : memref<1x8192xf32, #tpu.memory_space<vmem>> -> memref<8192xf32, #tpu.memory_space<vmem>>
      tpu.enqueue_dma source(%dma_start3A_304 : memref<8192xf32, #tpu.memory_space<vmem>>) target(%dma_start3A_301 : memref<8192xf32, #tpu.memory_space<hbm>>) target_semaphore(%arg13 : memref<!tpu.dma_semaphore, #tpu.memory_space<semaphore_mem>>)
    }
    %scan3A_195 = arith.constant 2 : i32
    %dma_wait3A = arith.constant 0 : i32
    %dma_wait3A_196 = arith.constant 0 : i32
    %dma_wait3A_197 = tpu.memref_slice %arg10[%dma_wait3A, %dma_wait3A_196] : memref<2x8192xf32, #tpu.memory_space<vmem>> -> memref<1x8192xf32, #tpu.memory_space<vmem>>
    %dma_wait3A_198 = tpu.memref_squeeze %dma_wait3A_197 : memref<1x8192xf32, #tpu.memory_space<vmem>> -> memref<8192xf32, #tpu.memory_space<vmem>>
    %dma_wait3A_199 = tpu.memref_slice %arg5[%mul3A_2] : memref<1048576xf32, #tpu.memory_space<hbm>> -> memref<8192xf32, #tpu.memory_space<hbm>>
    %dma_wait3A_200 = tpu.memref_slice %arg5[%mul3A_2] : memref<1048576xf32, #tpu.memory_space<hbm>> -> memref<8192xf32, #tpu.memory_space<hbm>>
    %dma_wait3A_201 = arith.constant 0 : i32
    %dma_wait3A_202 = tpu.memref_slice %arg10[%dma_wait3A, %dma_wait3A_201] : memref<2x8192xf32, #tpu.memory_space<vmem>> -> memref<1x8192xf32, #tpu.memory_space<vmem>>
    %dma_wait3A_203 = tpu.memref_squeeze %dma_wait3A_202 : memref<1x8192xf32, #tpu.memory_space<vmem>> -> memref<8192xf32, #tpu.memory_space<vmem>>
    tpu.wait_dma2 semaphore(%arg12 : memref<!tpu.dma_semaphore, #tpu.memory_space<semaphore_mem>>) src(%dma_wait3A_203 : memref<8192xf32, #tpu.memory_space<vmem>>) dst(%dma_wait3A_200 : memref<8192xf32, #tpu.memory_space<hbm>>)
    %dma_wait3A_204 = arith.constant 1 : i32
    %dma_wait3A_205 = arith.constant 0 : i32
    %dma_wait3A_206 = tpu.memref_slice %arg10[%dma_wait3A_204, %dma_wait3A_205] : memref<2x8192xf32, #tpu.memory_space<vmem>> -> memref<1x8192xf32, #tpu.memory_space<vmem>>
    %dma_wait3A_207 = tpu.memref_squeeze %dma_wait3A_206 : memref<1x8192xf32, #tpu.memory_space<vmem>> -> memref<8192xf32, #tpu.memory_space<vmem>>
    %dma_wait3A_208 = tpu.memref_slice %arg5[%mul3A_2] : memref<1048576xf32, #tpu.memory_space<hbm>> -> memref<8192xf32, #tpu.memory_space<hbm>>
    %dma_wait3A_209 = tpu.memref_slice %arg5[%mul3A_2] : memref<1048576xf32, #tpu.memory_space<hbm>> -> memref<8192xf32, #tpu.memory_space<hbm>>
    %dma_wait3A_210 = arith.constant 0 : i32
    %dma_wait3A_211 = tpu.memref_slice %arg10[%dma_wait3A_204, %dma_wait3A_210] : memref<2x8192xf32, #tpu.memory_space<vmem>> -> memref<1x8192xf32, #tpu.memory_space<vmem>>
    %dma_wait3A_212 = tpu.memref_squeeze %dma_wait3A_211 : memref<1x8192xf32, #tpu.memory_space<vmem>> -> memref<8192xf32, #tpu.memory_space<vmem>>
    tpu.wait_dma2 semaphore(%arg13 : memref<!tpu.dma_semaphore, #tpu.memory_space<semaphore_mem>>) src(%dma_wait3A_212 : memref<8192xf32, #tpu.memory_space<vmem>>) dst(%dma_wait3A_209 : memref<8192xf32, #tpu.memory_space<hbm>>)
    %scan3A_213 = arith.constant 0 : i32
    %scan3A_214 = arith.constant 0 : i32
    %scan3A_215 = arith.constant 16 : i32
    %scan3A_216 = arith.addi %scan3A_214, %scan3A_215 : i32
    %scan3A_217 = arith.constant 1 : i32
    scf.for %scan3A_259 = %scan3A_214 to %scan3A_216 step %scan3A_217  : i32 {
      "tpu.region"() ({
        %run_scoped3A = tpu.sem_alloc : memref<!tpu.dma_semaphore, #tpu.memory_space<semaphore_mem>>
        %dma_start3A = arith.constant 0 : i32
        %dma_start3A_268 = tpu.memref_slice %arg3[%scan3A_259, %dma_start3A] : memref<16x38416xf32, #tpu.memory_space<hbm>> -> memref<1x38416xf32, #tpu.memory_space<hbm>>
        %dma_start3A_269 = tpu.memref_squeeze %dma_start3A_268 : memref<1x38416xf32, #tpu.memory_space<hbm>> -> memref<38416xf32, #tpu.memory_space<hbm>>
        %dma_start3A_270 = arith.constant 0 : i32
        %dma_start3A_271 = tpu.memref_slice %arg3[%scan3A_259, %dma_start3A_270] : memref<16x38416xf32, #tpu.memory_space<hbm>> -> memref<1x38416xf32, #tpu.memory_space<hbm>>
        %dma_start3A_272 = tpu.memref_squeeze %dma_start3A_271 : memref<1x38416xf32, #tpu.memory_space<hbm>> -> memref<38416xf32, #tpu.memory_space<hbm>>
        tpu.enqueue_dma source(%dma_start3A_272 : memref<38416xf32, #tpu.memory_space<hbm>>) target(%arg7 : memref<38416xf32, #tpu.memory_space<vmem>>) target_semaphore(%run_scoped3A : memref<!tpu.dma_semaphore, #tpu.memory_space<semaphore_mem>>)
        %dma_wait3A_273 = arith.constant 0 : i32
        %dma_wait3A_274 = tpu.memref_slice %arg3[%scan3A_259, %dma_wait3A_273] : memref<16x38416xf32, #tpu.memory_space<hbm>> -> memref<1x38416xf32, #tpu.memory_space<hbm>>
        %dma_wait3A_275 = tpu.memref_squeeze %dma_wait3A_274 : memref<1x38416xf32, #tpu.memory_space<hbm>> -> memref<38416xf32, #tpu.memory_space<hbm>>
        %dma_wait3A_276 = arith.constant 0 : i32
        %dma_wait3A_277 = tpu.memref_slice %arg3[%scan3A_259, %dma_wait3A_276] : memref<16x38416xf32, #tpu.memory_space<hbm>> -> memref<1x38416xf32, #tpu.memory_space<hbm>>
        %dma_wait3A_278 = tpu.memref_squeeze %dma_wait3A_277 : memref<1x38416xf32, #tpu.memory_space<hbm>> -> memref<38416xf32, #tpu.memory_space<hbm>>
        tpu.wait_dma2 semaphore(%run_scoped3A : memref<!tpu.dma_semaphore, #tpu.memory_space<semaphore_mem>>) src(%dma_wait3A_278 : memref<38416xf32, #tpu.memory_space<hbm>>) dst(%arg7 : memref<38416xf32, #tpu.memory_space<vmem>>)
        tpu.yield
      }) : () -> ()
      %mul3A_260 = arith.constant 2 : i32
      %mul3A_261 = arith.muli %scan3A_259, %mul3A_260 : i32
      %scan3A_262 = arith.constant 0 : i32
      %scan3A_263 = arith.constant 0 : i32
      %scan3A_264 = arith.constant 2 : i32
      %scan3A_265 = arith.addi %scan3A_263, %scan3A_264 : i32
      %scan3A_266 = arith.constant 1 : i32
      scf.for %scan3A_268 = %scan3A_263 to %scan3A_265 step %scan3A_266  : i32 {
        %mul3A_269 = arith.constant 2 : i32
        %mul3A_270 = arith.muli %scan3A_268, %mul3A_269 : i32
        %add3A_271 = arith.constant 0 : i32
        %add3A_272 = arith.addi %mul3A_270, %add3A_271 : i32
        %mul3A_273 = arith.constant 4 : i32
        %mul3A_274 = arith.muli %scan3A_259, %mul3A_273 : i32
        %add3A_275 = arith.addi %mul3A_274, %add3A_272 : i32
        %ge3A = arith.constant 2 : i32
        %ge3A_276 = arith.cmpi sge, %add3A_275, %ge3A : i32
        %convert_element_type3A_277 = arith.extui %ge3A_276 : i1 to i32
        %cond3A = arith.constant 0 : i32
        %cond3A_278 = arith.cmpi ne, %convert_element_type3A_277, %cond3A : i32
        scf.if %cond3A_278 {
          %dma_wait3A_364 = arith.constant 0 : i32
          %dma_wait3A_365 = arith.constant 0 : i32
          %dma_wait3A_366 = arith.constant 0 : i32
          %dma_wait3A_367 = tpu.memref_slice %arg9[%dma_wait3A_364, %dma_wait3A_365, %dma_wait3A_366] : memref<2x2x8192xf32, #tpu.memory_space<vmem>> -> memref<1x1x8192xf32, #tpu.memory_space<vmem>>
          %dma_wait3A_368 = tpu.memref_squeeze %dma_wait3A_367 : memref<1x1x8192xf32, #tpu.memory_space<vmem>> -> memref<8192xf32, #tpu.memory_space<vmem>>
          %dma_wait3A_369 = tpu.memref_slice %arg5[%mul3A_2] : memref<1048576xf32, #tpu.memory_space<hbm>> -> memref<8192xf32, #tpu.memory_space<hbm>>
          %dma_wait3A_370 = tpu.memref_slice %arg5[%mul3A_2] : memref<1048576xf32, #tpu.memory_space<hbm>> -> memref<8192xf32, #tpu.memory_space<hbm>>
          %dma_wait3A_371 = arith.constant 0 : i32
          %dma_wait3A_372 = tpu.memref_slice %arg9[%dma_wait3A_364, %dma_wait3A_365, %dma_wait3A_371] : memref<2x2x8192xf32, #tpu.memory_space<vmem>> -> memref<1x1x8192xf32, #tpu.memory_space<vmem>>
          %dma_wait3A_373 = tpu.memref_squeeze %dma_wait3A_372 : memref<1x1x8192xf32, #tpu.memory_space<vmem>> -> memref<8192xf32, #tpu.memory_space<vmem>>
          tpu.wait_dma2 semaphore(%arg12 : memref<!tpu.dma_semaphore, #tpu.memory_space<semaphore_mem>>) src(%dma_wait3A_373 : memref<8192xf32, #tpu.memory_space<vmem>>) dst(%dma_wait3A_370 : memref<8192xf32, #tpu.memory_space<hbm>>)
          %dma_wait3A_374 = arith.constant 0 : i32
          %dma_wait3A_375 = arith.constant 1 : i32
          %dma_wait3A_376 = arith.constant 0 : i32
          %dma_wait3A_377 = tpu.memref_slice %arg9[%dma_wait3A_374, %dma_wait3A_375, %dma_wait3A_376] : memref<2x2x8192xf32, #tpu.memory_space<vmem>> -> memref<1x1x8192xf32, #tpu.memory_space<vmem>>
          %dma_wait3A_378 = tpu.memref_squeeze %dma_wait3A_377 : memref<1x1x8192xf32, #tpu.memory_space<vmem>> -> memref<8192xf32, #tpu.memory_space<vmem>>
          %dma_wait3A_379 = tpu.memref_slice %arg5[%mul3A_2] : memref<1048576xf32, #tpu.memory_space<hbm>> -> memref<8192xf32, #tpu.memory_space<hbm>>
          %dma_wait3A_380 = tpu.memref_slice %arg5[%mul3A_2] : memref<1048576xf32, #tpu.memory_space<hbm>> -> memref<8192xf32, #tpu.memory_space<hbm>>
          %dma_wait3A_381 = arith.constant 0 : i32
          %dma_wait3A_382 = tpu.memref_slice %arg9[%dma_wait3A_374, %dma_wait3A_375, %dma_wait3A_381] : memref<2x2x8192xf32, #tpu.memory_space<vmem>> -> memref<1x1x8192xf32, #tpu.memory_space<vmem>>
          %dma_wait3A_383 = tpu.memref_squeeze %dma_wait3A_382 : memref<1x1x8192xf32, #tpu.memory_space<vmem>> -> memref<8192xf32, #tpu.memory_space<vmem>>
          tpu.wait_dma2 semaphore(%arg12 : memref<!tpu.dma_semaphore, #tpu.memory_space<semaphore_mem>>) src(%dma_wait3A_383 : memref<8192xf32, #tpu.memory_space<vmem>>) dst(%dma_wait3A_380 : memref<8192xf32, #tpu.memory_space<hbm>>)
        } else {
        }
        %parallel_loop3A_279 = arith.constant 0 : i32
        %parallel_loop3A_280 = arith.constant 8192 : i32
        %parallel_loop3A_281 = arith.constant 16 : i32
        scf.for %parallel_loop3A_364 = %parallel_loop3A_279 to %parallel_loop3A_280 step %parallel_loop3A_281  : i32 {
          %parallel_loop3A_365 = arith.constant 8192 : i32
          %parallel_loop3A_366 = arith.muli %add3A_272, %parallel_loop3A_365 : i32
          %parallel_loop3A_367 = arith.addi %parallel_loop3A_366, %parallel_loop3A_364 : i32
          %parallel_loop3A_368 = arith.index_cast %parallel_loop3A_367 : i32 to index
          %parallel_loop3A_369 = tpu.vector_load %arg8[%parallel_loop3A_368] {strides = array<i32>} : memref<32768xi32, #tpu.memory_space<vmem>>, vector<16xi32>,
          %parallel_loop3A_370 = vector.broadcast %parallel_loop3A_364 : i32 to vector<16xi32>
          %parallel_loop3A_371 = arith.addi %parallel_loop3A_370, %iota3A : vector<16xi32>
          %parallel_loop3A_372 = arith.constant 16383 : i32
          %parallel_loop3A_373 = vector.broadcast %parallel_loop3A_372 : i32 to vector<16xi32>
          %parallel_loop3A_374 = arith.andi %parallel_loop3A_371, %parallel_loop3A_373 : vector<16xi32>
          %parallel_loop3A_375 = arith.constant 0 : i32
          %parallel_loop3A_376 = vector.broadcast %parallel_loop3A_375 : i32 to vector<16xi32>
          %parallel_loop3A_377 = arith.addi %parallel_loop3A_374, %parallel_loop3A_376 : vector<16xi32>
          %parallel_loop3A_378 = tpu.vector_load_idx %arg7[%parallel_loop3A_377] : memref<38416xf32, #tpu.memory_space<vmem>>[vector<16xi32>], vector<16xf32>,
          %parallel_loop3A_379 = arith.constant 0 : i32
          %parallel_loop3A_380 = arith.constant 0 : i32
          %parallel_loop3A_381 = arith.index_cast %parallel_loop3A_379 : i32 to index
          %parallel_loop3A_382 = arith.index_cast %parallel_loop3A_380 : i32 to index
          %parallel_loop3A_383 = arith.index_cast %parallel_loop3A_364 : i32 to index
          %parallel_loop3A_384 = tpu.vector_load %arg9[%parallel_loop3A_381, %parallel_loop3A_382, %parallel_loop3A_383] {strides = array<i32>} : memref<2x2x8192xf32, #tpu.memory_space<vmem>>, vector<16xf32>,
          tpu.vector_store %arg9[%parallel_loop3A_381, %parallel_loop3A_382, %parallel_loop3A_383], %parallel_loop3A_378 {strides = array<i32>} : memref<2x2x8192xf32, #tpu.memory_space<vmem>>, vector<16xf32>,
          %parallel_loop3A_385 = arith.constant 19208 : i32
          %parallel_loop3A_386 = vector.broadcast %parallel_loop3A_385 : i32 to vector<16xi32>
          %parallel_loop3A_387 = arith.addi %parallel_loop3A_374, %parallel_loop3A_386 : vector<16xi32>
          %parallel_loop3A_388 = tpu.vector_load_idx %arg7[%parallel_loop3A_387] : memref<38416xf32, #tpu.memory_space<vmem>>[vector<16xi32>], vector<16xf32>,
          %parallel_loop3A_389 = arith.constant 0 : i32
          %parallel_loop3A_390 = arith.constant 1 : i32
          %parallel_loop3A_391 = arith.index_cast %parallel_loop3A_389 : i32 to index
          %parallel_loop3A_392 = arith.index_cast %parallel_loop3A_390 : i32 to index
          %parallel_loop3A_393 = arith.index_cast %parallel_loop3A_364 : i32 to index
          %parallel_loop3A_394 = tpu.vector_load %arg9[%parallel_loop3A_391, %parallel_loop3A_392, %parallel_loop3A_393] {strides = array<i32>} : memref<2x2x8192xf32, #tpu.memory_space<vmem>>, vector<16xf32>,
          tpu.vector_store %arg9[%parallel_loop3A_391, %parallel_loop3A_392, %parallel_loop3A_393], %parallel_loop3A_388 {strides = array<i32>} : memref<2x2x8192xf32, #tpu.memory_space<vmem>>, vector<16xf32>,
        } {sc.loop_unroll_factor = 4 : i64, sc.parallel_access}
        %add3A_282 = arith.constant 0 : i32
        %add3A_283 = arith.addi %mul3A_261, %add3A_282 : i32
        %mul3A_284 = arith.constant 8192 : i32
        %mul3A_285 = arith.muli %add3A_272, %mul3A_284 : i32
        %add3A_286 = arith.addi %mul3A_2, %mul3A_285 : i32
        %dma_start3A = arith.constant 0 : i32
        %dma_start3A_287 = arith.constant 0 : i32
        %dma_start3A_288 = arith.constant 0 : i32
        %dma_start3A_289 = tpu.memref_slice %arg9[%dma_start3A, %dma_start3A_287, %dma_start3A_288] : memref<2x2x8192xf32, #tpu.memory_space<vmem>> -> memref<1x1x8192xf32, #tpu.memory_space<vmem>>
        %dma_start3A_290 = tpu.memref_squeeze %dma_start3A_289 : memref<1x1x8192xf32, #tpu.memory_space<vmem>> -> memref<8192xf32, #tpu.memory_space<vmem>>
        %dma_start3A_291 = tpu.memref_slice %arg4[%add3A_283, %add3A_286] : memref<32x1048576xf32, #tpu.memory_space<hbm>> -> memref<1x8192xf32, #tpu.memory_space<hbm>>
        %dma_start3A_292 = tpu.memref_squeeze %dma_start3A_291 : memref<1x8192xf32, #tpu.memory_space<hbm>> -> memref<8192xf32, #tpu.memory_space<hbm>>
        %dma_start3A_293 = tpu.memref_slice %arg4[%add3A_283, %add3A_286] : memref<32x1048576xf32, #tpu.memory_space<hbm>> -> memref<1x8192xf32, #tpu.memory_space<hbm>>
        %dma_start3A_294 = tpu.memref_squeeze %dma_start3A_293 : memref<1x8192xf32, #tpu.memory_space<hbm>> -> memref<8192xf32, #tpu.memory_space<hbm>>
        %dma_start3A_295 = arith.constant 0 : i32
        %dma_start3A_296 = tpu.memref_slice %arg9[%dma_start3A, %dma_start3A_287, %dma_start3A_295] : memref<2x2x8192xf32, #tpu.memory_space<vmem>> -> memref<1x1x8192xf32, #tpu.memory_space<vmem>>
        %dma_start3A_297 = tpu.memref_squeeze %dma_start3A_296 : memref<1x1x8192xf32, #tpu.memory_space<vmem>> -> memref<8192xf32, #tpu.memory_space<vmem>>
        tpu.enqueue_dma source(%dma_start3A_297 : memref<8192xf32, #tpu.memory_space<vmem>>) target(%dma_start3A_294 : memref<8192xf32, #tpu.memory_space<hbm>>) target_semaphore(%arg12 : memref<!tpu.dma_semaphore, #tpu.memory_space<semaphore_mem>>)
        %add3A_298 = arith.constant 1 : i32
        %add3A_299 = arith.addi %mul3A_261, %add3A_298 : i32
        %mul3A_300 = arith.constant 8192 : i32
        %mul3A_301 = arith.muli %add3A_272, %mul3A_300 : i32
        %add3A_302 = arith.addi %mul3A_2, %mul3A_301 : i32
        %dma_start3A_303 = arith.constant 0 : i32
        %dma_start3A_304 = arith.constant 1 : i32
        %dma_start3A_305 = arith.constant 0 : i32
        %dma_start3A_306 = tpu.memref_slice %arg9[%dma_start3A_303, %dma_start3A_304, %dma_start3A_305] : memref<2x2x8192xf32, #tpu.memory_space<vmem>> -> memref<1x1x8192xf32, #tpu.memory_space<vmem>>
        %dma_start3A_307 = tpu.memref_squeeze %dma_start3A_306 : memref<1x1x8192xf32, #tpu.memory_space<vmem>> -> memref<8192xf32, #tpu.memory_space<vmem>>
        %dma_start3A_308 = tpu.memref_slice %arg4[%add3A_299, %add3A_302] : memref<32x1048576xf32, #tpu.memory_space<hbm>> -> memref<1x8192xf32, #tpu.memory_space<hbm>>
        %dma_start3A_309 = tpu.memref_squeeze %dma_start3A_308 : memref<1x8192xf32, #tpu.memory_space<hbm>> -> memref<8192xf32, #tpu.memory_space<hbm>>
        %dma_start3A_310 = tpu.memref_slice %arg4[%add3A_299, %add3A_302] : memref<32x1048576xf32, #tpu.memory_space<hbm>> -> memref<1x8192xf32, #tpu.memory_space<hbm>>
        %dma_start3A_311 = tpu.memref_squeeze %dma_start3A_310 : memref<1x8192xf32, #tpu.memory_space<hbm>> -> memref<8192xf32, #tpu.memory_space<hbm>>
        %dma_start3A_312 = arith.constant 0 : i32
        %dma_start3A_313 = tpu.memref_slice %arg9[%dma_start3A_303, %dma_start3A_304, %dma_start3A_312] : memref<2x2x8192xf32, #tpu.memory_space<vmem>> -> memref<1x1x8192xf32, #tpu.memory_space<vmem>>
        %dma_start3A_314 = tpu.memref_squeeze %dma_start3A_313 : memref<1x1x8192xf32, #tpu.memory_space<vmem>> -> memref<8192xf32, #tpu.memory_space<vmem>>
        tpu.enqueue_dma source(%dma_start3A_314 : memref<8192xf32, #tpu.memory_space<vmem>>) target(%dma_start3A_311 : memref<8192xf32, #tpu.memory_space<hbm>>) target_semaphore(%arg12 : memref<!tpu.dma_semaphore, #tpu.memory_space<semaphore_mem>>)
        %mul3A_315 = arith.constant 2 : i32
        %mul3A_316 = arith.muli %scan3A_268, %mul3A_315 : i32
        %add3A_317 = arith.constant 1 : i32
        %add3A_318 = arith.addi %mul3A_316, %add3A_317 : i32
        %mul3A_319 = arith.constant 4 : i32
        %mul3A_320 = arith.muli %scan3A_259, %mul3A_319 : i32
        %add3A_321 = arith.addi %mul3A_320, %add3A_318 : i32
        %ge3A_322 = arith.constant 2 : i32
        %ge3A_323 = arith.cmpi sge, %add3A_321, %ge3A_322 : i32
        %convert_element_type3A_324 = arith.extui %ge3A_323 : i1 to i32
        %cond3A_325 = arith.constant 0 : i32
        %cond3A_326 = arith.cmpi ne, %convert_element_type3A_324, %cond3A_325 : i32
        scf.if %cond3A_326 {
          %dma_wait3A_364 = arith.constant 1 : i32
          %dma_wait3A_365 = arith.constant 0 : i32
          %dma_wait3A_366 = arith.constant 0 : i32
          %dma_wait3A_367 = tpu.memref_slice %arg9[%dma_wait3A_364, %dma_wait3A_365, %dma_wait3A_366] : memref<2x2x8192xf32, #tpu.memory_space<vmem>> -> memref<1x1x8192xf32, #tpu.memory_space<vmem>>
          %dma_wait3A_368 = tpu.memref_squeeze %dma_wait3A_367 : memref<1x1x8192xf32, #tpu.memory_space<vmem>> -> memref<8192xf32, #tpu.memory_space<vmem>>
          %dma_wait3A_369 = tpu.memref_slice %arg5[%mul3A_2] : memref<1048576xf32, #tpu.memory_space<hbm>> -> memref<8192xf32, #tpu.memory_space<hbm>>
          %dma_wait3A_370 = tpu.memref_slice %arg5[%mul3A_2] : memref<1048576xf32, #tpu.memory_space<hbm>> -> memref<8192xf32, #tpu.memory_space<hbm>>
          %dma_wait3A_371 = arith.constant 0 : i32
          %dma_wait3A_372 = tpu.memref_slice %arg9[%dma_wait3A_364, %dma_wait3A_365, %dma_wait3A_371] : memref<2x2x8192xf32, #tpu.memory_space<vmem>> -> memref<1x1x8192xf32, #tpu.memory_space<vmem>>
          %dma_wait3A_373 = tpu.memref_squeeze %dma_wait3A_372 : memref<1x1x8192xf32, #tpu.memory_space<vmem>> -> memref<8192xf32, #tpu.memory_space<vmem>>
          tpu.wait_dma2 semaphore(%arg13 : memref<!tpu.dma_semaphore, #tpu.memory_space<semaphore_mem>>) src(%dma_wait3A_373 : memref<8192xf32, #tpu.memory_space<vmem>>) dst(%dma_wait3A_370 : memref<8192xf32, #tpu.memory_space<hbm>>)
          %dma_wait3A_374 = arith.constant 1 : i32
          %dma_wait3A_375 = arith.constant 1 : i32
          %dma_wait3A_376 = arith.constant 0 : i32
          %dma_wait3A_377 = tpu.memref_slice %arg9[%dma_wait3A_374, %dma_wait3A_375, %dma_wait3A_376] : memref<2x2x8192xf32, #tpu.memory_space<vmem>> -> memref<1x1x8192xf32, #tpu.memory_space<vmem>>
          %dma_wait3A_378 = tpu.memref_squeeze %dma_wait3A_377 : memref<1x1x8192xf32, #tpu.memory_space<vmem>> -> memref<8192xf32, #tpu.memory_space<vmem>>
          %dma_wait3A_379 = tpu.memref_slice %arg5[%mul3A_2] : memref<1048576xf32, #tpu.memory_space<hbm>> -> memref<8192xf32, #tpu.memory_space<hbm>>
          %dma_wait3A_380 = tpu.memref_slice %arg5[%mul3A_2] : memref<1048576xf32, #tpu.memory_space<hbm>> -> memref<8192xf32, #tpu.memory_space<hbm>>
          %dma_wait3A_381 = arith.constant 0 : i32
          %dma_wait3A_382 = tpu.memref_slice %arg9[%dma_wait3A_374, %dma_wait3A_375, %dma_wait3A_381] : memref<2x2x8192xf32, #tpu.memory_space<vmem>> -> memref<1x1x8192xf32, #tpu.memory_space<vmem>>
          %dma_wait3A_383 = tpu.memref_squeeze %dma_wait3A_382 : memref<1x1x8192xf32, #tpu.memory_space<vmem>> -> memref<8192xf32, #tpu.memory_space<vmem>>
          tpu.wait_dma2 semaphore(%arg13 : memref<!tpu.dma_semaphore, #tpu.memory_space<semaphore_mem>>) src(%dma_wait3A_383 : memref<8192xf32, #tpu.memory_space<vmem>>) dst(%dma_wait3A_380 : memref<8192xf32, #tpu.memory_space<hbm>>)
        } else {
        }
        %parallel_loop3A_327 = arith.constant 0 : i32
        %parallel_loop3A_328 = arith.constant 8192 : i32
        %parallel_loop3A_329 = arith.constant 16 : i32
        scf.for %parallel_loop3A_364 = %parallel_loop3A_327 to %parallel_loop3A_328 step %parallel_loop3A_329  : i32 {
          %parallel_loop3A_365 = arith.constant 8192 : i32
          %parallel_loop3A_366 = arith.muli %add3A_318, %parallel_loop3A_365 : i32
          %parallel_loop3A_367 = arith.addi %parallel_loop3A_366, %parallel_loop3A_364 : i32
          %parallel_loop3A_368 = arith.index_cast %parallel_loop3A_367 : i32 to index
          %parallel_loop3A_369 = tpu.vector_load %arg8[%parallel_loop3A_368] {strides = array<i32>} : memref<32768xi32, #tpu.memory_space<vmem>>, vector<16xi32>,
          %parallel_loop3A_370 = vector.broadcast %parallel_loop3A_364 : i32 to vector<16xi32>
          %parallel_loop3A_371 = arith.addi %parallel_loop3A_370, %iota3A : vector<16xi32>
          %parallel_loop3A_372 = arith.constant 16383 : i32
          %parallel_loop3A_373 = vector.broadcast %parallel_loop3A_372 : i32 to vector<16xi32>
          %parallel_loop3A_374 = arith.andi %parallel_loop3A_371, %parallel_loop3A_373 : vector<16xi32>
          %parallel_loop3A_375 = arith.constant 0 : i32
          %parallel_loop3A_376 = vector.broadcast %parallel_loop3A_375 : i32 to vector<16xi32>
          %parallel_loop3A_377 = arith.addi %parallel_loop3A_374, %parallel_loop3A_376 : vector<16xi32>
          %parallel_loop3A_378 = tpu.vector_load_idx %arg7[%parallel_loop3A_377] : memref<38416xf32, #tpu.memory_space<vmem>>[vector<16xi32>], vector<16xf32>,
          %parallel_loop3A_379 = arith.constant 1 : i32
          %parallel_loop3A_380 = arith.constant 0 : i32
          %parallel_loop3A_381 = arith.index_cast %parallel_loop3A_379 : i32 to index
          %parallel_loop3A_382 = arith.index_cast %parallel_loop3A_380 : i32 to index
          %parallel_loop3A_383 = arith.index_cast %parallel_loop3A_364 : i32 to index
          %parallel_loop3A_384 = tpu.vector_load %arg9[%parallel_loop3A_381, %parallel_loop3A_382, %parallel_loop3A_383] {strides = array<i32>} : memref<2x2x8192xf32, #tpu.memory_space<vmem>>, vector<16xf32>,
          tpu.vector_store %arg9[%parallel_loop3A_381, %parallel_loop3A_382, %parallel_loop3A_383], %parallel_loop3A_378 {strides = array<i32>} : memref<2x2x8192xf32, #tpu.memory_space<vmem>>, vector<16xf32>,
          %parallel_loop3A_385 = arith.constant 19208 : i32
          %parallel_loop3A_386 = vector.broadcast %parallel_loop3A_385 : i32 to vector<16xi32>
          %parallel_loop3A_387 = arith.addi %parallel_loop3A_374, %parallel_loop3A_386 : vector<16xi32>
          %parallel_loop3A_388 = tpu.vector_load_idx %arg7[%parallel_loop3A_387] : memref<38416xf32, #tpu.memory_space<vmem>>[vector<16xi32>], vector<16xf32>,
          %parallel_loop3A_389 = arith.constant 1 : i32
          %parallel_loop3A_390 = arith.constant 1 : i32
          %parallel_loop3A_391 = arith.index_cast %parallel_loop3A_389 : i32 to index
          %parallel_loop3A_392 = arith.index_cast %parallel_loop3A_390 : i32 to index
          %parallel_loop3A_393 = arith.index_cast %parallel_loop3A_364 : i32 to index
          %parallel_loop3A_394 = tpu.vector_load %arg9[%parallel_loop3A_391, %parallel_loop3A_392, %parallel_loop3A_393] {strides = array<i32>} : memref<2x2x8192xf32, #tpu.memory_space<vmem>>, vector<16xf32>,
          tpu.vector_store %arg9[%parallel_loop3A_391, %parallel_loop3A_392, %parallel_loop3A_393], %parallel_loop3A_388 {strides = array<i32>} : memref<2x2x8192xf32, #tpu.memory_space<vmem>>, vector<16xf32>,
        } {sc.loop_unroll_factor = 4 : i64, sc.parallel_access}
        %add3A_330 = arith.constant 0 : i32
        %add3A_331 = arith.addi %mul3A_261, %add3A_330 : i32
        %mul3A_332 = arith.constant 8192 : i32
        %mul3A_333 = arith.muli %add3A_318, %mul3A_332 : i32
        %add3A_334 = arith.addi %mul3A_2, %mul3A_333 : i32
        %dma_start3A_335 = arith.constant 1 : i32
        %dma_start3A_336 = arith.constant 0 : i32
        %dma_start3A_337 = arith.constant 0 : i32
        %dma_start3A_338 = tpu.memref_slice %arg9[%dma_start3A_335, %dma_start3A_336, %dma_start3A_337] : memref<2x2x8192xf32, #tpu.memory_space<vmem>> -> memref<1x1x8192xf32, #tpu.memory_space<vmem>>
        %dma_start3A_339 = tpu.memref_squeeze %dma_start3A_338 : memref<1x1x8192xf32, #tpu.memory_space<vmem>> -> memref<8192xf32, #tpu.memory_space<vmem>>
        %dma_start3A_340 = tpu.memref_slice %arg4[%add3A_331, %add3A_334] : memref<32x1048576xf32, #tpu.memory_space<hbm>> -> memref<1x8192xf32, #tpu.memory_space<hbm>>
        %dma_start3A_341 = tpu.memref_squeeze %dma_start3A_340 : memref<1x8192xf32, #tpu.memory_space<hbm>> -> memref<8192xf32, #tpu.memory_space<hbm>>
        %dma_start3A_342 = tpu.memref_slice %arg4[%add3A_331, %add3A_334] : memref<32x1048576xf32, #tpu.memory_space<hbm>> -> memref<1x8192xf32, #tpu.memory_space<hbm>>
        %dma_start3A_343 = tpu.memref_squeeze %dma_start3A_342 : memref<1x8192xf32, #tpu.memory_space<hbm>> -> memref<8192xf32, #tpu.memory_space<hbm>>
        %dma_start3A_344 = arith.constant 0 : i32
        %dma_start3A_345 = tpu.memref_slice %arg9[%dma_start3A_335, %dma_start3A_336, %dma_start3A_344] : memref<2x2x8192xf32, #tpu.memory_space<vmem>> -> memref<1x1x8192xf32, #tpu.memory_space<vmem>>
        %dma_start3A_346 = tpu.memref_squeeze %dma_start3A_345 : memref<1x1x8192xf32, #tpu.memory_space<vmem>> -> memref<8192xf32, #tpu.memory_space<vmem>>
        tpu.enqueue_dma source(%dma_start3A_346 : memref<8192xf32, #tpu.memory_space<vmem>>) target(%dma_start3A_343 : memref<8192xf32, #tpu.memory_space<hbm>>) target_semaphore(%arg13 : memref<!tpu.dma_semaphore, #tpu.memory_space<semaphore_mem>>)
        %add3A_347 = arith.constant 1 : i32
        %add3A_348 = arith.addi %mul3A_261, %add3A_347 : i32
        %mul3A_349 = arith.constant 8192 : i32
        %mul3A_350 = arith.muli %add3A_318, %mul3A_349 : i32
        %add3A_351 = arith.addi %mul3A_2, %mul3A_350 : i32
        %dma_start3A_352 = arith.constant 1 : i32
        %dma_start3A_353 = arith.constant 1 : i32
        %dma_start3A_354 = arith.constant 0 : i32
        %dma_start3A_355 = tpu.memref_slice %arg9[%dma_start3A_352, %dma_start3A_353, %dma_start3A_354] : memref<2x2x8192xf32, #tpu.memory_space<vmem>> -> memref<1x1x8192xf32, #tpu.memory_space<vmem>>
        %dma_start3A_356 = tpu.memref_squeeze %dma_start3A_355 : memref<1x1x8192xf32, #tpu.memory_space<vmem>> -> memref<8192xf32, #tpu.memory_space<vmem>>
        %dma_start3A_357 = tpu.memref_slice %arg4[%add3A_348, %add3A_351] : memref<32x1048576xf32, #tpu.memory_space<hbm>> -> memref<1x8192xf32, #tpu.memory_space<hbm>>
        %dma_start3A_358 = tpu.memref_squeeze %dma_start3A_357 : memref<1x8192xf32, #tpu.memory_space<hbm>> -> memref<8192xf32, #tpu.memory_space<hbm>>
        %dma_start3A_359 = tpu.memref_slice %arg4[%add3A_348, %add3A_351] : memref<32x1048576xf32, #tpu.memory_space<hbm>> -> memref<1x8192xf32, #tpu.memory_space<hbm>>
        %dma_start3A_360 = tpu.memref_squeeze %dma_start3A_359 : memref<1x8192xf32, #tpu.memory_space<hbm>> -> memref<8192xf32, #tpu.memory_space<hbm>>
        %dma_start3A_361 = arith.constant 0 : i32
        %dma_start3A_362 = tpu.memref_slice %arg9[%dma_start3A_352, %dma_start3A_353, %dma_start3A_361] : memref<2x2x8192xf32, #tpu.memory_space<vmem>> -> memref<1x1x8192xf32, #tpu.memory_space<vmem>>
        %dma_start3A_363 = tpu.memref_squeeze %dma_start3A_362 : memref<1x1x8192xf32, #tpu.memory_space<vmem>> -> memref<8192xf32, #tpu.memory_space<vmem>>
        tpu.enqueue_dma source(%dma_start3A_363 : memref<8192xf32, #tpu.memory_space<vmem>>) target(%dma_start3A_360 : memref<8192xf32, #tpu.memory_space<hbm>>) target_semaphore(%arg13 : memref<!tpu.dma_semaphore, #tpu.memory_space<semaphore_mem>>)
      }
      %scan3A_267 = arith.constant 2 : i32
    }
    %scan3A_218 = arith.constant 16 : i32
    %dma_wait3A_219 = arith.constant 0 : i32
    %dma_wait3A_220 = arith.constant 0 : i32
    %dma_wait3A_221 = arith.constant 0 : i32
    %dma_wait3A_222 = tpu.memref_slice %arg9[%dma_wait3A_219, %dma_wait3A_220, %dma_wait3A_221] : memref<2x2x8192xf32, #tpu.memory_space<vmem>> -> memref<1x1x8192xf32, #tpu.memory_space<vmem>>
    %dma_wait3A_223 = tpu.memref_squeeze %dma_wait3A_222 : memref<1x1x8192xf32, #tpu.memory_space<vmem>> -> memref<8192xf32, #tpu.memory_space<vmem>>
    %dma_wait3A_224 = tpu.memref_slice %arg5[%mul3A_2] : memref<1048576xf32, #tpu.memory_space<hbm>> -> memref<8192xf32, #tpu.memory_space<hbm>>
    %dma_wait3A_225 = tpu.memref_slice %arg5[%mul3A_2] : memref<1048576xf32, #tpu.memory_space<hbm>> -> memref<8192xf32, #tpu.memory_space<hbm>>
    %dma_wait3A_226 = arith.constant 0 : i32
    %dma_wait3A_227 = tpu.memref_slice %arg9[%dma_wait3A_219, %dma_wait3A_220, %dma_wait3A_226] : memref<2x2x8192xf32, #tpu.memory_space<vmem>> -> memref<1x1x8192xf32, #tpu.memory_space<vmem>>
    %dma_wait3A_228 = tpu.memref_squeeze %dma_wait3A_227 : memref<1x1x8192xf32, #tpu.memory_space<vmem>> -> memref<8192xf32, #tpu.memory_space<vmem>>
    tpu.wait_dma2 semaphore(%arg12 : memref<!tpu.dma_semaphore, #tpu.memory_space<semaphore_mem>>) src(%dma_wait3A_228 : memref<8192xf32, #tpu.memory_space<vmem>>) dst(%dma_wait3A_225 : memref<8192xf32, #tpu.memory_space<hbm>>)
    %dma_wait3A_229 = arith.constant 0 : i32
    %dma_wait3A_230 = arith.constant 1 : i32
    %dma_wait3A_231 = arith.constant 0 : i32
    %dma_wait3A_232 = tpu.memref_slice %arg9[%dma_wait3A_229, %dma_wait3A_230, %dma_wait3A_231] : memref<2x2x8192xf32, #tpu.memory_space<vmem>> -> memref<1x1x8192xf32, #tpu.memory_space<vmem>>
    %dma_wait3A_233 = tpu.memref_squeeze %dma_wait3A_232 : memref<1x1x8192xf32, #tpu.memory_space<vmem>> -> memref<8192xf32, #tpu.memory_space<vmem>>
    %dma_wait3A_234 = tpu.memref_slice %arg5[%mul3A_2] : memref<1048576xf32, #tpu.memory_space<hbm>> -> memref<8192xf32, #tpu.memory_space<hbm>>
    %dma_wait3A_235 = tpu.memref_slice %arg5[%mul3A_2] : memref<1048576xf32, #tpu.memory_space<hbm>> -> memref<8192xf32, #tpu.memory_space<hbm>>
    %dma_wait3A_236 = arith.constant 0 : i32
    %dma_wait3A_237 = tpu.memref_slice %arg9[%dma_wait3A_229, %dma_wait3A_230, %dma_wait3A_236] : memref<2x2x8192xf32, #tpu.memory_space<vmem>> -> memref<1x1x8192xf32, #tpu.memory_space<vmem>>
    %dma_wait3A_238 = tpu.memref_squeeze %dma_wait3A_237 : memref<1x1x8192xf32, #tpu.memory_space<vmem>> -> memref<8192xf32, #tpu.memory_space<vmem>>
    tpu.wait_dma2 semaphore(%arg12 : memref<!tpu.dma_semaphore, #tpu.memory_space<semaphore_mem>>) src(%dma_wait3A_238 : memref<8192xf32, #tpu.memory_space<vmem>>) dst(%dma_wait3A_235 : memref<8192xf32, #tpu.memory_space<hbm>>)
    %dma_wait3A_239 = arith.constant 1 : i32
    %dma_wait3A_240 = arith.constant 0 : i32
    %dma_wait3A_241 = arith.constant 0 : i32
    %dma_wait3A_242 = tpu.memref_slice %arg9[%dma_wait3A_239, %dma_wait3A_240, %dma_wait3A_241] : memref<2x2x8192xf32, #tpu.memory_space<vmem>> -> memref<1x1x8192xf32, #tpu.memory_space<vmem>>
    %dma_wait3A_243 = tpu.memref_squeeze %dma_wait3A_242 : memref<1x1x8192xf32, #tpu.memory_space<vmem>> -> memref<8192xf32, #tpu.memory_space<vmem>>
    %dma_wait3A_244 = tpu.memref_slice %arg5[%mul3A_2] : memref<1048576xf32, #tpu.memory_space<hbm>> -> memref<8192xf32, #tpu.memory_space<hbm>>
    %dma_wait3A_245 = tpu.memref_slice %arg5[%mul3A_2] : memref<1048576xf32, #tpu.memory_space<hbm>> -> memref<8192xf32, #tpu.memory_space<hbm>>
    %dma_wait3A_246 = arith.constant 0 : i32
    %dma_wait3A_247 = tpu.memref_slice %arg9[%dma_wait3A_239, %dma_wait3A_240, %dma_wait3A_246] : memref<2x2x8192xf32, #tpu.memory_space<vmem>> -> memref<1x1x8192xf32, #tpu.memory_space<vmem>>
    %dma_wait3A_248 = tpu.memref_squeeze %dma_wait3A_247 : memref<1x1x8192xf32, #tpu.memory_space<vmem>> -> memref<8192xf32, #tpu.memory_space<vmem>>
    tpu.wait_dma2 semaphore(%arg13 : memref<!tpu.dma_semaphore, #tpu.memory_space<semaphore_mem>>) src(%dma_wait3A_248 : memref<8192xf32, #tpu.memory_space<vmem>>) dst(%dma_wait3A_245 : memref<8192xf32, #tpu.memory_space<hbm>>)
    %dma_wait3A_249 = arith.constant 1 : i32
    %dma_wait3A_250 = arith.constant 1 : i32
    %dma_wait3A_251 = arith.constant 0 : i32
    %dma_wait3A_252 = tpu.memref_slice %arg9[%dma_wait3A_249, %dma_wait3A_250, %dma_wait3A_251] : memref<2x2x8192xf32, #tpu.memory_space<vmem>> -> memref<1x1x8192xf32, #tpu.memory_space<vmem>>
    %dma_wait3A_253 = tpu.memref_squeeze %dma_wait3A_252 : memref<1x1x8192xf32, #tpu.memory_space<vmem>> -> memref<8192xf32, #tpu.memory_space<vmem>>
    %dma_wait3A_254 = tpu.memref_slice %arg5[%mul3A_2] : memref<1048576xf32, #tpu.memory_space<hbm>> -> memref<8192xf32, #tpu.memory_space<hbm>>
    %dma_wait3A_255 = tpu.memref_slice %arg5[%mul3A_2] : memref<1048576xf32, #tpu.memory_space<hbm>> -> memref<8192xf32, #tpu.memory_space<hbm>>
    %dma_wait3A_256 = arith.constant 0 : i32
    %dma_wait3A_257 = tpu.memref_slice %arg9[%dma_wait3A_249, %dma_wait3A_250, %dma_wait3A_256] : memref<2x2x8192xf32, #tpu.memory_space<vmem>> -> memref<1x1x8192xf32, #tpu.memory_space<vmem>>
    %dma_wait3A_258 = tpu.memref_squeeze %dma_wait3A_257 : memref<1x1x8192xf32, #tpu.memory_space<vmem>> -> memref<8192xf32, #tpu.memory_space<vmem>>
    tpu.wait_dma2 semaphore(%arg13 : memref<!tpu.dma_semaphore, #tpu.memory_space<semaphore_mem>>) src(%dma_wait3A_258 : memref<8192xf32, #tpu.memory_space<vmem>>) dst(%dma_wait3A_255 : memref<8192xf32, #tpu.memory_space<hbm>>)
    return
  }
}

</mosaic_0001>

<sc_bundles>
// kernel: kernel.3.cloned.1.call-start
scs
__scs_entry_jumppad:
0x0: {  	(pc) =	sbr.rel $0x88, $3  }
0x1: {  	(tag) =	ssettag $0x0;
	lr =	simm.s32 $0x1  }
0x2: {  	[smem:$0x3F9E] =	sst lr;
	_ =	strace $0xD0000000  }
0x3: {  	_ = 	snop  }
0x4: {  	_ = 	snop  }
0x5: {  	_ = 	snop  }
0x6: {  	_ = 	snop  }
0x7: {  	_ = 	snop  }
__scs_overlays_trampoline_lowered:
0x8: {  	[smem:$0x3FAD] =	sst s0  }
0x9: {  	[smem:$0x3FAE] =	sst s1  }
0xa: {  	[smem:$0x3FAF] =	sst s2  }
0xb: {  	[smem:$0x3FB0] =	sst s3  }
0xc: {  	[smem:$0x3FB1] =	sst s4  }
0xd: {  	[smem:$0x3FB2] =	sst s5  }
0xe: {  	[smem:$0x3FB3] =	sst s6  }
0xf: {  	[smem:$0x3FB4] =	sst s7  }
0x10: {  	[smem:$0x3FB5] =	sst s8  }
0x11: {  	[smem:$0x3FB6] =	sst s9;
	s0 =	simm.s32 @!p0 $0x0  }
0x12: {  	s1 =	sld [smem:$0x3F9C];
	s0 =	simm.s32 @p0 $0x1  }
0x13: {  	[smem:$0x3FB7] =	sst s0;
	s0 =	simm.s32 @!p1 $0x0  }
0x14: {  	s2 =	sld [smem:$0x3F9B];
	s0 =	simm.s32 @p1 $0x1  }
0x15: {  	[smem:$0x3FB8] =	sst s0;
	s0 =	simm.s32 @!p2 $0x0  }
0x16: {  	s3 =	sld [smem:$0x3FDB];
	s0 =	simm.s32 @p2 $0x1  }
0x17: {  	s4 =	simm.s32 $0x1BF5;
	[smem:$0x3FBA] =	sst s0  }
0x18: {  	s0 =	sld [smem:$0x3F9D];
	_ =	swait.ge [sflag:s4], $0x0  }
0x19: {  	s7 =	sld [smem:$0x3F9E]  }
0x1a: {  	s8 =	sadd.s32 $0xFFFFE003, lr  }
0x1b: {  	s9 =	sadd.s32 $0xFFFFFEF7, lr;
	s5 =	simm.s32 $0xFFFFFFFF;
	p2 =	slt.u32 s8, $0xFFFFF086  }
0x1c: {  	p1 =	slt.u32 s9, $0xF7A;
	s5 =	simm.s32 @!p2 $0x0  }
0x1d: {  	s5 =	simm.s32 @p1 $0x1;
	p0 =	seq.s32 s7, s2  }
0x1e: {  	s7 =	smul.u32 @!p0 $0xF7A, s2;
	p2 =	seq.s32 @!p0 s5, $0x0  }
0x1f: {  	s9 =	smul.u32 $0xF7A, s1;
	s8 =	simm.s32 @!p0 $0x1BF5;
	p2 =	por !p2, p0  }
0x20: {  	[sflag:s8] =	ssyncset.s32 @!p0 $0xFFFFF086;
	s6 =	sadd.s32 @!p0 s3, s7;
	s7 =	simm.s32 @!p0 $0x108  }
0x21: {  	s3 =	sadd.s32 s3, s9;
	s6 =	sadd.s32 @!p0 $0x88, s6;
	s7 =	simm.s32 @p2 $0x1082  }
0x22: {  	[simem:s7], [sflag:s8] =	dma.local @!p0 [hbm:s6], $0xF7A  }
0x23: {  	s9 =	sor.u32 $0xD0000000, s2;
	s6 =	simm.s32 $0x108;
	_ =	swait.ge @!p0 [sflag:s8], $0x0  }
0x24: {  	s3 =	sadd.s32 $0x88, s3;
	s6 =	simm.s32 @!p1 $0x1082;
	[sflag:s4] =	ssyncset.s32 $0xFFFFF086  }
0x25: {  	[simem:s6], [sflag:s4] =	dma.local [hbm:s3], $0xF7A  }
0x26: {  	[smem:$0x3F9E] =	sst s1;
	(tag) =	ssettag s2;
	_ =	strace s9  }
0x27: {  	s1 =	sld [smem:$0x3FAE]  }
0x28: {  	s2 =	sld [smem:$0x3FAF]  }
0x29: {  	s4 =	sld [smem:$0x3FB1]  }
0x2a: {  	p0 =	seq.s32 s5, $0x0;
	s5 =	sld [smem:$0x3FB2]  }
0x2b: {  	s6 =	sld [smem:$0x3FB3]  }
0x2c: {  	s7 =	sld [smem:$0x3FB4]  }
0x2d: {  	s3 =	simm.s32 $0x108;
	s8 =	sld [smem:$0x3FB5]  }
0x2e: {  	s3 =	simm.s32 @!p0 $0x1082;
	s9 =	sld [smem:$0x3FB6]  }
0x2f: {  	lr =	sadd.s32 s0, s3;
	s0 =	sld [smem:$0x3FAD]  }
0x30: {  	s3 =	sld [smem:$0x3FB0]  }
0x31: {  	[smem:$0x3FB9] =	sst s10  }
0x32: {  	s10 =	sld [smem:$0x3FB7];
	_ =	sdelay $0x3  }
0x33: {  	p0 =	seq.s32 s10, $0x1;
	s10 =	sld [smem:$0x3FB9];
	_ =	sdelay $0x3  }
0x34: {  	[smem:$0x3FB9] =	sst s10  }
0x35: {  	s10 =	sld [smem:$0x3FB8];
	_ =	sdelay $0x3  }
0x36: {  	p1 =	seq.s32 s10, $0x1;
	s10 =	sld [smem:$0x3FB9];
	_ =	sdelay $0x3  }
0x37: {  	[smem:$0x3FB9] =	sst s10  }
0x38: {  	s10 =	sld [smem:$0x3FBA]  }
0x39: {  	_ = 	snop;
	(pc) =	sbr.ind lr, $3  }
0x3a: {  	_ = 	snop  }
0x3b: {  	_ = 	snop  }
0x3c: {  	p2 =	seq.s32 s10, $0x1;
	s10 =	sld [smem:$0x3FB9]  }
0x3d: {  	_ =	shalt  }
0x3e: {  	_ =	shalt  }
0x3f: {  	_ =	shalt  }
0x40: {  	_ =	shalt  }
0x41: {  	_ =	shalt  }
0x42: {  	_ =	shalt  }
0x43: {  	_ =	shalt  }
0x44: {  	_ =	shalt  }
0x45: {  	_ =	shalt  }
0x46: {  	_ =	shalt  }
0x47: {  	_ =	shalt  }
0x48: {  	_ =	shalt  }
0x49: {  	_ =	shalt  }
0x4a: {  	_ =	shalt  }
0x4b: {  	_ =	shalt  }
0x4c: {  	_ =	shalt  }
0x4d: {  	_ =	shalt  }
0x4e: {  	_ =	shalt  }
0x4f: {  	_ =	shalt  }
0x50: {  	_ =	shalt  }
0x51: {  	_ =	shalt  }
0x52: {  	_ =	shalt  }
0x53: {  	_ =	shalt  }
0x54: {  	_ =	shalt  }
0x55: {  	_ =	shalt  }
0x56: {  	_ =	shalt  }
0x57: {  	_ =	shalt  }
0x58: {  	_ =	shalt  }
0x59: {  	_ =	shalt  }
0x5a: {  	_ =	shalt  }
0x5b: {  	_ =	shalt  }
0x5c: {  	_ =	shalt  }
0x5d: {  	_ =	shalt  }
0x5e: {  	_ =	shalt  }
0x5f: {  	_ =	shalt  }
0x60: {  	_ =	shalt  }
0x61: {  	_ =	shalt  }
0x62: {  	_ =	shalt  }
0x63: {  	_ =	shalt  }
0x64: {  	_ =	shalt  }
0x65: {  	_ =	shalt  }
0x66: {  	_ =	shalt  }
0x67: {  	_ =	shalt  }
0x68: {  	_ =	shalt  }
0x69: {  	_ =	shalt  }
0x6a: {  	_ =	shalt  }
0x6b: {  	_ =	shalt  }
0x6c: {  	_ =	shalt  }
0x6d: {  	_ =	shalt  }
0x6e: {  	_ =	shalt  }
0x6f: {  	_ =	shalt  }
0x70: {  	_ =	shalt  }
0x71: {  	_ =	shalt  }
0x72: {  	_ =	shalt  }
0x73: {  	_ =	shalt  }
0x74: {  	_ =	shalt  }
0x75: {  	_ =	shalt  }
0x76: {  	_ =	shalt  }
0x77: {  	_ =	shalt  }
0x78: {  	_ =	shalt  }
0x79: {  	_ =	shalt  }
0x7a: {  	_ =	shalt  }
0x7b: {  	_ =	shalt  }
0x7c: {  	_ =	shalt  }
0x7d: {  	_ =	shalt  }
0x7e: {  	_ =	shalt  }
0x7f: {  	_ =	shalt  }
0x80: {  	_ =	shalt  }
0x81: {  	_ =	shalt  }
0x82: {  	_ =	shalt  }
0x83: {  	_ =	shalt  }
0x84: {  	_ =	shalt  }
0x85: {  	_ =	shalt  }
0x86: {  	_ =	shalt  }
0x87: {  	_ =	shalt  }
.Lfunc_end0:
.L_simem_size_0:
called_computation_lowered:
.L_overlay_start_0:
0x88: {  	s2 =	sld [smem:$0x3FD9]  }
0x89: {  	s3 =	sld [smem:$0x3FFE];
	_ =	sdelay $0x1  }
0x8a: {  	s1 =	srdreg.scid  }
0x8b: {  	s0 =	sand.u32 $0x1, s1  }
0x8c: {  	s14 =	sshll.u32 s0, $0xA;
	s2 =	sadd.s32 s3, s2  }
0x8d: {  	s2 =	sadd.s32 s2, s14  }
0x8e: {  	[smem:$0x3FC5] =	sst s2  }
0x8f: {  	_ = 	snop  }
0x90: {  	s2 =	sld [smem:$0x3FD0];
	_ =	sdelay $0x2  }
0x91: {  	s15 =	simm.s32 $0xA;
	s4 =	simm.s32 $0x10  }
0x92: {  	[smem:s4], [sflag:s15] =	dma.local [hbm:s2], $0x1  }
0x93: {  	_ =	swait.eq [sflag:s15], $0x1  }
0x94: {  	[sflag:s15] =	ssyncset.done $0x0  }
0x95: {  	s16 =	sld [smem:$0x10];
	[sflag:s15] =	ssyncadd.s32 $0xFFFFFFFF  }
0x96: {  	s17 =	sld [smem:$0x11];
	(tm) =	ssettm $0x1  }
0x97: {  	s18 =	sld [smem:$0x3FFB];
	_ =	sdelay $0x3  }
0x98: {  	_ =	strace s18  }
0x99: {  	s4 =	sld [smem:$0x3FFC];
	_ =	sdelay $0x3  }
0x9a: {  	_ =	strace s4  }
0x9b: {  	s4 =	sld [smem:$0x3FFD];
	_ =	sdelay $0x3  }
0x9c: {  	_ =	strace s4  }
0x9d: {  	_ =	strace $0x8FFFFFFF  }
0x9e: {  	s19 =	sld [smem:$0x3FDB];
	_ =	sdelay $0x1  }
0x9f: {  	s5 =	simm.s32 $_scs_section_size  }
0xa0: {  	s6 =	simm.s32 $_size__tile_overlayer_lowered;
	s7 =	simm.s32 $_tile_overlayer_lowered  }
0xa1: {  	s22 =	simm.s32 $0x1BFF;
	s21 =	sshll.u32 s7, $0x1;
	s4 =	sadd.s32 s5, s19  }
0xa2: {  	s8 =	simm.s32 $0x0;
	s20 =	sshll.u32 s6, $0x1;
	s6 =	sadd.s32 s21, s4  }
0xa3: {  	[timem:s8], [sflag:s22] =	dma.local [hbm:s6], s20  }
0xa4: {  	_ =	swait.ge [sflag:s22], s20  }
0xa5: {  	s5 =	ssub.s32 $0x0, s20;
	[sflag:s22] =	ssyncset.done $0x0  }
0xa6: {  	[sflag:s22] =	ssyncadd.s32 s5;
	_ =	sdelay $0x1  }
0xa7: {  	s23 =	simm.s32 $0x1B8B  }
0xa8: {  	_ =	swait.ge [sflag:s23], $0x1  }
0xa9: {  	[sflag:s23] =	ssyncset.done $0x0  }
0xaa: {  	s25 =	simm.s32 $0x1B8E;
	s24 =	sld [smem:$0x3FFE];
	[sflag:s23] =	ssyncadd.s32 $0xFFFFFFFF  }
0xab: {  	s26 =	simm.s32 $execute0_lowered;
	[smem:$0x3FD2] =	sst s25  }
0xac: {  	s6 =	sshll.u32 s26, $0x1;
	_ =	strace $0x80000046;
	[dreg:$0x1] =	wrdreg $0xFFFFFFFF  }
0xad: {  	s28 =	simm.s32 $_size_execute0_lowered;
	s4 =	sadd.s32 s4, s6;
	[dreg:$0x0] =	wrdreg $0x0  }
0xae: {  	s6 =	sshll.u32 s28, $0x1;
	[dreg:$0x2] =	wrdreg s4  }
0xaf: {  	[dreg:$0x3] =	wrdreg s6  }
0xb0: {  	[dreg:$0x4] =	wrdreg $0xC0  }
0xb1: {  	_ =	task [dreg:s8], $0x5FFFF  }
0xb2: {  	[dreg:$0x1] =	wrdreg $0xFFFFFFFF  }
0xb3: {  	[dreg:$0x0] =	wrdreg $0x60  }
0xb4: {  	[dreg:$0x2] =	wrdreg s17  }
0xb5: {  	[dreg:$0x3] =	wrdreg s24  }
0xb6: {  	[dreg:$0x4] =	wrdreg s16  }
0xb7: {  	[dreg:$0x5] =	wrdreg $0x9  }
0xb8: {  	_ =	task.clear_ibuf [dreg:s8], $0x6FFFF;
	_ =	strace $0x90000046  }
0xb9: {  	s29 =	simm.s32 $0x9;
	_ =	strace $0x80000048  }
0xba: {  	_ =	swait.ge [sflag:s29], $0x1  }
0xbb: {  	[sflag:s29] =	ssyncadd.s32 $0xFFFFFFFF  }
0xbc: {  	_ =	strace $0x90000048  }
0xbd: {  	_ =	sfence  }
0xbe: {  	s30 =	sld [smem:$0x0];
	_ =	sdelay $0x2  }
0xbf: {  	s31 =	sshll.u32 s1, $0xD;
	s1 =	sshrl.u32 s1, $0x2  }
0xc0: {  	s3 =	sand.u32 $0x4000, s31;
	s1 =	sadd.s32 s1, s30  }
0xc1: {  	s0 =	sor.u32 s3, s0;
	s1 =	sshll.u32 s1, $0x11  }
0xc2: {  	s0 =	sor.u32 s1, s0  }
0xc3: {  	s0 =	sadd.s32 $0x8F2B, s0  }
0xc4: {  	[sflag:s0] =	ssyncadd.remote.s32 $0x1  }
0xc5: {  	_ =	sfence.sel $0xFFFF  }
0xc6: {  	[dreg:$0x0] =	wrdreg $0xFFFFFFFF;
	(pc) =	sbr.abs _section_cstart, $3  }
0xc7: {  	[dreg:$0x1] =	wrdreg $0xFFFFFFFF  }
0xc8: {  	_ =	task.clear_ibuf [dreg:s8], $0x2FFFF;
	_ =	strace $0x9FFFFFFF  }
0xc9: {  	(tm) =	ssettm $0x7FFFFFFF  }
tec
execute0_lowered:
.L_overlay_start_1:
0x0: {  	(tag) =	ssettag $0x1  }
0x1: {  	v0 =	vimm.f32 $5.999999640e-01;
	vm14 =	vcmask $0x300  }
0x2: {  	vm13 =	vcmask $0x704;
	vm12 =	vcmask $0xB08;
	vm11 =	vcmask $0xF0C  }
0x3: {  	vm10 =	vcmask $0x1310;
	vm8 =	vcmask $0x1714;
	vm9 =	vcmask $0x1B18  }
0x4: {  	s1 =	rddreg [dreg:$0x1];
	vm5 =	vcmask $0x1F1C;
	vm6 =	vcmask $0x2320;
	vm7 =	vcmask $0x2724  }
0x5: {  	s3 =	simm.s32 $0x0;
	vm4 =	vcmask $0x2B28;
	vm3 =	vcmask $0x2F2C;
	v2 =	vimm.f32 $1.240000010e+00;
	s11 =	simm.s32 $0x1D620;
	s12 =	simm.s32 $0x9620  }
0x6: {  	vm1 =	vcmask $0x3330;
	v3 =	vimm.f32 $1.880000000e+00;
	s13 =	simm.s32 $0x19620;
	s14 =	simm.s32 $0x1B620;
	s18 =	simm.s32 $0x11620  }
0x7: {  	vm2 =	vcmask $0x3734;
	v4 =	vimm.f32 $2.519999980e+00;
	s19 =	simm.s32 $0x13620;
	s20 =	simm.s32 $0x15620;
	s21 =	simm.s32 $0x17620  }
0x8: {  	vm0 =	vcmask $0x3B38;
	v0 =	vsel vm14, $0x0, v0;
	[smem:$0x7FF] =	sst s3;
	s5 =	sadd.s32 $0x600, s1;
	s6 =	sadd.s32 $0x13400, s1;
	v2 =	vsel vm14, $0x3F23D70A, v2  }
0x9: {  	v3 =	vsel vm14, $0x3FA3D70A, v3;
	v4 =	vsel vm14, $0x3FF5C28F, v4;
	v0 =	vsel vm13, $0x3D23D70A, v0  }
0xa: {  	s2 =	rddreg [dreg:$0x2];
	_ =	strace $0x80000047;
	v2 =	vsel vm13, $0x3F2E147B, v2;
	v3 =	vsel vm13, $0x3FA8F5C2, v3  }
0xb: {  	s0 =	stileid.u32;
	v4 =	vsel vm13, $0x3FFAE147, v4;
	v0 =	vsel vm12, $0x3DA3D70A, v0;
	v2 =	vsel vm12, $0x3F3851EB, v2  }
0xc: {  	s29 =	sshll.u32 s0, $0xF;
	v3 =	vsel vm12, $0x3FAE147B, v3;
	v4 =	vsel vm12, $0x40000000, v4;
	v0 =	vsel vm11, $0x3DF5C28F, v0  }
0xd: {  	v2 =	vsel vm11, $0x3F428F5C, v2;
	v3 =	vsel vm11, $0x3FB33333, v3;
	v4 =	vsel vm11, $0x40028F5C, v4  }
0xe: {  	v0 =	vsel vm10, $0x3E23D70A, v0;
	v2 =	vsel vm10, $0x3F4CCCCC, v2;
	v3 =	vsel vm10, $0x3FB851EB, v3  }
0xf: {  	v4 =	vsel vm10, $0x40051EB8, v4;
	v0 =	vsel vm8, $0x3E4CCCCC, v0;
	v2 =	vsel vm8, $0x3F570A3D, v2  }
0x10: {  	v3 =	vsel vm8, $0x3FBD70A4, v3;
	v4 =	vsel vm8, $0x4007AE14, v4;
	v0 =	vsel vm9, $0x3E75C28F, v0  }
0x11: {  	v2 =	vsel vm9, $0x3F6147AE, v2;
	v3 =	vsel vm9, $0x3FC28F5C, v3;
	v4 =	vsel vm9, $0x400A3D70, v4  }
0x12: {  	v0 =	vsel vm5, $0x3E8F5C29, v0;
	v2 =	vsel vm5, $0x3F6B851E, v2;
	v3 =	vsel vm5, $0x3FC7AE14, v3  }
0x13: {  	s4 =	srdreg.scid;
	v4 =	vsel vm5, $0x400CCCCD, v4;
	v0 =	vsel vm6, $0x3EA3D70A, v0;
	v2 =	vsel vm6, $0x3F75C28F, v2  }
0x14: {  	s28 =	sand.u32 $0x1, s4;
	v3 =	vsel vm6, $0x3FCCCCCC, v3;
	v4 =	vsel vm6, $0x400F5C29, v4;
	v0 =	vsel vm7, $0x3EB851EB, v0  }
0x15: {  	s9 =	sshll.u32 s0, $0x9;
	s7 =	sshll.u32 s28, $0x13;
	v2 =	vsel vm7, $0x3F800000, v2;
	v3 =	vsel vm7, $0x3FD1EB85, v3;
	v4 =	vsel vm7, $0x4011EB85, v4  }
0x16: {  	v0 =	vsel vm4, $0x3ECCCCCC, v0;
	v2 =	vsel vm4, $0x3F851EB8, v2;
	v3 =	vsel vm4, $0x3FD70A3D, v3  }
0x17: {  	v4 =	vsel vm4, $0x40147AE1, v4;
	v1 =	vsel vm3, $0x3EE147AE, v0;
	v2 =	vsel vm3, $0x3F8A3D70, v2  }
0x18: {  	v3 =	vsel vm3, $0x3FDC28F5, v3;
	v4 =	vsel vm3, $0x40170A3D, v4;
	v1 =	vsel vm1, $0x3EF5C28F, v1  }
0x19: {  	v2 =	vsel vm1, $0x3F8F5C29, v2;
	v3 =	vsel vm1, $0x3FE147AE, v3;
	v1 =	vsel vm2, $0x3F051EB8, v1  }
0x1a: {  	s15 =	simm.s32 $0x1;
	s1 =	ssub.s32 $0x2, s28;
	v6 =	vsel vm1, $0x40199999, v4;
	v2 =	vsel vm2, $0x3F947AE1, v2;
	v1 =	vsel vm0, $0x3F0F5C29, v1  }
0x1b: {  	s16 =	simm.s32 $0x2;
	s8 =	sshll.u32 s28, $0xD;
	s10 =	sshrl.u32 s1, $0x1;
	v0 =	vlaneseq.u32;
	v5 =	vsel vm2, $0x3FE66666, v3;
	[tilespmem:$0x1FFC0] =	vst v1;
	v1 =	vsel vm0, $0x3F999999, v2  }
0x1c: {  	s17 =	simm.s32 $0x10;
	s22 =	simm.s32 $0x0;
	s1 =	ssub.s32 s1, s10;
	v3 =	vmul.u32 $0x80, v0;
	[tilespmem:$0x1FFD0] =	vst v1;
	v1 =	vsel vm0, $0x3FEB851E, v5;
	v5 =	vsel vm2, $0x401C28F6, v6  }
0x1d: {  	v9 =	vimm.f32 $0.0e+00;
	s7 =	sor.u32 s29, s7;
	s30 =	sor.u32 s9, s8;
	s31 =	smax.u32 s1, $0x1;
	[tilespmem:$0x1FFE0] =	vst v1;
	v1 =	vsel vm0, $0x401EB852, v5  }
0x1e: {  	s9 =	sor.u32 $0x10, s30;
	s10 =	simm.s32 $0x3;
	[dreg:$0x4] =	wrdreg s31;
	v7 =	vor.u32 $0x1000, v3;
	v8 =	vor.u32 $0x1800, v3;
	v6 =	vor.u32 $0x800, v3;
	[tilespmem:$0x1FFF0] =	vst v1  }
.LBB2_1:
0x1f: {  	s0 =	rddreg [dreg:$0x0]  }
0x20: {  	[tilespmem:s3], [sflag:$0x3] =	stream.linear.gather [hbm4b:s0+s3], $0x10, $0x38;
	[tilespmem:$0x1DC20] =	vst v63  }
0x21: {  	s1 =	sadd.s32 $0xFFFFFFF0, s9;
	v16 =	vmov s9;
	v17 =	vor.u32 s9, v0;
	_ =	swait.ge [sflag:s10], $0x10  }
0x22: {  	s31 =	sadd.s32 $0x20, s9;
	v18 =	vmov s1;
	v19 =	vor.u32 s1, v0;
	v16 =	vshrl.u32 v16, $0x7;
	[sflag:s10] =	ssyncset.done $0x0  }
0x23: {  	v17 =	vand.u32 $0x7F, v17;
	v30 =	vmov s31;
	v32 =	vor.u32 s31, v0;
	[sflag:s10] =	ssyncadd.s32 $0xFFFFFFF0  }
0x24: {  	s4 =	sadd.s32 $0xFFFFFFF0, s31;
	v18 =	vshrl.u32 v18, $0x7;
	v19 =	vand.u32 $0x6F, v19;
	v16 =	vcvt.s32.f32 v16;
	v10 =	vld [tilespmem:$0x0]  }
0x25: {  	v17 =	vcvt.s32.f32 v17;
	v29 =	vmov s4;
	v31 =	vor.u32 s4, v0  }
0x26: {  	v30 =	vshrl.u32 v30, $0x7;
	v32 =	vand.u32 $0x7F, v32;
	v18 =	vcvt.s32.f32 v18  }
0x27: {  	v19 =	vcvt.s32.f32 v19;
	v29 =	vshrl.u32 v29, $0x7;
	v30 =	vcvt.s32.f32 v30  }
0x28: {  	v31 =	vand.u32 $0x6F, v31;
	v21 =	vmul.f32 $3.999999910e-02, v16;
	v22 =	vmul.f32 $3.999999910e-02, v17  }
0x29: {  	v29 =	vcvt.s32.f32 v29;
	v31 =	vcvt.s32.f32 v31;
	v11 =	vshrl.u32 v10, $0x10  }
0x2a: {  	v19 =	vmul.f32 $3.999999910e-02, v19;
	v12 =	vbroadcast v10, $0xD;
	v11 =	vand.u32 $0x1, v11  }
0x2b: {  	v20 =	vmul.f32 $3.999999910e-02, v18;
	v29 =	vmul.f32 $3.999999910e-02, v29;
	v11 =	vadd.s32 v11, v10  }
0x2c: {  	v31 =	vmul.f32 $3.999999910e-02, v31;
	v19 =	vadd.f32 v19, v12;
	v11 =	vadd.s32 $0x7FFF, v11  }
0x2d: {  	v22 =	vadd.f32 v22, v12;
	v24 =	vand.u32 $0xFFFF0000, v11;
	v11 =	vbroadcast v10, $0xC  }
0x2e: {  	v25 =	vshrl.u32 v19, $0x10;
	v13 =	vbroadcast v24, $0x0;
	v14 =	vbroadcast v24, $0x1  }
0x2f: {  	v15 =	vbroadcast v24, $0x4;
	v18 =	vbroadcast v24, $0x5;
	v25 =	vand.u32 $0x1, v25  }
0x30: {  	v20 =	vadd.f32 v20, v11;
	v21 =	vadd.f32 v21, v11;
	v19 =	vadd.s32 v25, v19  }
0x31: {  	v17 =	vbroadcast v24, $0x8;
	v16 =	vbroadcast v24, $0x9;
	v19 =	vadd.s32 $0x7FFF, v19  }
0x32: {  	v23 =	vshrl.u32 v20, $0x10;
	v26 =	vshrl.u32 v21, $0x10;
	v19 =	vand.u32 $0xFFFF0000, v19  }
0x33: {  	v23 =	vand.u32 $0x1, v23;
	v25 =	vand.u32 $0x1, v26;
	v27 =	vmul.f32 v19, v16  }
0x34: {  	v20 =	vadd.s32 v23, v20;
	v23 =	vshrl.u32 v22, $0x10;
	v21 =	vadd.s32 v25, v21  }
0x35: {  	v20 =	vadd.s32 $0x7FFF, v20;
	v23 =	vand.u32 $0x1, v23;
	v21 =	vadd.s32 $0x7FFF, v21  }
0x36: {  	v20 =	vand.u32 $0xFFFF0000, v20;
	v22 =	vadd.s32 v23, v22;
	v21 =	vand.u32 $0xFFFF0000, v21  }
0x37: {  	v26 =	vmul.f32 v20, v17;
	v25 =	vmul.f32 v20, v13;
	v22 =	vadd.s32 $0x7FFF, v22  }
0x38: {  	v20 =	vmul.f32 v20, v15;
	v28 =	vmul.f32 v21, v15;
	v22 =	vand.u32 $0xFFFF0000, v22  }
0x39: {  	v23 =	vadd.f32 v27, v26;
	v26 =	vmul.f32 v19, v14;
	v19 =	vmul.f32 v19, v18  }
0x3a: {  	v29 =	vadd.f32 v29, v11;
	v27 =	vmul.f32 v21, v13;
	v33 =	vmul.f32 v22, v18  }
0x3b: {  	v21 =	vmul.f32 v21, v17;
	v25 =	vadd.f32 v26, v25;
	v26 =	vmul.f32 v22, v14  }
0x3c: {  	v19 =	vadd.f32 v19, v20;
	v20 =	vcvt.s32.f32 v32;
	v28 =	vadd.f32 v33, v28  }
0x3d: {  	v22 =	vmul.f32 v22, v16;
	v26 =	vadd.f32 v26, v27;
	v27 =	vmul.f32 $3.999999910e-02, v30  }
0x3e: {  	v20 =	vmul.f32 $3.999999910e-02, v20;
	v30 =	vadd.f32 v31, v12;
	v31 =	vshrl.u32 v29, $0x10  }
0x3f: {  	v22 =	vadd.f32 v22, v21;
	v31 =	vand.u32 $0x1, v31;
	v27 =	vadd.f32 v27, v11  }
0x40: {  	v20 =	vadd.f32 v20, v12;
	v61 =	vshrl.u32 v30, $0x10;
	v29 =	vadd.s32 v31, v29  }
0x41: {  	v32 =	vand.u32 $0x1, v61;
	v29 =	vadd.s32 $0x7FFF, v29;
	v31 =	vshrl.u32 v27, $0x10  }
0x42: {  	v30 =	vadd.s32 v32, v30;
	v62 =	vshrl.u32 v20, $0x10;
	v29 =	vand.u32 $0xFFFF0000, v29  }
0x43: {  	s23 =	simm.s32 $0x1D830;
	v30 =	vadd.s32 $0x7FFF, v30;
	v31 =	vand.u32 $0x1, v31;
	v32 =	vand.u32 $0x1, v62  }
0x44: {  	[tilespmem:s23+$0x1F0] =	vst v23;
	v23 =	vmul.f32 v29, v17;
	v63 =	vmul.f32 v29, v13;
	v30 =	vand.u32 $0xFFFF0000, v30  }
0x45: {  	[tilespmem:s23+$0xFFFFFDF0] =	vst v25;
	v27 =	vadd.s32 v31, v27;
	v20 =	vadd.s32 v32, v20;
	v31 =	vmul.f32 v30, v16  }
0x46: {  	[tilespmem:s23+$0xFFFFFE00] =	vst v26;
	v25 =	vadd.s32 $0x7FFF, v27;
	v20 =	vadd.s32 $0x7FFF, v20;
	v26 =	vmul.f32 v30, v18  }
0x47: {  	[tilespmem:s23+$0xFFFFFFF0] =	vst v19;
	v19 =	vand.u32 $0xFFFF0000, v25;
	v27 =	vadd.f32 v31, v23;
	v31 =	vmul.f32 v30, v14  }
0x48: {  	s24 =	simm.s32 $0x1D850;
	[tilespmem:s23+$0x0] =	vst v28;
	v20 =	vand.u32 $0xFFFF0000, v20;
	v23 =	vmul.f32 v29, v15;
	v25 =	vmul.f32 v19, v13  }
0x49: {  	s25 =	simm.s32 $0x2;
	s1 =	sadd.s32 $0x20, s31;
	v28 =	vmul.f32 v20, v14;
	[tilespmem:s24+$0x1F0] =	vst v27;
	v21 =	vadd.f32 v31, v63;
	v27 =	vmul.f32 v19, v15  }
.LBB2_2:
0x4a: {  	s4 =	sadd.s32 $0xFFFFFFF0, s1;
	v29 =	vmov s1;
	v30 =	vor.u32 s1, v0;
	s25 =	sadd.s32 $0x2, s25;
	v31 =	vmul.f32 v20, v18;
	[tilespmem:s23+$0x200] =	vst v22;
	s23 =	smov.u32 s24  }
0x4b: {  	v22 =	vmov s4;
	v32 =	vor.u32 s4, v0;
	v29 =	vshrl.u32 v29, $0x7;
	p0 =	slt.u32 s25, $0x1E;
	[tilespmem:s24+$0xFFFFFDF0] =	vst v21  }
0x4c: {  	v30 =	vand.u32 $0x7F, v30;
	v21 =	vshrl.u32 v22, $0x7;
	v22 =	vand.u32 $0x6F, v32  }
0x4d: {  	v23 =	vadd.f32 v26, v23;
	v21 =	vcvt.s32.f32 v21;
	v22 =	vcvt.s32.f32 v22  }
0x4e: {  	v25 =	vadd.f32 v28, v25;
	v26 =	vcvt.s32.f32 v29;
	v29 =	vcvt.s32.f32 v30  }
0x4f: {  	v21 =	vmul.f32 $3.999999910e-02, v21;
	v22 =	vmul.f32 $3.999999910e-02, v22;
	[tilespmem:s24+$0xFFFFFFF0] =	vst v23;
	v23 =	vadd.f32 v31, v27  }
0x50: {  	v26 =	vmul.f32 $3.999999910e-02, v26;
	v27 =	vmul.f32 $3.999999910e-02, v29;
	[tilespmem:s24+$0xFFFFFE00] =	vst v25  }
0x51: {  	v28 =	vmul.f32 v19, v17;
	v21 =	vadd.f32 v21, v11;
	v22 =	vadd.f32 v22, v12;
	[tilespmem:s24+$0x0] =	vst v23  }
0x52: {  	v19 =	vadd.f32 v26, v11;
	v23 =	vadd.f32 v27, v12;
	v27 =	vmul.f32 v20, v16  }
0x53: {  	v20 =	vshrl.u32 v21, $0x10;
	v25 =	vshrl.u32 v22, $0x10  }
0x54: {  	v26 =	vshrl.u32 v19, $0x10;
	v20 =	vand.u32 $0x1, v20;
	v25 =	vand.u32 $0x1, v25  }
0x55: {  	v20 =	vadd.s32 v20, v21;
	v21 =	vadd.s32 v25, v22;
	v22 =	vshrl.u32 v23, $0x10  }
0x56: {  	v25 =	vand.u32 $0x1, v26;
	v20 =	vadd.s32 $0x7FFF, v20;
	v21 =	vadd.s32 $0x7FFF, v21  }
0x57: {  	v22 =	vand.u32 $0x1, v22;
	v20 =	vand.u32 $0xFFFF0000, v20;
	v21 =	vand.u32 $0xFFFF0000, v21  }
0x58: {  	v19 =	vadd.s32 v25, v19;
	v26 =	vmul.f32 v20, v17;
	v29 =	vmul.f32 v21, v16  }
.Ltmp0:
0x59: {  	v19 =	vadd.s32 $0x7FFF, v19;
	v22 =	vadd.s32 v22, v23;
	v30 =	vmul.f32 v20, v13;
	(pc) =	sbr.rel @p0 .LBB2_2-.Ltmp0, $4  }
0x5a: {  	v19 =	vand.u32 $0xFFFF0000, v19;
	v22 =	vadd.s32 $0x7FFF, v22;
	v25 =	vadd.f32 v29, v26  }
0x5b: {  	s24 =	sadd.s32 $0x20, s24;
	v23 =	vmul.f32 v20, v15;
	v20 =	vand.u32 $0xFFFF0000, v22;
	v29 =	vmul.f32 v21, v14  }
0x5c: {  	v22 =	vadd.f32 v27, v28;
	v26 =	vmul.f32 v21, v18;
	[tilespmem:s24+$0x1F0] =	vst v25;
	v25 =	vmul.f32 v19, v13  }
0x5d: {  	s1 =	sadd.s32 $0x20, s1;
	v27 =	vmul.f32 v19, v15;
	v28 =	vmul.f32 v20, v14;
	v21 =	vadd.f32 v29, v30  }
0x5e: {  	v1 =	vld [tilespmem:$0x1FFC0];
	_ =	sdelay $0x2  }
0x5f: {  	v12 =	vbroadcast v10, $0xE;
	_ =	sdelay $0x1  }
0x60: {  	v10 =	vadd.f32 v1, v12;
	v1 =	vld [tilespmem:$0x1FFD0];
	_ =	sdelay $0x2  }
0x61: {  	v13 =	vshrl.u32 v10, $0x10  }
0x62: {  	v13 =	vand.u32 $0x1, v13  }
0x63: {  	v10 =	vadd.s32 v13, v10;
	v13 =	vadd.f32 v1, v12;
	v1 =	vld [tilespmem:$0x1FFE0];
	_ =	sdelay $0x2  }
0x64: {  	v11 =	vmul.f32 v20, v18  }
0x65: {  	v18 =	vadd.f32 v26, v23;
	v19 =	vmul.f32 v19, v17;
	v26 =	vbroadcast v24, $0x2  }
0x66: {  	v20 =	vmul.f32 v20, v16;
	v23 =	vadd.f32 v28, v25;
	v16 =	vadd.f32 v1, v12;
	v1 =	vld [tilespmem:$0x1FFF0]  }
0x67: {  	v25 =	vadd.f32 v11, v27;
	v27 =	vbroadcast v24, $0x6;
	v10 =	vadd.s32 $0x7FFF, v10  }
0x68: {  	v63 =	vbroadcast v24, $0xA;
	v14 =	vand.u32 $0xFFFF0000, v10;
	v15 =	vshrl.u32 v13, $0x10  }
0x69: {  	v10 =	vmul.f32 v14, v26;
	v11 =	vmul.f32 v14, v27;
	v15 =	vand.u32 $0x1, v15  }
0x6a: {  	v13 =	vadd.s32 v15, v13;
	[tilespmem:s24+$0xFFFFFE00] =	vst v23;
	v23 =	vadd.f32 v20, v19;
	v15 =	vshrl.u32 v16, $0x10  }
0x6b: {  	v17 =	vadd.f32 v1, v12;
	v12 =	vmul.f32 v14, v63;
	v14 =	vand.u32 $0x1, v15  }
0x6c: {  	v13 =	vadd.s32 $0x7FFF, v13;
	[tilespmem:s24+$0x200] =	vst v23;
	v23 =	vbroadcast v24, $0x7;
	v14 =	vadd.s32 v14, v16  }
0x6d: {  	v15 =	vand.u32 $0xFFFF0000, v13;
	v16 =	vshrl.u32 v17, $0x10;
	v29 =	vadd.s32 $0x7FFF, v14  }
0x6e: {  	[tilespmem:s23+$0x200] =	vst v22;
	v13 =	vmul.f32 v15, v26;
	v14 =	vand.u32 $0x1, v16;
	v22 =	vand.u32 $0xFFFF0000, v29  }
0x6f: {  	[tilespmem:s24+$0xFFFFFDF0] =	vst v21;
	v17 =	vadd.s32 v14, v17;
	v14 =	vmul.f32 v15, v27;
	v15 =	vmul.f32 v15, v63  }
0x70: {  	[tilespmem:s24+$0xFFFFFFF0] =	vst v18;
	v16 =	vmul.f32 v22, v26;
	v18 =	vmul.f32 v22, v63;
	v21 =	vadd.s32 $0x7FFF, v17  }
0x71: {  	v17 =	vmul.f32 v22, v27;
	v22 =	vbroadcast v24, $0x3;
	v21 =	vand.u32 $0xFFFF0000, v21  }
0x72: {  	p2 =	por $0x1, $0x1;
	v24 =	vbroadcast v24, $0xB;
	v19 =	vmul.f32 v21, v26  }
0x73: {  	p1 =	por $0x0, $0x0;
	s25 =	simm.s32 $0x0;
	[tilespmem:s24+$0x0] =	vst v25;
	s23 =	simm.s32 $0x0;
	v20 =	vmul.f32 v21, v27;
	v21 =	vmul.f32 v21, v63  }
.LBB2_4:
0x74: {  	s24 =	sshll.u32 s25, $0x8  }
0x75: {  	s1 =	sadd.s32 $0x0, s24  }
0x76: {  	v27 =	vmov s1;
	s1 =	sadd.s32 $0x1, s1  }
0x77: {  	s4 =	simm.s32 @p1 $0x1;
	v25 =	vor.u32 $0x400, v27;
	v34 =	vmov s1  }
0x78: {  	_ =	swait.ge @p1 [sflag:s4], $0x2000;
	v26 =	vor.u32 $0x400, v34  }
0x79: {  	[sflag:s4] =	ssyncset.done @p1 $0x0  }
0x7a: {  	[sflag:s4] =	ssyncadd.s32 @p1 $0xFFFFE000  }
0x7b: {  	v33 =	vld.idx.msk [tilespmem:v27+s11+$0x0], $0xffff  }
0x7c: {  	v28 =	vld.idx.msk [tilespmem:v25+s11+$0x0], $0xffff  }
0x7d: {  	s26 =	sshll.u32 s25, $0xE;
	v37 =	vld.idx.msk [tilespmem:v26+s11+$0x0], $0xffff  }
0x7e: {  	v32 =	vor.u32 s26, v3;
	v30 =	vor.u32 $0x200, v27  }
0x7f: {  	v31 =	vor.u32 s26, v6;
	v29 =	vor.u32 s23, v32  }
0x80: {  	v46 =	vor.u32 $0x200, v34;
	v35 =	vadd.f32 v33, v10;
	v36 =	vadd.f32 v33, v13  }
0x81: {  	v27 =	vor.u32 s23, v3;
	v39 =	vadd.f32 v28, v12;
	v42 =	vadd.f32 v28, v15  }
0x82: {  	v25 =	vor.u32 s26, v8;
	v38 =	vadd.f32 v28, v18;
	v40 =	vadd.f32 v37, v12  }
0x83: {  	v44 =	vld.idx.msk [tilespmem:v30+s11+$0x0], $0xffff;
	v30 =	vor.u32 s23, v31;
	v45 =	vadd.f32 v28, v21;
	v41 =	vadd.f32 v37, v15  }
0x84: {  	v26 =	vor.u32 s26, v7;
	v47 =	vadd.f32 v37, v18;
	v43 =	vadd.f32 v40, v24  }
0x85: {  	v28 =	vor.u32 s23, v6;
	v50 =	vadd.f32 v37, v21;
	v40 =	vadd.f32 v41, v24  }
0x86: {  	v48 =	vld.idx.msk [tilespmem:v34+s11+$0x0], $0xffff;
	v37 =	vadd.f32 v39, v24;
	v34 =	vadd.f32 v42, v24;
	(erf) = vrcp.f32 v43  }
0x87: {  	p0 =	por p2, p2;
	s29 =	simm.s32 $0x2;
	s28 =	simm.s32 $0x0;
	v49 =	vld.idx.msk [tilespmem:v46+s11+$0x0], $0xffff;
	v41 =	vadd.f32 v47, v24;
	v39 =	vadd.f32 v50, v24;
	(erf) = vrcp.f32 v40  }
.LBB2_5:
0x88: {  	v42 =	vadd.f32 v38, v24  }
0x89: {  	v38 =	vadd.f32 v45, v24;
	v47 =	vadd.f32 v44, v11;
	s1 =	sadd.s32 $0x1, s28;
	vm4 =	vgt.f32 v43, $0.0e+00  }
0x8a: {  	vm0 =	vgt.f32 v40, $0.0e+00;
	(erf) = vrcp.f32 v41;
	v53 =	vor.u32 s1, v3  }
0x8b: {  	v54 =	vor.u32 s1, v32;
	v52 =	vor.u32 s1, v6;
	v50 =	vadd.f32 v48, v10  }
0x8c: {  	v59 =	vor.u32 s1, v31;
	v55 =	vadd.f32 v48, v13;
	v56 =	vadd.f32 v48, v16  }
0x8d: {  	(erf) = vrcp.f32 v39;
	v57 =	vadd.f32 v49, v11;
	v48 =	vadd.f32 v48, v19  }
0x8e: {  	vm12 =	vgt.f32 v41, $0.0e+00;
	v58 =	vadd.f32 v49, v14;
	v60 =	vadd.f32 v49, v17  }
0x8f: {  	vm13 =	vgt.f32 v39, $0.0e+00;
	v49 =	vadd.f32 v49, v20;
	v61 =	vadd.f32 v50, v22  }
0x90: {  	(erf) = vrcp.f32 v37;
	v55 =	vadd.f32 v55, v22;
	v56 =	vadd.f32 v56, v22  }
0x91: {  	(erf) = vrcp.f32 v34;
	v57 =	vadd.f32 v57, v23;
	v48 =	vadd.f32 v48, v22;
	v62 =	vpop (erf)  }
0x92: {  	v58 =	vadd.f32 v58, v23;
	v60 =	vadd.f32 v60, v23;
	v1 =	vpop (erf);
	v61 =	vmul.f32 v62, v61  }
0x93: {  	v57 =	vmul.f32 v62, v57;
	v62 =	vimm.s32 $0x0;
	v55 =	vmul.f32 v1, v55  }
0x94: {  	v1 =	vmul.f32 v1, v58;
	v58 =	vadd.f32 v49, v23;
	v40 =	vsel vm0, $0xFFFFFFFF, v62;
	v2 =	vpop (erf)  }
0x95: {  	v61 =	vadd.f32 $1.258291200e+07, v61;
	v57 =	vadd.f32 $1.258291200e+07, v57;
	v56 =	vmul.f32 v2, v56  }
0x96: {  	v4 =	vpop (erf);
	v55 =	vadd.f32 $1.258291200e+07, v55;
	v2 =	vmul.f32 v2, v60;
	v1 =	vadd.f32 $1.258291200e+07, v1  }
0x97: {  	v60 =	vimm.s32 $0x0;
	v5 =	vmul.f32 v4, v48;
	v4 =	vmul.f32 v4, v58  }
0x98: {  	v43 =	vadd.f32 $-1.258291200e+07, v61;
	v57 =	vadd.f32 $-1.258291200e+07, v57;
	v41 =	vsel vm12, $0xFFFFFFFF, v60  }
0x99: {  	v61 =	vimm.s32 $0x0;
	v56 =	vadd.f32 $1.258291200e+07, v56;
	v2 =	vadd.f32 $1.258291200e+07, v2  }
0x9a: {  	v48 =	vpop (erf);
	v55 =	vadd.f32 $-1.258291200e+07, v55;
	v1 =	vadd.f32 $-1.258291200e+07, v1;
	v39 =	vsel vm13, $0xFFFFFFFF, v61  }
0x9b: {  	v49 =	vpop (erf);
	(erf) = vrcp.f32 v42;
	v5 =	vadd.f32 $1.258291200e+07, v5;
	v4 =	vadd.f32 $1.258291200e+07, v4  }
0x9c: {  	vm7 =	vlt.f32 v57, $1.200000000e+02;
	vm8 =	vlt.f32 v43, $1.600000000e+02;
	vm11 =	vge.f32 v43, $0.0e+00  }
0x9d: {  	[tilespmem:$0x1FF80] =	vst v40;
	vm12 =	vge.f32 v57, $0.0e+00;
	v40 =	vmul.f32 $1.600000000e+02, v57;
	v2 =	vadd.f32 $-1.258291200e+07, v2  }
0x9e: {  	v62 =	vadd.f32 $-1.258291200e+07, v56;
	vm6 =	vlt.f32 v1, $1.200000000e+02;
	v56 =	vimm.s32 $0x0  }
0x9f: {  	vm15 =	vge.f32 v1, $0.0e+00;
	v4 =	vadd.f32 $-1.258291200e+07, v4;
	v5 =	vadd.f32 $-1.258291200e+07, v5  }
0xa0: {  	v1 =	vmul.f32 $1.600000000e+02, v1;
	vm11 =	vmand vm11, vm12;
	v40 =	vadd.f32 v40, v43  }
0xa1: {  	vm14 =	vlt.f32 v4, $1.200000000e+02;
	vm1 =	vge.f32 v5, $0.0e+00;
	vm0 =	vge.f32 v4, $0.0e+00  }
0xa2: {  	[tilespmem:$0x1FF90] =	vst v41;
	v4 =	vmul.f32 $1.600000000e+02, v4;
	v41 =	vsel vm14, $0xFFFFFFFF, v56;
	vm14 =	vge.f32 v55, $0.0e+00  }
0xa3: {  	v40 =	vtrunc.f32 v40;
	vm12 =	vmand vm14, vm15;
	vm15 =	vmand vm8, vm11  }
0xa4: {  	vm0 =	vmand vm1, vm0;
	v40 =	vcvt.f32.s32 v40;
	vm1 =	vmand vm7, vm15  }
0xa5: {  	vm5 =	vlt.f32 v2, $1.200000000e+02;
	vm10 =	vlt.f32 v62, $1.600000000e+02;
	vm1 =	vmand vm4, vm1  }
0xa6: {  	v57 =	vld [tilespmem:$0x1FF80];
	vm13 =	vlt.f32 v5, $1.600000000e+02;
	v4 =	vadd.f32 v4, v5;
	v5 =	vnsel vm1, $0x4B00, v40  }
0xa7: {  	vm3 =	vge.f32 v62, $0.0e+00;
	vm2 =	vge.f32 v2, $0.0e+00;
	[tilespmem:v54+s12+$0x0] =	vst.idx.msk $0xffff, v5;
	v5 =	vsel vm1, $0x3F800000, v9  }
0xa8: {  	v2 =	vmul.f32 $1.600000000e+02, v2;
	v1 =	vadd.f32 v1, v55;
	vm2 =	vmand vm3, vm2;
	[tilespmem:v53+s13+$0x0] =	vst.idx.msk $0xffff, v5;
	v5 =	vld [tilespmem:$0x1FF90]  }
0xa9: {  	v61 =	vadd.f32 v36, v22;
	vm9 =	vlt.f32 v55, $1.600000000e+02;
	vm2 =	vmand vm10, vm2  }
0xaa: {  	v2 =	vadd.f32 v2, v62;
	v1 =	vtrunc.f32 v1;
	vm8 =	vmand vm9, vm12  }
0xab: {  	v1 =	vcvt.f32.s32 v1;
	vm9 =	vnez.u8 v57;
	vm3 =	vmand vm6, vm8  }
0xac: {  	vm2 =	vmand vm5, vm2;
	v2 =	vtrunc.f32 v2;
	vm1 =	vmand vm9, vm3  }
0xad: {  	[tilespmem:$0x1FFA0] =	vst v41;
	v2 =	vcvt.f32.s32 v2;
	v1 =	vnsel vm1, $0x4B00, v1;
	vm10 =	vnez.u8 v5  }
0xae: {  	v45 =	vadd.f32 v44, v14;
	[tilespmem:v59+s12+$0x0] =	vst.idx.msk $0xffff, v1;
	v1 =	vsel vm1, $0x3F800000, v9;
	vm1 =	vmand vm10, vm2  }
0xaf: {  	v60 =	vadd.f32 v35, v22;
	v35 =	vmul.f32 v49, v61;
	[tilespmem:v52+s13+$0x0] =	vst.idx.msk $0xffff, v1;
	v1 =	vnsel vm1, $0x4B00, v2;
	v2 =	vld [tilespmem:$0x1FFA0]  }
0xb0: {  	v46 =	vadd.f32 v44, v17;
	v44 =	vadd.f32 v44, v20  }
0xb1: {  	v51 =	vor.u32 s1, v7;
	(erf) = vrcp.f32 v38;
	v35 =	vadd.f32 $1.258291200e+07, v35  }
0xb2: {  	v63 =	vor.u32 s1, v26;
	v50 =	vor.u32 s1, v8;
	v58 =	vor.u32 s1, v25  }
0xb3: {  	s31 =	sadd.s32 s29, s24;
	[tilespmem:$0x1FFB0] =	vst v39;
	v35 =	vadd.f32 $-1.258291200e+07, v35;
	v4 =	vtrunc.f32 v4;
	v5 =	vadd.f32 v46, v23  }
0xb4: {  	s1 =	sadd.s32 $0x1, s31;
	v55 =	vmov s31;
	v46 =	vpop (erf);
	vm11 =	vnez.u8 v2;
	v2 =	vcvt.f32.s32 v4;
	v4 =	vld [tilespmem:$0x1FFB0]  }
0xb5: {  	v56 =	vmov s1;
	vm0 =	vmand vm13, vm0;
	v5 =	vmul.f32 v46, v5  }
0xb6: {  	vm7 =	vge.f32 v35, $0.0e+00;
	v57 =	vor.u32 $0x400, v56;
	vm3 =	vgt.f32 v38, $0.0e+00  }
0xb7: {  	v59 =	vadd.f32 v44, v23;
	vm2 =	vgt.f32 v42, $0.0e+00;
	v5 =	vadd.f32 $1.258291200e+07, v5  }
0xb8: {  	[tilespmem:v63+s12+$0x0] =	vst.idx.msk $0xffff, v1;
	v1 =	vsel vm1, $0x3F800000, v9;
	vm1 =	vgt.f32 v34, $0.0e+00;
	v34 =	vor.u32 s28, v7  }
0xb9: {  	v5 =	vadd.f32 $-1.258291200e+07, v5;
	vm0 =	vmand vm11, vm0;
	vm12 =	vnez.u8 v4  }
0xba: {  	v63 =	vor.u32 s28, v26;
	v4 =	vadd.f32 v47, v23;
	v47 =	vpop (erf);
	vm0 =	vmand vm12, vm0  }
0xbb: {  	[tilespmem:v51+s13+$0x0] =	vst.idx.msk $0xffff, v1;
	v38 =	vmul.f32 v47, v59;
	vm12 =	vge.f32 v5, $0.0e+00;
	v1 =	vnsel vm0, $0x4B00, v2  }
0xbc: {  	v2 =	vadd.f32 v45, v23;
	[tilespmem:v58+s12+$0x0] =	vst.idx.msk $0xffff, v1;
	v1 =	vsel vm0, $0x3F800000, v9;
	v58 =	vadd.f32 v33, v16  }
0xbd: {  	vm0 =	vgt.f32 v37, $0.0e+00;
	[tilespmem:v50+s13+$0x0] =	vst.idx.msk $0xffff, v1;
	v1 =	vmul.f32 v48, v4;
	v4 =	vadd.f32 v33, v19  }
0xbe: {  	v38 =	vadd.f32 $1.258291200e+07, v38;
	v2 =	vmul.f32 v49, v2;
	v33 =	vmul.f32 v48, v60  }
0xbf: {  	v50 =	vmul.f32 $1.600000000e+02, v5;
	v62 =	vadd.f32 v58, v22;
	v4 =	vadd.f32 v4, v22  }
0xc0: {  	v60 =	vor.u32 s28, v25;
	v1 =	vadd.f32 $1.258291200e+07, v1;
	v2 =	vadd.f32 $1.258291200e+07, v2  }
0xc1: {  	v38 =	vadd.f32 $-1.258291200e+07, v38;
	v33 =	vadd.f32 $1.258291200e+07, v33;
	v36 =	vmul.f32 v46, v62  }
0xc2: {  	v1 =	vadd.f32 $-1.258291200e+07, v1;
	v2 =	vadd.f32 $-1.258291200e+07, v2;
	v4 =	vmul.f32 v47, v4  }
0xc3: {  	v51 =	vmul.f32 $1.600000000e+02, v38;
	v33 =	vadd.f32 $-1.258291200e+07, v33;
	v36 =	vadd.f32 $1.258291200e+07, v36  }
0xc4: {  	v48 =	vmul.f32 $1.600000000e+02, v1;
	v49 =	vmul.f32 $1.600000000e+02, v2;
	v4 =	vadd.f32 $1.258291200e+07, v4  }
0xc5: {  	vm13 =	vge.f32 v1, $0.0e+00;
	vm5 =	vge.f32 v2, $0.0e+00;
	vm14 =	vge.f32 v33, $0.0e+00  }
0xc6: {  	v36 =	vadd.f32 $-1.258291200e+07, v36;
	vm4 =	vmand vm14, vm13;
	vm14 =	vge.f32 v38, $0.0e+00  }
0xc7: {  	vm5 =	vmand vm7, vm5;
	v4 =	vadd.f32 $-1.258291200e+07, v4;
	v39 =	vadd.f32 v48, v33  }
0xc8: {  	v40 =	vadd.f32 v49, v35;
	v41 =	vadd.f32 v50, v36;
	vm15 =	vge.f32 v36, $0.0e+00  }
0xc9: {  	v42 =	vadd.f32 v51, v4;
	vm13 =	vge.f32 v4, $0.0e+00;
	vm7 =	vmand vm15, vm12  }
0xca: {  	vm15 =	vlt.f32 v33, $1.600000000e+02;
	vm12 =	vlt.f32 v35, $1.600000000e+02;
	v52 =	vtrunc.f32 v39  }
0xcb: {  	v53 =	vtrunc.f32 v40;
	vm6 =	vmand vm13, vm14;
	vm13 =	vlt.f32 v36, $1.600000000e+02  }
0xcc: {  	vm14 =	vlt.f32 v4, $1.600000000e+02;
	vm4 =	vmand vm15, vm4;
	v4 =	vtrunc.f32 v41  }
0xcd: {  	vm5 =	vmand vm12, vm5;
	vm15 =	vlt.f32 v1, $1.200000000e+02;
	vm12 =	vlt.f32 v2, $1.200000000e+02  }
0xce: {  	v1 =	vor.u32 $0x200, v55;
	v2 =	vor.u32 $0x400, v55;
	v35 =	vcvt.f32.s32 v53  }
0xcf: {  	v54 =	vtrunc.f32 v42;
	vm7 =	vmand vm13, vm7;
	vm6 =	vmand vm14, vm6  }
0xd0: {  	vm13 =	vlt.f32 v5, $1.200000000e+02;
	vm14 =	vlt.f32 v38, $1.200000000e+02;
	vm4 =	vmand vm15, vm4  }
0xd1: {  	v33 =	vld.idx.msk [tilespmem:v55+s11+$0x0], $0xffff;
	v5 =	vcvt.f32.s32 v52;
	vm5 =	vmand vm12, vm5;
	v4 =	vcvt.f32.s32 v4  }
0xd2: {  	v58 =	vld.idx.msk [tilespmem:v57+s11+$0x0], $0xffff;
	v36 =	vcvt.f32.s32 v54;
	vm0 =	vmand vm0, vm4;
	vm15 =	vmand vm13, vm7  }
0xd3: {  	vm6 =	vmand vm14, vm6;
	vm1 =	vmand vm1, vm5;
	v5 =	vnsel vm0, $0x4B00, v5;
	v2 =	vld.idx.msk [tilespmem:v2+s11+$0x0], $0xffff  }
0xd4: {  	vm2 =	vmand vm2, vm15;
	vm3 =	vmand vm3, vm6;
	v44 =	vld.idx.msk [tilespmem:v1+s11+$0x0], $0xffff;
	[tilespmem:v29+s12+$0x0] =	vst.idx.msk $0xffff, v5;
	v1 =	vsel vm0, $0x3F800000, v9  }
0xd5: {  	v35 =	vnsel vm1, $0x4B00, v35;
	v4 =	vnsel vm2, $0x4B00, v4;
	v59 =	vnsel vm3, $0x4B00, v36;
	[tilespmem:v27+s13+$0x0] =	vst.idx.msk $0xffff, v1  }
0xd6: {  	v61 =	vsel vm3, $0x3F800000, v9;
	v36 =	vadd.f32 v33, v13;
	v5 =	vsel vm1, $0x3F800000, v9;
	[tilespmem:v30+s12+$0x0] =	vst.idx.msk $0xffff, v35  }
0xd7: {  	v29 =	vor.u32 s29, v32;
	v30 =	vor.u32 s28, v8;
	v35 =	vadd.f32 v33, v10;
	[tilespmem:v28+s13+$0x0] =	vst.idx.msk $0xffff, v5  }
0xd8: {  	v1 =	vsel vm2, $0x3F800000, v9;
	[tilespmem:v63+s12+$0x0] =	vst.idx.msk $0xffff, v4;
	v63 =	vadd.f32 v58, v12;
	v5 =	vadd.f32 v2, v12  }
0xd9: {  	p2 =	slt.u32 s29, $0x7E;
	v4 =	vor.u32 $0x200, v56;
	v62 =	vadd.f32 v2, v15;
	v38 =	vadd.f32 v2, v18  }
.Ltmp1:
0xda: {  	v27 =	vor.u32 s29, v3;
	[tilespmem:v34+s13+$0x0] =	vst.idx.msk $0xffff, v1;
	v45 =	vadd.f32 v2, v21;
	v1 =	vadd.f32 v58, v15;
	(pc) =	sbr.rel @p2 .LBB2_5-.Ltmp1, $4  }
0xdb: {  	v28 =	vor.u32 s29, v6;
	v2 =	vadd.f32 v58, v18;
	[tilespmem:v60+s12+$0x0] =	vst.idx.msk $0xffff, v59;
	v43 =	vadd.f32 v63, v24  }
0xdc: {  	[tilespmem:v30+s13+$0x0] =	vst.idx.msk $0xffff, v61;
	v30 =	vor.u32 s29, v31;
	v40 =	vadd.f32 v1, v24;
	v1 =	vadd.f32 v58, v21  }
0xdd: {  	v48 =	vld.idx.msk [tilespmem:v56+s11+$0x0], $0xffff;
	v37 =	vadd.f32 v5, v24;
	v41 =	vadd.f32 v2, v24;
	(erf) = vrcp.f32 v43  }
0xde: {  	s28 =	smov.u32 s29;
	v34 =	vadd.f32 v62, v24;
	s29 =	sadd.s32 $0x2, s29;
	v49 =	vld.idx.msk [tilespmem:v4+s11+$0x0], $0xffff;
	v39 =	vadd.f32 v1, v24;
	(erf) = vrcp.f32 v40  }
0xdf: {  	v42 =	vadd.f32 v38, v24  }
0xe0: {  	v38 =	vadd.f32 v45, v24;
	v1 =	vadd.f32 v44, v11  }
0xe1: {  	v2 =	vadd.f32 v44, v14;
	v4 =	vadd.f32 v44, v17  }
0xe2: {  	v5 =	vadd.f32 v44, v20;
	v35 =	vadd.f32 v35, v22  }
0xe3: {  	v36 =	vadd.f32 v36, v22;
	v1 =	vadd.f32 v1, v23  }
0xe4: {  	v2 =	vadd.f32 v2, v23;
	v4 =	vadd.f32 v4, v23  }
0xe5: {  	(erf) = vrcp.f32 v41;
	v5 =	vadd.f32 v5, v23;
	v61 =	vadd.f32 v48, v10  }
0xe6: {  	v46 =	vadd.f32 v48, v13;
	v47 =	vadd.f32 v48, v16  }
0xe7: {  	(erf) = vrcp.f32 v39;
	v62 =	vadd.f32 v48, v19;
	v50 =	vadd.f32 v49, v11  }
0xe8: {  	s1 =	sadd.s32 $0x1, s28;
	vm6 =	vgt.f32 v43, $0.0e+00;
	v51 =	vadd.f32 v49, v14;
	v52 =	vadd.f32 v49, v17  }
0xe9: {  	v44 =	vor.u32 s1, v3;
	v63 =	vadd.f32 v49, v20;
	v45 =	vadd.f32 v61, v22  }
0xea: {  	v32 =	vor.u32 s1, v32;
	v46 =	vadd.f32 v46, v22;
	v47 =	vadd.f32 v47, v22  }
0xeb: {  	(erf) = vrcp.f32 v37;
	v48 =	vadd.f32 v62, v22;
	v50 =	vadd.f32 v50, v23;
	v53 =	vpop (erf)  }
0xec: {  	v51 =	vadd.f32 v51, v23;
	(erf) = vrcp.f32 v34;
	v45 =	vmul.f32 v53, v45  }
0xed: {  	v52 =	vadd.f32 v52, v23;
	v54 =	vpop (erf);
	v50 =	vmul.f32 v53, v50;
	(erf) = vrcp.f32 v42  }
0xee: {  	v49 =	vadd.f32 v63, v23;
	v55 =	vpop (erf);
	v46 =	vmul.f32 v54, v46;
	v51 =	vmul.f32 v54, v51  }
0xef: {  	(erf) = vrcp.f32 v38;
	v47 =	vmul.f32 v55, v47;
	v53 =	vadd.f32 $1.258291200e+07, v45  }
0xf0: {  	v56 =	vpop (erf);
	v60 =	vmul.f32 v55, v52;
	v50 =	vadd.f32 $1.258291200e+07, v50;
	v45 =	vor.u32 s1, v7  }
0xf1: {  	v48 =	vmul.f32 v56, v48;
	v54 =	vadd.f32 $1.258291200e+07, v46;
	v62 =	vmul.f32 v56, v49  }
0xf2: {  	v46 =	vor.u32 s1, v6;
	v51 =	vadd.f32 $1.258291200e+07, v51;
	v61 =	vadd.f32 $1.258291200e+07, v47  }
0xf3: {  	v49 =	vor.u32 s1, v31;
	v60 =	vadd.f32 $1.258291200e+07, v60;
	v53 =	vadd.f32 $-1.258291200e+07, v53  }
0xf4: {  	v31 =	vor.u32 s1, v8;
	v50 =	vadd.f32 $-1.258291200e+07, v50;
	v63 =	vadd.f32 $1.258291200e+07, v48  }
0xf5: {  	v47 =	vadd.f32 $1.258291200e+07, v62;
	v54 =	vadd.f32 $-1.258291200e+07, v54;
	v48 =	vor.u32 s1, v26  }
0xf6: {  	v51 =	vadd.f32 $-1.258291200e+07, v51;
	v26 =	vor.u32 s28, v26;
	v56 =	vadd.f32 $-1.258291200e+07, v60  }
0xf7: {  	v52 =	vadd.f32 $-1.258291200e+07, v61;
	vm0 =	vlt.f32 v53, $1.600000000e+02;
	vm1 =	vge.f32 v53, $0.0e+00  }
0xf8: {  	vm2 =	vge.f32 v50, $0.0e+00;
	v58 =	vmul.f32 $1.600000000e+02, v50;
	vm13 =	vlt.f32 v50, $1.200000000e+02  }
0xf9: {  	v57 =	vadd.f32 $-1.258291200e+07, v47;
	v47 =	vor.u32 s1, v25;
	v55 =	vadd.f32 $-1.258291200e+07, v63  }
0xfa: {  	vm3 =	vge.f32 v54, $0.0e+00;
	vm4 =	vge.f32 v51, $0.0e+00;
	vm1 =	vmand vm1, vm2  }
0xfb: {  	vm9 =	vlt.f32 v54, $1.600000000e+02;
	v62 =	vmul.f32 $1.600000000e+02, v51;
	vm5 =	vge.f32 v52, $0.0e+00  }
0xfc: {  	vm14 =	vge.f32 v56, $0.0e+00;
	vm3 =	vmand vm3, vm4;
	vm1 =	vmand vm0, vm1  }
0xfd: {  	vm10 =	vlt.f32 v52, $1.600000000e+02;
	v53 =	vadd.f32 v58, v53;
	v63 =	vmul.f32 $1.600000000e+02, v56  }
0xfe: {  	vm15 =	vge.f32 v55, $0.0e+00;
	vm2 =	vmand vm5, vm14;
	vm8 =	vge.f32 v57, $0.0e+00  }
0xff: {  	vm3 =	vmand vm9, vm3;
	vm11 =	vlt.f32 v55, $1.600000000e+02;
	vm1 =	vmand vm13, vm1  }
0x100: {  	vm14 =	vlt.f32 v51, $1.200000000e+02;
	v54 =	vadd.f32 v62, v54;
	vm9 =	vlt.f32 v56, $1.200000000e+02  }
0x101: {  	v58 =	vmul.f32 $1.600000000e+02, v57;
	vm4 =	vmand vm15, vm8;
	vm2 =	vmand vm10, vm2  }
0x102: {  	v61 =	vtrunc.f32 v53;
	vm1 =	vmand vm6, vm1;
	vm15 =	vgt.f32 v40, $0.0e+00  }
0x103: {  	vm3 =	vmand vm14, vm3;
	vm8 =	vgt.f32 v41, $0.0e+00;
	v40 =	vadd.f32 v63, v52  }
0x104: {  	vm10 =	vgt.f32 v39, $0.0e+00;
	v63 =	vadd.f32 v33, v16;
	vm12 =	vmand vm11, vm4  }
0x105: {  	v43 =	vcvt.f32.s32 v61;
	v50 =	vsel vm1, $0x3F800000, v9;
	v41 =	vtrunc.f32 v54  }
0x106: {  	vm3 =	vmand vm15, vm3;
	vm11 =	vlt.f32 v57, $1.200000000e+02;
	v60 =	vadd.f32 v58, v55  }
0x107: {  	v57 =	vadd.f32 v33, v19;
	v59 =	vcvt.f32.s32 v41;
	v40 =	vtrunc.f32 v40  }
0x108: {  	v51 =	vsel vm3, $0x3F800000, v9;
	vm0 =	vmand vm11, vm12;
	v54 =	vadd.f32 v63, v22  }
0x109: {  	v43 =	vnsel vm1, $0x4B00, v43;
	vm1 =	vmand vm9, vm2;
	v40 =	vcvt.f32.s32 v40  }
0x10a: {  	v41 =	vtrunc.f32 v60;
	vm0 =	vmand vm10, vm0;
	v33 =	vadd.f32 v57, v22  }
0x10b: {  	v61 =	vpop (erf);
	v39 =	vnsel vm3, $0x4B00, v59;
	vm1 =	vmand vm8, vm1;
	v41 =	vcvt.f32.s32 v41  }
0x10c: {  	v62 =	vpop (erf);
	v1 =	vmul.f32 v61, v1;
	v35 =	vmul.f32 v61, v35;
	v63 =	vsel vm0, $0x3F800000, v9  }
0x10d: {  	[tilespmem:v32+s12+$0x0] =	vst.idx.msk $0xffff, v43;
	v40 =	vnsel vm1, $0x4B00, v40;
	v2 =	vmul.f32 v62, v2;
	v58 =	vsel vm1, $0x3F800000, v9  }
0x10e: {  	v36 =	vmul.f32 v62, v36;
	[tilespmem:v44+s13+$0x0] =	vst.idx.msk $0xffff, v50;
	v44 =	vor.u32 s28, v7;
	v1 =	vadd.f32 $1.258291200e+07, v1;
	v59 =	vpop (erf)  }
0x10f: {  	v35 =	vadd.f32 $1.258291200e+07, v35;
	v2 =	vadd.f32 $1.258291200e+07, v2;
	v60 =	vmul.f32 v59, v54  }
0x110: {  	v4 =	vmul.f32 v59, v4;
	v61 =	vpop (erf);
	v36 =	vadd.f32 $1.258291200e+07, v36;
	v1 =	vadd.f32 $-1.258291200e+07, v1  }
0x111: {  	v33 =	vmul.f32 v61, v33;
	v35 =	vadd.f32 $-1.258291200e+07, v35;
	v2 =	vadd.f32 $-1.258291200e+07, v2  }
0x112: {  	v5 =	vmul.f32 v61, v5;
	v62 =	vadd.f32 $1.258291200e+07, v60;
	v4 =	vadd.f32 $1.258291200e+07, v4  }
0x113: {  	v41 =	vnsel vm0, $0x4B00, v41;
	v36 =	vadd.f32 $-1.258291200e+07, v36;
	v33 =	vadd.f32 $1.258291200e+07, v33  }
0x114: {  	v5 =	vadd.f32 $1.258291200e+07, v5;
	vm12 =	vge.f32 v1, $0.0e+00;
	vm14 =	vge.f32 v35, $0.0e+00  }
0x115: {  	v4 =	vadd.f32 $-1.258291200e+07, v4;
	vm13 =	vge.f32 v2, $0.0e+00;
	v52 =	vadd.f32 $-1.258291200e+07, v62  }
0x116: {  	vm15 =	vge.f32 v36, $0.0e+00;
	vm0 =	vmand vm14, vm12;
	vm12 =	vlt.f32 v35, $1.600000000e+02  }
0x117: {  	v5 =	vadd.f32 $-1.258291200e+07, v5;
	v33 =	vadd.f32 $-1.258291200e+07, v33;
	vm1 =	vmand vm15, vm13  }
0x118: {  	vm13 =	vlt.f32 v36, $1.600000000e+02;
	vm5 =	vmand vm12, vm0;
	vm12 =	vgt.f32 v34, $0.0e+00  }
0x119: {  	vm8 =	vge.f32 v52, $0.0e+00;
	vm9 =	vge.f32 v4, $0.0e+00;
	vm14 =	vlt.f32 v52, $1.600000000e+02  }
0x11a: {  	vm1 =	vmand vm13, vm1;
	vm13 =	vlt.f32 v4, $1.200000000e+02;
	v4 =	vmul.f32 $1.600000000e+02, v4  }
0x11b: {  	vm10 =	vge.f32 v33, $0.0e+00;
	vm11 =	vge.f32 v5, $0.0e+00;
	vm4 =	vmand vm8, vm9  }
0x11c: {  	[tilespmem:v49+s12+$0x0] =	vst.idx.msk $0xffff, v39;
	vm15 =	vlt.f32 v33, $1.600000000e+02;
	vm9 =	vlt.f32 v1, $1.200000000e+02;
	v1 =	vmul.f32 $1.600000000e+02, v1  }
0x11d: {  	[tilespmem:v46+s13+$0x0] =	vst.idx.msk $0xffff, v51;
	v46 =	vmul.f32 $1.600000000e+02, v5;
	vm7 =	vlt.f32 v5, $1.200000000e+02;
	vm2 =	vmand vm10, vm11  }
0x11e: {  	vm4 =	vmand vm14, vm4;
	vm10 =	vgt.f32 v37, $0.0e+00;
	vm11 =	vlt.f32 v2, $1.200000000e+02  }
0x11f: {  	v2 =	vmul.f32 $1.600000000e+02, v2;
	vm14 =	vgt.f32 v42, $0.0e+00;
	v1 =	vadd.f32 v1, v35  }
0x120: {  	v4 =	vadd.f32 v4, v52;
	vm8 =	vmand vm15, vm2;
	vm2 =	vmand vm9, vm5  }
0x121: {  	[tilespmem:v48+s12+$0x0] =	vst.idx.msk $0xffff, v40;
	vm1 =	vmand vm11, vm1;
	v2 =	vadd.f32 v2, v36;
	v1 =	vtrunc.f32 v1  }
0x122: {  	[tilespmem:v45+s13+$0x0] =	vst.idx.msk $0xffff, v58;
	vm3 =	vmand vm13, vm4;
	vm15 =	vgt.f32 v38, $0.0e+00;
	v1 =	vcvt.f32.s32 v1  }
0x123: {  	[tilespmem:v47+s12+$0x0] =	vst.idx.msk $0xffff, v41;
	v33 =	vadd.f32 v46, v33;
	vm2 =	vmand vm10, vm2;
	v2 =	vtrunc.f32 v2  }
0x124: {  	[tilespmem:v31+s13+$0x0] =	vst.idx.msk $0xffff, v63;
	vm1 =	vmand vm12, vm1;
	v2 =	vcvt.f32.s32 v2;
	v1 =	vnsel vm2, $0x4B00, v1  }
0x125: {  	v4 =	vtrunc.f32 v4;
	vm3 =	vmand vm14, vm3;
	v48 =	vsel vm2, $0x3F800000, v9;
	[tilespmem:v29+s12+$0x0] =	vst.idx.msk $0xffff, v1  }
0x126: {  	v1 =	vcvt.f32.s32 v4;
	v2 =	vnsel vm1, $0x4B00, v2;
	v4 =	vor.u32 s28, v25;
	[tilespmem:v27+s13+$0x0] =	vst.idx.msk $0xffff, v48  }
0x127: {  	v31 =	vtrunc.f32 v33;
	v5 =	vsel vm1, $0x3F800000, v9;
	[tilespmem:v30+s12+$0x0] =	vst.idx.msk $0xffff, v2;
	v2 =	vor.u32 s28, v8  }
0x128: {  	vm0 =	vmand vm7, vm8;
	v25 =	vcvt.f32.s32 v31;
	v1 =	vnsel vm3, $0x4B00, v1;
	[tilespmem:v28+s13+$0x0] =	vst.idx.msk $0xffff, v5  }
0x129: {  	vm0 =	vmand vm15, vm0;
	v5 =	vsel vm3, $0x3F800000, v9;
	[tilespmem:v26+s12+$0x0] =	vst.idx.msk $0xffff, v1  }
0x12a: {  	s4 =	sor.u32 s7, s26;
	v1 =	vnsel vm0, $0x4B00, v25;
	[tilespmem:v44+s13+$0x0] =	vst.idx.msk $0xffff, v5  }
0x12b: {  	s31 =	sadd.s32 $0x0, s24;
	s4 =	sshrl.u32 s4, $0x3;
	v5 =	vsel vm0, $0x3F800000, v9;
	[tilespmem:v4+s12+$0x0] =	vst.idx.msk $0xffff, v1  }
0x12c: {  	s0 =	sadd.s32 $0x81, s31;
	s4 =	sadd.s32 s6, s4;
	s1 =	sadd.s32 $0x80, s31;
	[tilespmem:v2+s13+$0x0] =	vst.idx.msk $0xffff, v5  }
0x12d: {  	v5 =	vmov s1;
	[hbm4b:s4+s3] =	stream.linear.scatter [tilespmem:s13], [sflag:$0x1], $0x2000, $0x38;
	[tilespmem:$0x1DC20] =	vst v63  }
0x12e: {  	v1 =	vmov s0;
	s4 =	simm.s32 @p1 $0x2  }
0x12f: {  	v2 =	vand.u32 $0x7FFFFFFF, v1;
	_ =	swait.ge @p1 [sflag:s4], $0x2000  }
0x130: {  	v4 =	vadd.s32 $0x400, v2;
	[sflag:s4] =	ssyncset.done @p1 $0x0  }
0x131: {  	v27 =	vand.u32 $0x7FFFFFFE, v5;
	v2 =	vadd.s32 $0x200, v2;
	[sflag:s4] =	ssyncadd.s32 @p1 $0xFFFFE000  }
0x132: {  	v25 =	vadd.s32 $0x400, v27;
	v5 =	vld.idx.msk [tilespmem:v5+s11+$0x0], $0xffff  }
0x133: {  	v1 =	vld.idx.msk [tilespmem:v1+s11+$0x0], $0xffff;
	_ =	sdelay $0x1  }
0x134: {  	v4 =	vld.idx.msk [tilespmem:v4+s11+$0x0], $0xffff  }
0x135: {  	v2 =	vld.idx.msk [tilespmem:v2+s11+$0x0], $0xffff  }
0x136: {  	v49 =	vld.idx.msk [tilespmem:v25+s11+$0x0], $0xffff;
	v25 =	vadd.f32 v5, v10;
	v29 =	vadd.f32 v5, v13  }
0x137: {  	v30 =	vadd.f32 v5, v16;
	v51 =	vadd.f32 v1, v10  }
0x138: {  	v52 =	vadd.f32 v1, v13;
	v53 =	vadd.f32 v1, v16  }
0x139: {  	v63 =	vadd.s32 $0x200, v27;
	v1 =	vadd.f32 v1, v19;
	v26 =	vadd.f32 v4, v12  }
0x13a: {  	v28 =	vadd.f32 v4, v15;
	v54 =	vadd.f32 v2, v11  }
0x13b: {  	v56 =	vadd.f32 v2, v14;
	v57 =	vadd.f32 v2, v17  }
0x13c: {  	v31 =	vadd.f32 v26, v24;
	v26 =	vadd.f32 v4, v18  }
0x13d: {  	v2 =	vadd.f32 v2, v20;
	v28 =	vadd.f32 v28, v24  }
0x13e: {  	v45 =	vld.idx.msk [tilespmem:v63+s11+$0x0], $0xffff;
	v4 =	vadd.f32 v4, v21;
	v50 =	vadd.f32 v26, v24;
	(erf) = vrcp.f32 v31  }
0x13f: {  	v25 =	vadd.f32 v25, v22;
	v34 =	vadd.f32 v51, v22;
	(erf) = vrcp.f32 v28  }
0x140: {  	v35 =	vadd.f32 v52, v22;
	v4 =	vadd.f32 v4, v24;
	(erf) = vrcp.f32 v50  }
0x141: {  	v36 =	vadd.f32 v53, v22;
	v1 =	vadd.f32 v1, v22  }
0x142: {  	v44 =	vadd.f32 v49, v18;
	v32 =	vadd.f32 v49, v21;
	(erf) = vrcp.f32 v4  }
0x143: {  	v51 =	vadd.f32 v45, v17;
	v29 =	vadd.f32 v29, v22  }
0x144: {  	v30 =	vadd.f32 v30, v22;
	v37 =	vadd.f32 v54, v23  }
0x145: {  	v39 =	vadd.f32 v56, v23;
	v40 =	vadd.f32 v57, v23  }
0x146: {  	v26 =	vadd.f32 v5, v19;
	v5 =	vadd.f32 v49, v12  }
0x147: {  	v2 =	vadd.f32 v2, v23;
	v47 =	vadd.f32 v44, v24;
	v55 =	vpop (erf)  }
0x148: {  	v48 =	vadd.f32 v32, v24;
	v5 =	vadd.f32 v5, v24;
	v58 =	vpop (erf);
	v34 =	vmul.f32 v55, v34  }
0x149: {  	v26 =	vadd.f32 v26, v22;
	v37 =	vmul.f32 v55, v37;
	v59 =	vpop (erf);
	v35 =	vmul.f32 v58, v35  }
0x14a: {  	v61 =	vmul.f32 v58, v39;
	v36 =	vmul.f32 v59, v36;
	v34 =	vadd.f32 $1.258291200e+07, v34  }
0x14b: {  	v60 =	vpop (erf);
	v62 =	vmul.f32 v59, v40;
	v37 =	vadd.f32 $1.258291200e+07, v37;
	v35 =	vadd.f32 $1.258291200e+07, v35  }
0x14c: {  	v1 =	vmul.f32 v60, v1;
	v38 =	vadd.f32 $1.258291200e+07, v61;
	v36 =	vadd.f32 $1.258291200e+07, v36  }
0x14d: {  	v2 =	vmul.f32 v60, v2;
	v39 =	vadd.f32 $1.258291200e+07, v62;
	v34 =	vadd.f32 $-1.258291200e+07, v34  }
0x14e: {  	v37 =	vadd.f32 $-1.258291200e+07, v37;
	v1 =	vadd.f32 $1.258291200e+07, v1  }
0x14f: {  	s30 =	simm.s32 $0x1;
	(erf) = vrcp.f32 v5;
	v2 =	vadd.f32 $1.258291200e+07, v2;
	v35 =	vadd.f32 $-1.258291200e+07, v35  }
0x150: {  	v62 =	vmov s30;
	v38 =	vadd.f32 $-1.258291200e+07, v38;
	v39 =	vadd.f32 $-1.258291200e+07, v39  }
0x151: {  	v36 =	vadd.f32 $-1.258291200e+07, v36;
	vm0 =	vlt.f32 v34, $1.600000000e+02;
	vm8 =	vge.f32 v34, $0.0e+00  }
0x152: {  	vm9 =	vge.f32 v37, $0.0e+00;
	v27 =	vmul.f32 $1.600000000e+02, v37;
	v2 =	vadd.f32 $-1.258291200e+07, v2  }
0x153: {  	v1 =	vadd.f32 $-1.258291200e+07, v1;
	vm10 =	vge.f32 v35, $0.0e+00;
	vm11 =	vge.f32 v38, $0.0e+00  }
0x154: {  	vm1 =	vmand vm8, vm9;
	vm8 =	vlt.f32 v35, $1.600000000e+02;
	vm12 =	vge.f32 v36, $0.0e+00  }
0x155: {  	vm13 =	vge.f32 v39, $0.0e+00;
	vm3 =	vmand vm10, vm11;
	vm0 =	vmand vm0, vm1  }
0x156: {  	vm9 =	vlt.f32 v36, $1.600000000e+02;
	v27 =	vadd.f32 v27, v34;
	vm10 =	vgt.f32 v31, $0.0e+00  }
0x157: {  	v31 =	vmul.f32 $1.600000000e+02, v38;
	v43 =	vmul.f32 $1.600000000e+02, v39;
	vm14 =	vge.f32 v1, $0.0e+00  }
0x158: {  	vm2 =	vmand vm12, vm13;
	vm15 =	vge.f32 v2, $0.0e+00;
	vm3 =	vmand vm8, vm3  }
0x159: {  	vm11 =	vlt.f32 v1, $1.600000000e+02;
	vm12 =	vlt.f32 v37, $1.200000000e+02;
	vm13 =	vlt.f32 v38, $1.200000000e+02  }
0x15a: {  	v53 =	vpop (erf);
	vm8 =	vgt.f32 v4, $0.0e+00;
	v4 =	vadd.f32 v49, v15;
	v46 =	vmul.f32 $1.600000000e+02, v2  }
0x15b: {  	v49 =	vadd.f32 v45, v11;
	v25 =	vmul.f32 v53, v25;
	vm4 =	vmand vm14, vm15  }
0x15c: {  	vm2 =	vmand vm9, vm2;
	v27 =	vtrunc.f32 v27;
	vm0 =	vmand vm12, vm0  }
0x15d: {  	s31 =	sadd.s32 $0x2, s24;
	vm14 =	vgt.f32 v28, $0.0e+00;
	vm3 =	vmand vm13, vm3;
	vm15 =	vgt.f32 v50, $0.0e+00  }
0x15e: {  	s26 =	sadd.s32 $0x81, s31;
	vm9 =	vlt.f32 v39, $1.200000000e+02;
	v31 =	vadd.f32 v31, v35;
	v33 =	vadd.f32 v43, v36  }
0x15f: {  	v50 =	vadd.f32 v45, v14;
	v39 =	vadd.f32 v51, v23;
	v51 =	vmov s26  }
0x160: {  	vm1 =	vmand vm11, vm4;
	v27 =	vcvt.f32.s32 v27;
	vm0 =	vmand vm10, vm0  }
0x161: {  	vm3 =	vmand vm14, vm3;
	v4 =	vadd.f32 v4, v24;
	vm2 =	vmand vm9, vm2  }
0x162: {  	vm10 =	vlt.f32 v2, $1.200000000e+02;
	v1 =	vadd.f32 v46, v1;
	v34 =	vadd.f32 v49, v23  }
0x163: {  	v25 =	vadd.f32 $1.258291200e+07, v25;
	v31 =	vtrunc.f32 v31;
	(erf) = vrcp.f32 v4  }
0x164: {  	v2 =	vtrunc.f32 v33;
	vm2 =	vmand vm15, vm2;
	(erf) = vrcp.f32 v47  }
0x165: {  	vm1 =	vmand vm10, vm1;
	v52 =	vadd.f32 v50, v23;
	(erf) = vrcp.f32 v48  }
0x166: {  	v28 =	vnsel vm0, $0x4B00, v27;
	v31 =	vcvt.f32.s32 v31;
	v54 =	vmul.f32 v53, v34  }
0x167: {  	v27 =	vsel vm0, $0x3F800000, v9;
	v2 =	vcvt.f32.s32 v2;
	v1 =	vtrunc.f32 v1  }
0x168: {  	v34 =	vsel vm2, $0x3F800000, v9;
	vm0 =	vmand vm8, vm1;
	v40 =	vadd.f32 $1.258291200e+07, v54  }
0x169: {  	v25 =	vadd.f32 $-1.258291200e+07, v25;
	v53 =	vand.u32 $0x7FFFFFFF, v51;
	v1 =	vcvt.f32.s32 v1  }
0x16a: {  	v32 =	vnsel vm2, $0x4B00, v2;
	v2 =	vadd.f32 v45, v20;
	v40 =	vadd.f32 $-1.258291200e+07, v40  }
0x16b: {  	v33 =	vnsel vm3, $0x4B00, v31;
	v31 =	vsel vm3, $0x3F800000, v9;
	vm12 =	vge.f32 v25, $0.0e+00  }
0x16c: {  	v1 =	vnsel vm0, $0x4B00, v1;
	v2 =	vadd.f32 v2, v23;
	vm11 =	vge.f32 v40, $0.0e+00;
	v55 =	vpop (erf)  }
0x16d: {  	v35 =	vmul.f32 v55, v52;
	v56 =	vpop (erf);
	v29 =	vmul.f32 v55, v29;
	v55 =	vor.u32 s30, v3  }
0x16e: {  	v57 =	vmul.f32 v56, v39;
	v58 =	vpop (erf);
	v30 =	vmul.f32 v56, v30;
	v43 =	vand.u32 $0x7F8, v55  }
0x16f: {  	v35 =	vadd.f32 $1.258291200e+07, v35;
	v2 =	vmul.f32 v58, v2;
	v29 =	vadd.f32 $1.258291200e+07, v29  }
0x170: {  	v26 =	vmul.f32 v58, v26;
	v37 =	vadd.f32 $1.258291200e+07, v57;
	v30 =	vadd.f32 $1.258291200e+07, v30  }
0x171: {  	v58 =	vor.u32 s30, v6;
	v59 =	vadd.f32 $-1.258291200e+07, v35;
	v2 =	vadd.f32 $1.258291200e+07, v2  }
0x172: {  	v26 =	vadd.f32 $1.258291200e+07, v26;
	v35 =	vsel vm0, $0x3F800000, v9;
	v29 =	vadd.f32 $-1.258291200e+07, v29  }
0x173: {  	vm0 =	vmand vm12, vm11;
	vm11 =	vlt.f32 v25, $1.600000000e+02;
	v37 =	vadd.f32 $-1.258291200e+07, v37  }
0x174: {  	v30 =	vadd.f32 $-1.258291200e+07, v30;
	vm0 =	vmand vm11, vm0;
	vm11 =	vgt.f32 v5, $0.0e+00  }
0x175: {  	v5 =	vmul.f32 $1.600000000e+02, v40;
	v2 =	vadd.f32 $-1.258291200e+07, v2;
	v26 =	vadd.f32 $-1.258291200e+07, v26  }
0x176: {  	vm13 =	vge.f32 v29, $0.0e+00;
	vm14 =	vge.f32 v59, $0.0e+00;
	vm12 =	vlt.f32 v29, $1.600000000e+02  }
0x177: {  	v60 =	vmul.f32 $1.600000000e+02, v59;
	vm15 =	vge.f32 v30, $0.0e+00;
	vm8 =	vge.f32 v37, $0.0e+00  }
0x178: {  	vm2 =	vmand vm13, vm14;
	vm13 =	vlt.f32 v30, $1.600000000e+02;
	v5 =	vadd.f32 v5, v25  }
0x179: {  	vm9 =	vge.f32 v26, $0.0e+00;
	vm10 =	vge.f32 v2, $0.0e+00;
	vm4 =	vmand vm15, vm8  }
0x17a: {  	vm2 =	vmand vm12, vm2;
	vm14 =	vlt.f32 v26, $1.600000000e+02;
	vm15 =	vlt.f32 v40, $1.200000000e+02  }
0x17b: {  	vm8 =	vlt.f32 v59, $1.200000000e+02;
	vm12 =	vgt.f32 v4, $0.0e+00;
	v4 =	vmul.f32 $1.600000000e+02, v37  }
0x17c: {  	v61 =	vmul.f32 $1.600000000e+02, v2;
	v59 =	vor.u32 s30, v7;
	vm1 =	vmand vm9, vm10  }
0x17d: {  	s4 =	sshllo.u32 s25, $0x1;
	vm4 =	vmand vm13, vm4;
	vm0 =	vmand vm15, vm0;
	vm9 =	vlt.f32 v37, $1.200000000e+02  }
0x17e: {  	s25 =	sshll.u32 s4, $0xD;
	vm2 =	vmand vm8, vm2;
	vm13 =	vlt.f32 v2, $1.200000000e+02;
	v2 =	vadd.f32 v60, v29  }
0x17f: {  	s28 =	sadd.s32 $0x80, s31;
	v5 =	vtrunc.f32 v5;
	vm15 =	vgt.f32 v48, $0.0e+00;
	v29 =	vor.u32 s25, v3  }
0x180: {  	v37 =	vand.u32 $0x7, v62;
	v60 =	vmov s28;
	v49 =	vand.u32 $0x17F8, v59  }
0x181: {  	v62 =	vadd.s32 $0x400, v53;
	vm1 =	vmand vm14, vm1;
	vm10 =	vmand vm9, vm4  }
0x182: {  	vm0 =	vmand vm11, vm0;
	vm2 =	vmand vm12, vm2;
	v4 =	vadd.f32 v4, v30  }
0x183: {  	s8 =	simm.s32 $0x0;
	vm14 =	vgt.f32 v47, $0.0e+00;
	v25 =	vadd.f32 v61, v26;
	v5 =	vcvt.f32.s32 v5  }
0x184: {  	v30 =	vor.u32 s25, v6;
	v26 =	vor.u32 s25, v7;
	v41 =	vor.u32 s8, v29  }
0x185: {  	v63 =	vor.u32 s30, v29;
	v37 =	vor.u32 $0x2000, v37;
	v47 =	vand.u32 $0xFF8, v58  }
0x186: {  	v61 =	vor.u32 s30, v8;
	v58 =	vor.u32 s8, v8;
	vm1 =	vmand vm13, vm1  }
0x187: {  	v2 =	vtrunc.f32 v2;
	vm3 =	vmand vm14, vm10;
	v36 =	vsel vm0, $0x3F800000, v9  }
0x188: {  	v38 =	vsel vm2, $0x3F800000, v9;
	v56 =	vor.u32 s30, v30;
	v57 =	vor.u32 s30, v26  }
0x189: {  	v43 =	vor.u32 v43, v37;
	v47 =	vor.u32 v47, v37;
	v49 =	vor.u32 v49, v37  }
0x18a: {  	v52 =	vand.u32 $0x1FF8, v61;
	v55 =	vor.u32 s8, v30;
	v4 =	vtrunc.f32 v4  }
0x18b: {  	v25 =	vtrunc.f32 v25;
	vm1 =	vmand vm15, vm1;
	v2 =	vcvt.f32.s32 v2  }
0x18c: {  	v5 =	vnsel vm0, $0x4B00, v5;
	v42 =	vsel vm3, $0x3F800000, v9;
	v37 =	vor.u32 v52, v37  }
0x18d: {  	v52 =	vor.u32 s8, v3;
	v4 =	vcvt.f32.s32 v4;
	v25 =	vcvt.f32.s32 v25  }
0x18e: {  	v40 =	vsel vm1, $0x3F800000, v9;
	v2 =	vnsel vm2, $0x4B00, v2;
	v59 =	vld.idx.msk [tilespmem:v62+s11+$0x0], $0xffff;
	v62 =	vor.u32 s8, v26;
	[tilespmem:v63+s12+$0x0] =	vst.idx.msk $0xffff, v28  }
0x18f: {  	v45 =	vnsel vm1, $0x4B00, v25;
	v25 =	vor.u32 s25, v8;
	[tilespmem:v43+s13+$0x0] =	vst.idx.msk $0xffff, v27;
	v27 =	vmov s8  }
0x190: {  	v54 =	vld.idx.msk [tilespmem:v60+s11+$0x0], $0xffff;
	v28 =	vand.u32 $0x7FFFFFFE, v60;
	v48 =	vor.u32 s30, v25;
	[tilespmem:v56+s12+$0x0] =	vst.idx.msk $0xffff, v33;
	v27 =	vand.u32 $0x6, v27  }
0x191: {  	v63 =	vadd.s32 $0x400, v28;
	[tilespmem:v47+s13+$0x0] =	vst.idx.msk $0xffff, v31;
	v31 =	vand.u32 $0x7F8, v52;
	v27 =	vor.u32 $0x2000, v27  }
0x192: {  	v4 =	vnsel vm3, $0x4B00, v4;
	[tilespmem:v41+s12+$0x0] =	vst.idx.msk $0xffff, v5;
	v56 =	vor.u32 s8, v6;
	v31 =	vor.u32 v31, v27  }
0x193: {  	v60 =	vand.u32 $0x1FF8, v58;
	v28 =	vadd.s32 $0x200, v28;
	[tilespmem:v57+s12+$0x0] =	vst.idx.msk $0xffff, v32;
	v32 =	vand.u32 $0xFF8, v56  }
0x194: {  	v47 =	vadd.s32 $0x200, v53;
	v57 =	vor.u32 s8, v7;
	[tilespmem:v49+s13+$0x0] =	vst.idx.msk $0xffff, v34;
	v61 =	vor.u32 v32, v27  }
0x195: {  	v5 =	vadd.f32 v54, v10;
	v33 =	vadd.f32 v54, v19;
	[tilespmem:v48+s12+$0x0] =	vst.idx.msk $0xffff, v1;
	v1 =	vand.u32 $0x17F8, v57  }
0x196: {  	v34 =	vor.u32 v60, v27;
	v39 =	vld.idx.msk [tilespmem:v63+s11+$0x0], $0xffff;
	[tilespmem:v37+s13+$0x0] =	vst.idx.msk $0xffff, v35;
	v1 =	vor.u32 v1, v27  }
0x197: {  	v32 =	vadd.f32 v54, v13;
	v63 =	vor.u32 s8, v25;
	v48 =	vadd.f32 v59, v21;
	[tilespmem:v31+s13+$0x0] =	vst.idx.msk $0xffff, v36  }
0x198: {  	s26 =	simm.s32 $0x2;
	v37 =	vld.idx.msk [tilespmem:v28+s11+$0x0], $0xffff;
	v35 =	vadd.f32 v54, v16;
	[tilespmem:v55+s12+$0x0] =	vst.idx.msk $0xffff, v2;
	v2 =	vadd.f32 v59, v12  }
0x199: {  	v28 =	vor.u32 s26, v29;
	v31 =	vadd.f32 v5, v22;
	v5 =	vadd.f32 v59, v15;
	[tilespmem:v61+s13+$0x0] =	vst.idx.msk $0xffff, v38  }
0x19a: {  	s29 =	simm.s32 $0x3;
	v27 =	vor.u32 s26, v30;
	[tilespmem:v62+s12+$0x0] =	vst.idx.msk $0xffff, v4;
	v44 =	vadd.f32 v2, v24;
	v2 =	vadd.f32 v59, v18  }
0x19b: {  	v46 =	vld.idx.msk [tilespmem:v51+s11+$0x0], $0xffff;
	v36 =	vor.u32 s29, v30;
	v41 =	vadd.f32 v39, v12;
	v38 =	vor.u32 s29, v29;
	[tilespmem:v1+s13+$0x0] =	vst.idx.msk $0xffff, v42  }
0x19c: {  	s28 =	simm.s32 $0x4;
	v42 =	vadd.f32 v5, v24;
	v43 =	vadd.f32 v2, v24;
	(erf) = vrcp.f32 v44;
	[tilespmem:v63+s12+$0x0] =	vst.idx.msk $0xffff, v45  }
.LBB2_7:
0x19d: {  	v2 =	vor.u32 s29, v3  }
0x19e: {  	v5 =	vor.u32 s29, v6;
	v56 =	vor.u32 s29, v7;
	v57 =	vmov s29  }
0x19f: {  	v58 =	vor.u32 s29, v8;
	vm4 =	vgt.f32 v44, $0.0e+00;
	v1 =	vadd.f32 v48, v24  }
0x1a0: {  	(erf) = vrcp.f32 v42;
	v2 =	vand.u32 $0x7F8, v2;
	v5 =	vand.u32 $0xFF8, v5  }
0x1a1: {  	[tilespmem:v34+s13+$0x0] =	vst.idx.msk $0xffff, v40;
	v4 =	vld.idx.msk [tilespmem:v47+s11+$0x0], $0xffff;
	v40 =	vand.u32 $0x17F8, v56;
	v48 =	vand.u32 $0x1FF8, v58;
	v47 =	vand.u32 $0x7, v57  }
0x1a2: {  	vm0 =	vgt.f32 v42, $0.0e+00;
	(erf) = vrcp.f32 v43;
	v47 =	vor.u32 $0x2000, v47  }
0x1a3: {  	vm12 =	vgt.f32 v43, $0.0e+00;
	(erf) = vrcp.f32 v1;
	v2 =	vor.u32 v2, v47  }
0x1a4: {  	v5 =	vor.u32 v5, v47;
	v49 =	vadd.f32 v46, v10;
	v50 =	vadd.f32 v46, v13  }
0x1a5: {  	v40 =	vor.u32 v40, v47;
	v51 =	vadd.f32 v46, v16;
	v59 =	vadd.f32 v46, v19  }
0x1a6: {  	v47 =	vor.u32 v48, v47;
	v52 =	vadd.f32 v4, v11;
	v54 =	vadd.f32 v4, v14  }
0x1a7: {  	vm13 =	vgt.f32 v1, $0.0e+00;
	v55 =	vadd.f32 v4, v17;
	v4 =	vadd.f32 v4, v20  }
0x1a8: {  	v1 =	vimm.s32 $0x0;
	v49 =	vadd.f32 v49, v22;
	v50 =	vadd.f32 v50, v22  }
0x1a9: {  	v1 =	vsel vm13, $0xFFFFFFFF, v1;
	v51 =	vadd.f32 v51, v22;
	v52 =	vadd.f32 v52, v23;
	v53 =	vpop (erf)  }
0x1aa: {  	v46 =	vadd.f32 v59, v22;
	v54 =	vadd.f32 v54, v23;
	v49 =	vmul.f32 v53, v49  }
0x1ab: {  	v55 =	vadd.f32 v55, v23;
	v4 =	vadd.f32 v4, v23;
	v52 =	vmul.f32 v53, v52;
	v56 =	vpop (erf)  }
0x1ac: {  	v57 =	vpop (erf);
	v50 =	vmul.f32 v56, v50;
	v60 =	vmul.f32 v56, v54;
	v49 =	vadd.f32 $1.258291200e+07, v49  }
0x1ad: {  	v52 =	vadd.f32 $1.258291200e+07, v52;
	v58 =	vpop (erf);
	v51 =	vmul.f32 v57, v51;
	v61 =	vmul.f32 v57, v55  }
0x1ae: {  	v55 =	vimm.s32 $0x0;
	v46 =	vmul.f32 v58, v46;
	v50 =	vadd.f32 $1.258291200e+07, v50  }
0x1af: {  	v4 =	vmul.f32 v58, v4;
	v53 =	vadd.f32 $1.258291200e+07, v60;
	v63 =	vadd.f32 $-1.258291200e+07, v49  }
0x1b0: {  	v42 =	vsel vm0, $0xFFFFFFFF, v55;
	v56 =	vadd.f32 $-1.258291200e+07, v52;
	v58 =	vimm.s32 $0x0  }
0x1b1: {  	v51 =	vadd.f32 $1.258291200e+07, v51;
	v62 =	vadd.f32 $1.258291200e+07, v61;
	v43 =	vsel vm12, $0xFFFFFFFF, v58  }
0x1b2: {  	v61 =	vimm.s32 $0x0;
	v46 =	vadd.f32 $1.258291200e+07, v46;
	v4 =	vadd.f32 $1.258291200e+07, v4  }
0x1b3: {  	v54 =	vadd.f32 $-1.258291200e+07, v50;
	v57 =	vadd.f32 $-1.258291200e+07, v53;
	vm7 =	vlt.f32 v56, $1.200000000e+02  }
0x1b4: {  	[tilespmem:$0x1FF70] =	vst v1;
	vm8 =	vlt.f32 v63, $1.600000000e+02;
	vm11 =	vge.f32 v63, $0.0e+00;
	vm12 =	vge.f32 v56, $0.0e+00  }
0x1b5: {  	[tilespmem:$0x1FF40] =	vst v42;
	v42 =	vmul.f32 $1.600000000e+02, v56;
	v59 =	vadd.f32 $-1.258291200e+07, v62;
	v1 =	vadd.f32 $-1.258291200e+07, v51  }
0x1b6: {  	vm11 =	vmand vm11, vm12;
	v4 =	vadd.f32 $-1.258291200e+07, v4;
	v60 =	vadd.f32 $-1.258291200e+07, v46  }
0x1b7: {  	vm6 =	vlt.f32 v57, $1.200000000e+02;
	vm9 =	vlt.f32 v54, $1.600000000e+02;
	vm15 =	vge.f32 v57, $0.0e+00  }
0x1b8: {  	v62 =	vmul.f32 $1.600000000e+02, v57;
	v42 =	vadd.f32 v42, v63;
	vm10 =	vlt.f32 v1, $1.600000000e+02  }
0x1b9: {  	[tilespmem:$0x1FF50] =	vst v43;
	vm3 =	vge.f32 v1, $0.0e+00;
	vm2 =	vge.f32 v59, $0.0e+00;
	v43 =	vmul.f32 $1.600000000e+02, v59  }
0x1ba: {  	v48 =	vld [tilespmem:$0x1FF40];
	vm14 =	vlt.f32 v4, $1.200000000e+02;
	vm1 =	vge.f32 v60, $0.0e+00;
	vm0 =	vge.f32 v4, $0.0e+00  }
0x1bb: {  	vm2 =	vmand vm3, vm2;
	v42 =	vtrunc.f32 v42;
	v46 =	vsel vm14, $0xFFFFFFFF, v61  }
0x1bc: {  	vm14 =	vge.f32 v54, $0.0e+00;
	vm0 =	vmand vm1, vm0;
	v42 =	vcvt.f32.s32 v42  }
0x1bd: {  	[tilespmem:$0x1FF60] =	vst v46;
	vm12 =	vmand vm14, vm15;
	vm15 =	vmand vm8, vm11;
	v46 =	vadd.f32 v62, v54  }
0x1be: {  	v1 =	vadd.f32 v43, v1;
	vm8 =	vmand vm9, vm12;
	vm1 =	vmand vm7, vm15  }
0x1bf: {  	vm9 =	vnez.u8 v48;
	vm1 =	vmand vm4, vm1;
	v63 =	vtrunc.f32 v46  }
0x1c0: {  	vm3 =	vmand vm6, vm8;
	v42 =	vnsel vm1, $0x4B00, v42;
	v43 =	vcvt.f32.s32 v63  }
0x1c1: {  	v46 =	vsel vm1, $0x3F800000, v9;
	vm1 =	vmand vm9, vm3;
	[tilespmem:v38+s12+$0x0] =	vst.idx.msk $0xffff, v42  }
0x1c2: {  	v45 =	vor.u32 s29, v26;
	v34 =	vor.u32 s29, v25;
	v49 =	vld [tilespmem:$0x1FF50];
	[tilespmem:v2+s13+$0x0] =	vst.idx.msk $0xffff, v46;
	v2 =	vnsel vm1, $0x4B00, v43  }
0x1c3: {  	v52 =	vadd.f32 v37, v14;
	v55 =	vadd.f32 v35, v22;
	[tilespmem:v36+s12+$0x0] =	vst.idx.msk $0xffff, v2;
	v2 =	vsel vm1, $0x3F800000, v9  }
0x1c4: {  	v58 =	vor.u32 s26, v7;
	v50 =	vadd.f32 v39, v21;
	v4 =	vmul.f32 $1.600000000e+02, v4;
	[tilespmem:v5+s13+$0x0] =	vst.idx.msk $0xffff, v2;
	v2 =	vld [tilespmem:$0x1FF60]  }
0x1c5: {  	v53 =	vadd.f32 v37, v17;
	vm5 =	vlt.f32 v59, $1.200000000e+02;
	vm13 =	vlt.f32 v60, $1.600000000e+02;
	v5 =	vld [tilespmem:$0x1FF70]  }
0x1c6: {  	vm2 =	vmand vm10, vm2;
	v4 =	vadd.f32 v4, v60;
	v1 =	vtrunc.f32 v1  }
0x1c7: {  	vm2 =	vmand vm5, vm2;
	vm10 =	vnez.u8 v49;
	v1 =	vcvt.f32.s32 v1  }
0x1c8: {  	v56 =	vor.u32 s26, v6;
	vm0 =	vmand vm13, vm0;
	vm1 =	vmand vm10, vm2  }
0x1c9: {  	v4 =	vtrunc.f32 v4;
	v1 =	vnsel vm1, $0x4B00, v1;
	vm11 =	vnez.u8 v2  }
0x1ca: {  	v2 =	vcvt.f32.s32 v4;
	vm12 =	vnez.u8 v5;
	vm0 =	vmand vm11, vm0  }
0x1cb: {  	[tilespmem:v45+s12+$0x0] =	vst.idx.msk $0xffff, v1;
	v1 =	vsel vm1, $0x3F800000, v9;
	v4 =	vadd.f32 v39, v15;
	vm0 =	vmand vm12, vm0  }
0x1cc: {  	v51 =	vadd.f32 v50, v24;
	[tilespmem:v40+s13+$0x0] =	vst.idx.msk $0xffff, v1;
	v1 =	vnsel vm0, $0x4B00, v2;
	v2 =	vadd.f32 v41, v24  }
0x1cd: {  	v35 =	vand.u32 $0x17F8, v58;
	v5 =	vadd.f32 v39, v18;
	v4 =	vadd.f32 v4, v24  }
0x1ce: {  	v57 =	vmov s26;
	v59 =	vor.u32 s26, v8;
	(erf) = vrcp.f32 v2  }
0x1cf: {  	v54 =	vadd.f32 v37, v20;
	v5 =	vadd.f32 v5, v24;
	(erf) = vrcp.f32 v4  }
0x1d0: {  	s1 =	sadd.s32 s28, s24;
	vm3 =	vgt.f32 v51, $0.0e+00;
	v38 =	vadd.f32 v52, v23;
	v36 =	vor.u32 s26, v26  }
0x1d1: {  	s4 =	sadd.s32 $0x80, s1;
	v40 =	vand.u32 $0x1FF8, v59;
	v39 =	vadd.f32 v53, v23;
	(erf) = vrcp.f32 v5  }
0x1d2: {  	v53 =	vmov s4;
	[tilespmem:v34+s12+$0x0] =	vst.idx.msk $0xffff, v1;
	v1 =	vsel vm0, $0x3F800000, v9;
	vm2 =	vgt.f32 v4, $0.0e+00  }
0x1d3: {  	vm0 =	vgt.f32 v5, $0.0e+00;
	v34 =	vand.u32 $0x6, v57;
	(erf) = vrcp.f32 v51  }
0x1d4: {  	s1 =	sadd.s32 $0x81, s1;
	[tilespmem:v47+s13+$0x0] =	vst.idx.msk $0xffff, v1;
	v1 =	vadd.f32 v37, v11;
	v37 =	vadd.f32 v54, v23;
	vm1 =	vgt.f32 v2, $0.0e+00  }
0x1d5: {  	v34 =	vor.u32 $0x2000, v34;
	v54 =	vmov s1;
	v5 =	vor.u32 s26, v3  }
0x1d6: {  	v4 =	vadd.f32 v33, v22;
	v33 =	vand.u32 $0xFF8, v56;
	v1 =	vadd.f32 v1, v23  }
0x1d7: {  	v2 =	vadd.f32 v32, v22;
	v56 =	vand.u32 $0x7FFFFFFF, v54;
	v63 =	vor.u32 v33, v34;
	v61 =	vpop (erf)  }
0x1d8: {  	v58 =	vadd.s32 $0x400, v56;
	v60 =	vand.u32 $0x7F8, v5;
	v1 =	vmul.f32 v61, v1;
	v5 =	vpop (erf)  }
0x1d9: {  	s29 =	sadd.s32 $0x1, s28;
	v62 =	vmul.f32 v61, v31;
	v31 =	vor.u32 v60, v34;
	v2 =	vmul.f32 v5, v2  }
0x1da: {  	v5 =	vmul.f32 v5, v38;
	v42 =	vpop (erf);
	v38 =	vor.u32 s29, v29;
	v1 =	vadd.f32 $1.258291200e+07, v1  }
0x1db: {  	v32 =	vmul.f32 v42, v55;
	v33 =	vmul.f32 v42, v39;
	v42 =	vor.u32 v35, v34  }
0x1dc: {  	v44 =	vpop (erf);
	v34 =	vor.u32 v40, v34;
	v46 =	vadd.f32 $1.258291200e+07, v62;
	v5 =	vadd.f32 $1.258291200e+07, v5  }
0x1dd: {  	v37 =	vmul.f32 v44, v37;
	v2 =	vadd.f32 $1.258291200e+07, v2;
	v1 =	vadd.f32 $-1.258291200e+07, v1  }
0x1de: {  	v4 =	vmul.f32 v44, v4;
	v33 =	vadd.f32 $1.258291200e+07, v33;
	v32 =	vadd.f32 $1.258291200e+07, v32  }
0x1df: {  	v55 =	vand.u32 $0x7FFFFFFE, v53;
	v5 =	vadd.f32 $-1.258291200e+07, v5;
	v45 =	vadd.f32 $1.258291200e+07, v37  }
0x1e0: {  	v57 =	vadd.s32 $0x200, v55;
	v4 =	vadd.f32 $1.258291200e+07, v4;
	v37 =	vadd.f32 $-1.258291200e+07, v46  }
0x1e1: {  	v2 =	vadd.f32 $-1.258291200e+07, v2;
	v47 =	vmul.f32 $1.600000000e+02, v1;
	v33 =	vadd.f32 $-1.258291200e+07, v33  }
0x1e2: {  	vm13 =	vge.f32 v1, $0.0e+00;
	v32 =	vadd.f32 $-1.258291200e+07, v32;
	v48 =	vmul.f32 $1.600000000e+02, v5  }
0x1e3: {  	v35 =	vadd.f32 $-1.258291200e+07, v45;
	v4 =	vadd.f32 $-1.258291200e+07, v4;
	vm14 =	vge.f32 v37, $0.0e+00  }
0x1e4: {  	vm6 =	vge.f32 v2, $0.0e+00;
	vm7 =	vge.f32 v5, $0.0e+00;
	v49 =	vmul.f32 $1.600000000e+02, v33  }
0x1e5: {  	v39 =	vadd.f32 v47, v37;
	vm15 =	vge.f32 v32, $0.0e+00;
	vm12 =	vge.f32 v33, $0.0e+00  }
0x1e6: {  	vm4 =	vmand vm14, vm13;
	vm6 =	vmand vm6, vm7;
	v47 =	vadd.s32 $0x200, v56  }
0x1e7: {  	v50 =	vmul.f32 $1.600000000e+02, v35;
	v40 =	vadd.f32 v48, v2;
	vm13 =	vge.f32 v4, $0.0e+00  }
0x1e8: {  	vm14 =	vge.f32 v35, $0.0e+00;
	vm7 =	vmand vm15, vm12;
	vm15 =	vlt.f32 v37, $1.600000000e+02  }
0x1e9: {  	vm12 =	vlt.f32 v2, $1.600000000e+02;
	v41 =	vadd.f32 v49, v32;
	vm5 =	vmand vm13, vm14  }
0x1ea: {  	vm13 =	vlt.f32 v32, $1.600000000e+02;
	v2 =	vtrunc.f32 v39;
	vm14 =	vlt.f32 v4, $1.600000000e+02  }
0x1eb: {  	vm4 =	vmand vm15, vm4;
	vm6 =	vmand vm12, vm6;
	vm15 =	vlt.f32 v1, $1.200000000e+02  }
0x1ec: {  	v45 =	vld.idx.msk [tilespmem:v58+s11+$0x0], $0xffff;
	vm12 =	vlt.f32 v5, $1.200000000e+02;
	v43 =	vadd.f32 v50, v4;
	v51 =	vtrunc.f32 v40  }
0x1ed: {  	vm7 =	vmand vm13, vm7;
	v40 =	vadd.s32 $0x400, v55;
	vm5 =	vmand vm14, vm5  }
0x1ee: {  	v1 =	vcvt.f32.s32 v2;
	vm13 =	vlt.f32 v33, $1.200000000e+02;
	vm14 =	vlt.f32 v35, $1.200000000e+02  }
0x1ef: {  	v2 =	vld.idx.msk [tilespmem:v53+s11+$0x0], $0xffff;
	vm4 =	vmand vm15, vm4;
	vm6 =	vmand vm12, vm6;
	v4 =	vtrunc.f32 v41  }
0x1f0: {  	v5 =	vcvt.f32.s32 v51;
	vm7 =	vmand vm13, vm7;
	vm1 =	vmand vm1, vm4  }
0x1f1: {  	vm2 =	vmand vm2, vm6;
	vm15 =	vmand vm14, vm5;
	v48 =	vadd.f32 v45, v21  }
0x1f2: {  	v52 =	vtrunc.f32 v43;
	v4 =	vcvt.f32.s32 v4;
	v1 =	vnsel vm1, $0x4B00, v1  }
0x1f3: {  	v37 =	vld.idx.msk [tilespmem:v57+s11+$0x0], $0xffff;
	vm0 =	vmand vm0, vm7;
	vm3 =	vmand vm3, vm15;
	v60 =	vsel vm2, $0x3F800000, v9  }
0x1f4: {  	v59 =	vcvt.f32.s32 v52;
	v39 =	vld.idx.msk [tilespmem:v40+s11+$0x0], $0xffff;
	[tilespmem:v28+s12+$0x0] =	vst.idx.msk $0xffff, v1;
	v28 =	vsel vm1, $0x3F800000, v9;
	v62 =	vadd.f32 v2, v10  }
0x1f5: {  	v1 =	vnsel vm2, $0x4B00, v5;
	v32 =	vadd.f32 v2, v13;
	v35 =	vadd.f32 v2, v16;
	[tilespmem:v31+s13+$0x0] =	vst.idx.msk $0xffff, v28  }
0x1f6: {  	p1 =	slt.u32 s28, $0x7E;
	v33 =	vadd.f32 v2, v19;
	v2 =	vadd.f32 v45, v12;
	[tilespmem:v27+s12+$0x0] =	vst.idx.msk $0xffff, v1;
	v1 =	vor.u32 s26, v25  }
.Ltmp2:
0x1f7: {  	v61 =	vsel vm0, $0x3F800000, v9;
	v4 =	vnsel vm0, $0x4B00, v4;
	v5 =	vnsel vm3, $0x4B00, v59;
	(pc) =	sbr.rel @p1 .LBB2_7-.Ltmp2, $4  }
0x1f8: {  	v40 =	vsel vm3, $0x3F800000, v9;
	v44 =	vadd.f32 v2, v24;
	v2 =	vadd.f32 v45, v18;
	[tilespmem:v63+s13+$0x0] =	vst.idx.msk $0xffff, v60  }
0x1f9: {  	v28 =	vor.u32 s28, v29;
	v31 =	vadd.f32 v62, v22;
	v63 =	vadd.f32 v45, v15;
	[tilespmem:v36+s12+$0x0] =	vst.idx.msk $0xffff, v4  }
0x1fa: {  	v46 =	vld.idx.msk [tilespmem:v54+s11+$0x0], $0xffff;
	v27 =	vor.u32 s28, v30;
	v36 =	vor.u32 s29, v30;
	v43 =	vadd.f32 v2, v24;
	[tilespmem:v42+s13+$0x0] =	vst.idx.msk $0xffff, v61  }
0x1fb: {  	s26 =	smov.u32 s28;
	s28 =	sadd.s32 $0x2, s28;
	(erf) = vrcp.f32 v44;
	v41 =	vadd.f32 v39, v12;
	v42 =	vadd.f32 v63, v24;
	[tilespmem:v1+s12+$0x0] =	vst.idx.msk $0xffff, v5  }
0x1fc: {  	v1 =	vadd.f32 v48, v24  }
0x1fd: {  	v56 =	vadd.f32 v39, v18;
	v58 =	vadd.f32 v37, v11  }
0x1fe: {  	v59 =	vadd.f32 v37, v14;
	v60 =	vadd.f32 v37, v17  }
0x1ff: {  	v61 =	vadd.f32 v37, v20;
	v32 =	vadd.f32 v32, v22  }
0x200: {  	v2 =	vld.idx.msk [tilespmem:v47+s11+$0x0], $0xffff;
	v35 =	vadd.f32 v35, v22;
	v33 =	vadd.f32 v33, v22;
	(erf) = vrcp.f32 v42  }
0x201: {  	vm11 =	vgt.f32 v44, $0.0e+00;
	v41 =	vadd.f32 v41, v24;
	v44 =	vadd.f32 v56, v24  }
0x202: {  	(erf) = vrcp.f32 v43;
	v37 =	vadd.f32 v61, v23;
	v4 =	vadd.f32 v46, v10  }
0x203: {  	(erf) = vrcp.f32 v1;
	v5 =	vadd.f32 v46, v13;
	v29 =	vadd.f32 v46, v16  }
0x204: {  	v30 =	vadd.f32 v46, v19;
	v4 =	vadd.f32 v4, v22  }
0x205: {  	v5 =	vadd.f32 v5, v22;
	v45 =	vadd.f32 v2, v11  }
0x206: {  	v29 =	vadd.f32 v29, v22;
	v30 =	vadd.f32 v30, v22  }
0x207: {  	v47 =	vadd.f32 v2, v14;
	v45 =	vadd.f32 v45, v23  }
0x208: {  	v61 =	vor.u32 s29, v26;
	v63 =	vadd.f32 v2, v17;
	v2 =	vadd.f32 v2, v20;
	v62 =	vpop (erf)  }
0x209: {  	v47 =	vadd.f32 v47, v23;
	v4 =	vmul.f32 v62, v4;
	v45 =	vmul.f32 v62, v45;
	v49 =	vpop (erf)  }
0x20a: {  	v48 =	vadd.f32 v63, v23;
	v2 =	vadd.f32 v2, v23;
	v5 =	vmul.f32 v49, v5  }
0x20b: {  	v50 =	vpop (erf);
	v49 =	vmul.f32 v49, v47;
	v4 =	vadd.f32 $1.258291200e+07, v4;
	v45 =	vadd.f32 $1.258291200e+07, v45  }
0x20c: {  	v51 =	vpop (erf);
	v29 =	vmul.f32 v50, v29;
	v52 =	vmul.f32 v50, v48;
	v5 =	vadd.f32 $1.258291200e+07, v5  }
0x20d: {  	v30 =	vmul.f32 v51, v30;
	v46 =	vadd.f32 $1.258291200e+07, v49;
	v4 =	vadd.f32 $-1.258291200e+07, v4  }
0x20e: {  	v2 =	vmul.f32 v51, v2;
	v45 =	vadd.f32 $-1.258291200e+07, v45;
	v29 =	vadd.f32 $1.258291200e+07, v29  }
0x20f: {  	(erf) = vrcp.f32 v41;
	v47 =	vadd.f32 $1.258291200e+07, v52;
	v30 =	vadd.f32 $1.258291200e+07, v30  }
0x210: {  	v26 =	vor.u32 s26, v26;
	v2 =	vadd.f32 $1.258291200e+07, v2;
	v5 =	vadd.f32 $-1.258291200e+07, v5  }
0x211: {  	v46 =	vadd.f32 $-1.258291200e+07, v46;
	vm0 =	vlt.f32 v4, $1.600000000e+02;
	vm1 =	vge.f32 v4, $0.0e+00  }
0x212: {  	vm2 =	vge.f32 v45, $0.0e+00;
	v54 =	vmul.f32 $1.600000000e+02, v45;
	vm13 =	vlt.f32 v45, $1.200000000e+02  }
0x213: {  	v45 =	vadd.f32 v59, v23;
	v59 =	vor.u32 s29, v7;
	v47 =	vadd.f32 $-1.258291200e+07, v47  }
0x214: {  	v29 =	vadd.f32 $-1.258291200e+07, v29;
	vm1 =	vmand vm1, vm2;
	v2 =	vadd.f32 $-1.258291200e+07, v2  }
0x215: {  	v53 =	vadd.f32 $-1.258291200e+07, v30;
	vm3 =	vge.f32 v5, $0.0e+00;
	vm4 =	vge.f32 v46, $0.0e+00  }
0x216: {  	vm9 =	vlt.f32 v5, $1.600000000e+02;
	vm0 =	vmand vm0, vm1;
	v4 =	vadd.f32 v54, v4  }
0x217: {  	v54 =	vor.u32 s29, v3;
	vm5 =	vge.f32 v29, $0.0e+00;
	vm14 =	vge.f32 v47, $0.0e+00  }
0x218: {  	v62 =	vpop (erf);
	vm3 =	vmand vm3, vm4;
	vm10 =	vlt.f32 v29, $1.600000000e+02;
	vm0 =	vmand vm13, vm0  }
0x219: {  	v55 =	vmul.f32 $1.600000000e+02, v47;
	v31 =	vmul.f32 v62, v31;
	v48 =	vand.u32 $0x7F8, v54  }
0x21a: {  	v54 =	vmov s26;
	vm15 =	vge.f32 v53, $0.0e+00;
	vm2 =	vmand vm5, vm14  }
0x21b: {  	vm8 =	vge.f32 v2, $0.0e+00;
	vm3 =	vmand vm9, vm3;
	vm12 =	vlt.f32 v53, $1.600000000e+02  }
0x21c: {  	v4 =	vtrunc.f32 v4;
	vm14 =	vlt.f32 v46, $1.200000000e+02;
	vm0 =	vmand vm11, vm0  }
0x21d: {  	vm9 =	vgt.f32 v1, $0.0e+00;
	v1 =	vadd.f32 v39, v15;
	v57 =	vmul.f32 $1.600000000e+02, v2  }
0x21e: {  	vm11 =	vlt.f32 v2, $1.200000000e+02;
	vm4 =	vmand vm15, vm8;
	vm2 =	vmand vm10, vm2  }
0x21f: {  	v4 =	vcvt.f32.s32 v4;
	vm15 =	vgt.f32 v42, $0.0e+00;
	vm3 =	vmand vm14, vm3  }
0x220: {  	vm8 =	vgt.f32 v43, $0.0e+00;
	v42 =	vsel vm0, $0x3F800000, v9;
	vm10 =	vlt.f32 v47, $1.200000000e+02  }
0x221: {  	v43 =	vadd.f32 v55, v29;
	v31 =	vadd.f32 $1.258291200e+07, v31;
	v55 =	vmov s29  }
0x222: {  	vm1 =	vmand vm12, vm4;
	vm3 =	vmand vm15, vm3;
	v1 =	vadd.f32 v1, v24  }
0x223: {  	vm2 =	vmand vm10, vm2;
	v50 =	vand.u32 $0x7, v55;
	v55 =	vand.u32 $0x6, v54  }
0x224: {  	v30 =	vnsel vm0, $0x4B00, v4;
	v4 =	vmul.f32 $1.600000000e+02, v46;
	v2 =	vtrunc.f32 v43  }
0x225: {  	vm2 =	vmand vm8, vm2;
	v43 =	vadd.f32 v58, v23;
	vm1 =	vmand vm11, vm1  }
0x226: {  	v46 =	vadd.f32 v60, v23;
	v31 =	vadd.f32 $-1.258291200e+07, v31;
	v56 =	vor.u32 $0x2000, v50  }
0x227: {  	v60 =	vor.u32 s29, v8;
	(erf) = vrcp.f32 v1;
	v2 =	vcvt.f32.s32 v2  }
0x228: {  	v49 =	vsel vm2, $0x3F800000, v9;
	vm0 =	vmand vm9, vm1;
	v58 =	vor.u32 v48, v56  }
0x229: {  	v4 =	vadd.f32 v4, v5;
	v5 =	vadd.f32 v39, v21;
	(erf) = vrcp.f32 v44  }
0x22a: {  	v39 =	vsel vm3, $0x3F800000, v9;
	v43 =	vmul.f32 v62, v43;
	v47 =	vsel vm0, $0x3F800000, v9  }
0x22b: {  	vm13 =	vge.f32 v31, $0.0e+00;
	v62 =	vand.u32 $0x17F8, v59;
	v29 =	vadd.f32 v5, v24  }
0x22c: {  	v4 =	vtrunc.f32 v4;
	v5 =	vadd.f32 v57, v53;
	v43 =	vadd.f32 $1.258291200e+07, v43  }
0x22d: {  	[tilespmem:v34+s13+$0x0] =	vst.idx.msk $0xffff, v40;
	v59 =	vor.u32 s26, v7;
	v4 =	vcvt.f32.s32 v4;
	(erf) = vrcp.f32 v29  }
0x22e: {  	[tilespmem:v38+s12+$0x0] =	vst.idx.msk $0xffff, v30;
	v2 =	vnsel vm2, $0x4B00, v2;
	v5 =	vtrunc.f32 v5;
	v43 =	vadd.f32 $-1.258291200e+07, v43  }
0x22f: {  	v34 =	vor.u32 v62, v56;
	[tilespmem:v58+s13+$0x0] =	vst.idx.msk $0xffff, v42;
	v4 =	vnsel vm3, $0x4B00, v4;
	v5 =	vcvt.f32.s32 v5  }
0x230: {  	v57 =	vor.u32 s29, v6;
	vm12 =	vge.f32 v43, $0.0e+00;
	[tilespmem:v36+s12+$0x0] =	vst.idx.msk $0xffff, v4;
	v4 =	vor.u32 s26, v6  }
0x231: {  	v5 =	vnsel vm0, $0x4B00, v5;
	vm0 =	vmand vm13, vm12;
	vm12 =	vlt.f32 v31, $1.600000000e+02  }
0x232: {  	v4 =	vand.u32 $0xFF8, v4;
	v63 =	vpop (erf);
	vm0 =	vmand vm12, vm0;
	vm12 =	vgt.f32 v1, $0.0e+00  }
0x233: {  	v45 =	vmul.f32 v63, v45;
	v52 =	vpop (erf);
	v32 =	vmul.f32 v63, v32;
	v63 =	vand.u32 $0x1FF8, v60  }
0x234: {  	v60 =	vor.u32 s26, v8;
	v46 =	vmul.f32 v52, v46;
	v35 =	vmul.f32 v52, v35  }
0x235: {  	v52 =	vor.u32 s29, v25;
	v45 =	vadd.f32 $1.258291200e+07, v45;
	v32 =	vadd.f32 $1.258291200e+07, v32  }
0x236: {  	v40 =	vor.u32 v63, v56;
	v46 =	vadd.f32 $1.258291200e+07, v46;
	v35 =	vadd.f32 $1.258291200e+07, v35;
	v53 =	vpop (erf)  }
0x237: {  	v45 =	vadd.f32 $-1.258291200e+07, v45;
	v32 =	vadd.f32 $-1.258291200e+07, v32;
	v37 =	vmul.f32 v53, v37  }
0x238: {  	v33 =	vmul.f32 v53, v33;
	v46 =	vadd.f32 $-1.258291200e+07, v46;
	v35 =	vadd.f32 $-1.258291200e+07, v35  }
0x239: {  	v53 =	vor.u32 s26, v3;
	vm14 =	vge.f32 v32, $0.0e+00;
	vm15 =	vge.f32 v45, $0.0e+00  }
0x23a: {  	vm13 =	vlt.f32 v32, $1.600000000e+02;
	v30 =	vand.u32 $0x7F8, v53;
	v37 =	vadd.f32 $1.258291200e+07, v37  }
0x23b: {  	v33 =	vadd.f32 $1.258291200e+07, v33;
	vm8 =	vge.f32 v35, $0.0e+00;
	vm9 =	vge.f32 v46, $0.0e+00  }
0x23c: {  	vm4 =	vmand vm8, vm9;
	vm8 =	vlt.f32 v43, $1.200000000e+02;
	v43 =	vmul.f32 $1.600000000e+02, v43  }
0x23d: {  	vm2 =	vmand vm14, vm15;
	vm14 =	vlt.f32 v35, $1.600000000e+02;
	v58 =	vmul.f32 $1.600000000e+02, v46  }
0x23e: {  	vm2 =	vmand vm13, vm2;
	vm9 =	vlt.f32 v45, $1.200000000e+02;
	v31 =	vadd.f32 v43, v31  }
0x23f: {  	v37 =	vadd.f32 $-1.258291200e+07, v37;
	v33 =	vadd.f32 $-1.258291200e+07, v33;
	vm3 =	vmand vm14, vm4  }
0x240: {  	vm0 =	vmand vm8, vm0;
	v1 =	vtrunc.f32 v31;
	v31 =	vand.u32 $0xFF8, v57  }
0x241: {  	vm2 =	vmand vm9, vm2;
	vm14 =	vgt.f32 v44, $0.0e+00;
	v31 =	vor.u32 v31, v56  }
0x242: {  	vm2 =	vmand vm12, vm2;
	vm10 =	vge.f32 v33, $0.0e+00;
	vm11 =	vge.f32 v37, $0.0e+00  }
0x243: {  	vm15 =	vlt.f32 v33, $1.600000000e+02;
	vm13 =	vlt.f32 v37, $1.200000000e+02;
	v63 =	vsel vm2, $0x3F800000, v9  }
0x244: {  	vm1 =	vmand vm10, vm11;
	vm10 =	vlt.f32 v46, $1.200000000e+02;
	vm11 =	vgt.f32 v41, $0.0e+00  }
0x245: {  	v57 =	vor.u32 $0x2000, v55;
	vm1 =	vmand vm15, vm1;
	v56 =	vmul.f32 $1.600000000e+02, v45  }
0x246: {  	vm3 =	vmand vm10, vm3;
	v1 =	vcvt.f32.s32 v1;
	v4 =	vor.u32 v4, v57;
	[tilespmem:v31+s13+$0x0] =	vst.idx.msk $0xffff, v39  }
0x247: {  	vm4 =	vmand vm11, vm0;
	v32 =	vadd.f32 v56, v32;
	[tilespmem:v61+s12+$0x0] =	vst.idx.msk $0xffff, v2;
	v2 =	vor.u32 v30, v57  }
0x248: {  	vm0 =	vmand vm13, vm1;
	v44 =	vsel vm4, $0x3F800000, v9;
	v1 =	vnsel vm4, $0x4B00, v1;
	[tilespmem:v34+s13+$0x0] =	vst.idx.msk $0xffff, v49  }
0x249: {  	v32 =	vtrunc.f32 v32;
	v30 =	vadd.f32 v58, v35;
	[tilespmem:v52+s12+$0x0] =	vst.idx.msk $0xffff, v5;
	v5 =	vmul.f32 $1.600000000e+02, v37  }
0x24a: {  	[tilespmem:v28+s12+$0x0] =	vst.idx.msk $0xffff, v1;
	v32 =	vcvt.f32.s32 v32;
	v61 =	vand.u32 $0x1FF8, v60;
	v34 =	vand.u32 $0x17F8, v59  }
0x24b: {  	v34 =	vor.u32 v34, v57;
	v30 =	vtrunc.f32 v30;
	[tilespmem:v40+s13+$0x0] =	vst.idx.msk $0xffff, v47;
	v5 =	vadd.f32 v5, v33  }
0x24c: {  	v62 =	vnsel vm2, $0x4B00, v32;
	v1 =	vcvt.f32.s32 v30;
	[tilespmem:v2+s13+$0x0] =	vst.idx.msk $0xffff, v44;
	v2 =	vor.u32 s26, v25  }
0x24d: {  	vm1 =	vmand vm14, vm3;
	v25 =	vor.u32 v61, v57;
	v5 =	vtrunc.f32 v5;
	[tilespmem:v27+s12+$0x0] =	vst.idx.msk $0xffff, v62  }
0x24e: {  	vm15 =	vgt.f32 v29, $0.0e+00;
	v1 =	vnsel vm1, $0x4B00, v1;
	v5 =	vcvt.f32.s32 v5;
	[tilespmem:v4+s13+$0x0] =	vst.idx.msk $0xffff, v63  }
.Ltmp3:
0x24f: {  	vm0 =	vmand vm15, vm0;
	v4 =	vsel vm1, $0x3F800000, v9;
	[tilespmem:v26+s12+$0x0] =	vst.idx.msk $0xffff, v1;
	(pc) =	sbr.rel @p0 .LBB2_4-.Ltmp3, $4  }
0x250: {  	s1 =	sor.u32 s7, s25;
	v1 =	vnsel vm0, $0x4B00, v5;
	[tilespmem:v34+s13+$0x0] =	vst.idx.msk $0xffff, v4  }
0x251: {  	s25 =	simm.s32 $0x1;
	s1 =	sshrl.u32 s1, $0x3;
	v4 =	vsel vm0, $0x3F800000, v9;
	[tilespmem:v2+s12+$0x0] =	vst.idx.msk $0xffff, v1  }
0x252: {  	p2 =	por $0x0, $0x0;
	p1 =	por $0x1, $0x1;
	s1 =	sadd.s32 s6, s1;
	[tilespmem:v25+s13+$0x0] =	vst.idx.msk $0xffff, v4  }
0x253: {  	[hbm4b:s1+s3] =	stream.linear.scatter [tilespmem:s14], [sflag:$0x2], $0x2000, $0x38;
	[tilespmem:$0x1DC20] =	vst v63  }
0x254: {  	_ =	swait.ge [sflag:s15], $0x2000  }
0x255: {  	[sflag:s15] =	ssyncset.done $0x0  }
0x256: {  	[sflag:s15] =	ssyncadd.s32 $0xFFFFE000  }
0x257: {  	_ =	swait.ge [sflag:s16], $0x2000  }
0x258: {  	[sflag:s16] =	ssyncset.done $0x0  }
0x259: {  	s23 =	simm.s32 $0x0;
	s24 =	simm.s32 $0x0;
	[sflag:s16] =	ssyncadd.s32 $0xFFFFE000  }
.LBB2_10:
0x25a: {  	s1 =	smul.u32 $0x12C2, s24;
	_ =	sdelay $0x1  }
0x25b: {  	s1 =	sadd.s32 s5, s1  }
0x25c: {  	[tilespmem:s17], [sflag:$0x3] =	stream.linear.gather [hbm4b:s1+s23], $0x9610, $0x38;
	[tilespmem:$0x1DC20] =	vst v63  }
0x25d: {  	s25 =	sshll.u32 s24, $0x15;
	_ =	swait.ge [sflag:s10], $0x9610  }
0x25e: {  	s26 =	sshll.u32 s24, $0x2;
	p1 =	por $0x1, $0x1;
	[sflag:s10] =	ssyncset.done $0x0  }
0x25f: {  	s29 =	simm.s32 $0x0;
	s28 =	sor.u32 $0x100000, s25;
	[sflag:s10] =	ssyncadd.s32 $0xFFFF69F0  }
.LBB2_11:
0x260: {  	s1 =	sor.u32 s24, s29  }
0x261: {  	p0 =	seq.s32 s1, $0x0  }
0x262: {  	s4 =	simm.s32 $0x0;
	s1 =	simm.s32 @!p0 $0x1  }
0x263: {  	v11 =	vor.u32 $0x3FC8, v0;
	s0 =	simm.s32 $0x10;
	v1 =	vor.u32 s4, v0;
	_ =	swait.ge @!p0 [sflag:s1], $0x2000  }
0x264: {  	v12 =	vor.u32 $0x3FD8, v0;
	v4 =	vor.u32 s0, v0;
	s4 =	simm.s32 $0x40;
	v2 =	vand.u32 v11, v1;
	[sflag:s1] =	ssyncset.done @!p0 $0x0  }
0x265: {  	v5 =	vand.u32 v12, v4;
	v19 =	vor.u32 s4, v0;
	[sflag:s1] =	ssyncadd.s32 @!p0 $0xFFFFE000  }
0x266: {  	s8 =	simm.s32 $0x20;
	v20 =	vand.u32 v11, v19;
	_ =	swait.ge @!p0 [sflag:s1], $0x2000  }
0x267: {  	v14 =	vor.u32 $0x3FE8, v0;
	v15 =	vor.u32 s8, v0;
	s8 =	simm.s32 $0x50;
	[sflag:s1] =	ssyncset.done @!p0 $0x0  }
0x268: {  	s0 =	simm.s32 $0x30;
	v16 =	vand.u32 v14, v15;
	v21 =	vor.u32 s8, v0;
	[sflag:s1] =	ssyncadd.s32 @!p0 $0xFFFFE000  }
0x269: {  	v13 =	vor.u32 $0x3FF8, v0;
	v17 =	vor.u32 s0, v0;
	s8 =	simm.s32 $0x80;
	v22 =	vand.u32 v12, v21;
	v2 =	vld.idx.msk [tilespmem:v2+s17+$0x0], $0xffff  }
0x26a: {  	v18 =	vand.u32 v13, v17;
	v26 =	vor.u32 s8, v0;
	v5 =	vld.idx.msk [tilespmem:v5+s17+$0x0], $0xffff  }
0x26b: {  	v10 =	vor.u32 $0x4B08, v0;
	v1 =	vand.u32 $0x1FC8, v1;
	v28 =	vand.u32 v11, v26;
	v25 =	vld.idx.msk [tilespmem:v20+s17+$0x0], $0xffff  }
0x26c: {  	v4 =	vand.u32 $0x1FD8, v4;
	v1 =	vadd.s32 v10, v1  }
0x26d: {  	s30 =	simm.s32 $0x13620;
	v15 =	vand.u32 $0x1FE8, v15;
	s0 =	simm.s32 $0x60;
	v4 =	vadd.s32 v10, v4;
	v16 =	vld.idx.msk [tilespmem:v16+s17+$0x0], $0xffff  }
0x26e: {  	s4 =	simm.s32 $0x70;
	v15 =	vadd.s32 v10, v15;
	v23 =	vor.u32 s0, v0;
	v27 =	vld.idx.msk [tilespmem:v22+s17+$0x0], $0xffff;
	[tilespmem:s30+$0xFFFFE000] =	vst v2  }
0x26f: {  	s31 =	simm.s32 $0x13660;
	v24 =	vor.u32 s4, v0;
	v2 =	vld.idx.msk [tilespmem:v18+s17+$0x0], $0xffff;
	v18 =	vand.u32 v14, v23;
	[tilespmem:s30+$0xFFFFE010] =	vst v5  }
0x270: {  	v17 =	vand.u32 $0x1FF8, v17;
	v5 =	vand.u32 $0x1FC8, v19;
	v19 =	vand.u32 v13, v24;
	[tilespmem:s31+$0xFFFFE000] =	vst v25;
	v25 =	vld.idx.msk [tilespmem:v28+s17+$0x0], $0xffff  }
0x271: {  	v17 =	vadd.s32 v10, v17;
	v1 =	vld.idx.msk [tilespmem:v1+s17+$0x0], $0xffff  }
0x272: {  	s8 =	simm.s32 $0xB0;
	[tilespmem:s30+$0xFFFFE020] =	vst v16;
	v16 =	vand.u32 $0x1FD8, v21;
	v4 =	vld.idx.msk [tilespmem:v4+s17+$0x0], $0xffff;
	v5 =	vadd.s32 v10, v5  }
0x273: {  	s0 =	simm.s32 $0x90;
	v29 =	vor.u32 s8, v0;
	[tilespmem:s31+$0xFFFFE010] =	vst v27;
	v30 =	vld.idx.msk [tilespmem:v15+s17+$0x0], $0xffff;
	v15 =	vand.u32 $0x1FF8, v24;
	v31 =	vadd.s32 v10, v16  }
0x274: {  	v16 =	vand.u32 $0x1FE8, v23;
	v15 =	vadd.s32 v10, v15;
	v20 =	vld.idx.msk [tilespmem:v18+s17+$0x0], $0xffff;
	[tilespmem:s30+$0xFFFFE030] =	vst v2;
	v2 =	vor.u32 s0, v0  }
0x275: {  	s4 =	simm.s32 $0xA0;
	v16 =	vadd.s32 v10, v16;
	v23 =	vld.idx.msk [tilespmem:v19+s17+$0x0], $0xffff;
	v18 =	vand.u32 v13, v29;
	v24 =	vand.u32 v12, v2  }
0x276: {  	[tilespmem:s30+$0x0] =	vst v1;
	v22 =	vld.idx.msk [tilespmem:v17+s17+$0x0], $0xffff;
	v1 =	vor.u32 s4, v0;
	v17 =	vand.u32 $0x1FC8, v26;
	v2 =	vand.u32 $0x1FD8, v2  }
0x277: {  	v26 =	vld.idx.msk [tilespmem:v5+s17+$0x0], $0xffff;
	[tilespmem:s30+$0x10] =	vst v4;
	v4 =	vand.u32 $0x1FF8, v29;
	v21 =	vand.u32 v14, v1;
	v17 =	vadd.s32 v10, v17  }
0x278: {  	p0 =	por p1, p1;
	s1 =	sshll.u32 s29, $0x1;
	s4 =	simm.s32 $0xC0;
	v28 =	vld.idx.msk [tilespmem:v31+s17+$0x0], $0xffff;
	[tilespmem:s30+$0x20] =	vst v30;
	v19 =	vadd.s32 v10, v2;
	v27 =	vadd.s32 v10, v4;
	v29 =	vand.u32 $0x1FE8, v1  }
.LBB2_12:
0x279: {  	s0 =	sadd.s32 $0x10, s4  }
0x27a: {  	v1 =	vor.u32 s4, v0;
	p1 =	slt.u32 s4, $0x1FC0;
	v2 =	vld.idx.msk [tilespmem:v24+s17+$0x0], $0xffff;
	v4 =	vadd.s32 v10, v29;
	[tilespmem:s31+$0xFFFFE020] =	vst v20;
	s8 =	smov.u32 s4;
	s4 =	sadd.s32 $0x40, s4  }
0x27b: {  	v5 =	vand.u32 v11, v1;
	v29 =	vor.u32 s0, v0;
	s0 =	sadd.s32 $0x20, s8;
	v30 =	vld.idx.msk [tilespmem:v16+s17+$0x0], $0xffff;
	[tilespmem:s30+$0x30] =	vst v22;
	v16 =	vmov v4;
	s30 =	smov.u32 s31  }
0x27c: {  	v24 =	vand.u32 v12, v29;
	v4 =	vor.u32 s0, v0;
	s0 =	sadd.s32 $0x30, s8;
	v20 =	vld.idx.msk [tilespmem:v21+s17+$0x0], $0xffff;
	[tilespmem:s31+$0xFFFFE030] =	vst v23  }
.Ltmp4:
0x27d: {  	s31 =	sadd.s32 $0x40, s31;
	v21 =	vand.u32 v14, v4;
	v31 =	vor.u32 s0, v0;
	[tilespmem:s30+$0x0] =	vst v26;
	v22 =	vld.idx.msk [tilespmem:v15+s17+$0x0], $0xffff;
	v15 =	vmov v27;
	(pc) =	sbr.rel @p1 .LBB2_12-.Ltmp4, $4  }
0x27e: {  	v1 =	vand.u32 $0x1FC8, v1;
	[tilespmem:s31+$0xFFFFE000] =	vst v25;
	v23 =	vld.idx.msk [tilespmem:v18+s17+$0x0], $0xffff;
	v18 =	vand.u32 v13, v31  }
0x27f: {  	v27 =	vand.u32 $0x1FD8, v29;
	v29 =	vand.u32 $0x1FF8, v31;
	v26 =	vld.idx.msk [tilespmem:v17+s17+$0x0], $0xffff;
	v17 =	vadd.s32 v10, v1;
	[tilespmem:s30+$0x10] =	vst v28  }
0x280: {  	v1 =	vadd.s32 v10, v27;
	v27 =	vadd.s32 v10, v29;
	v25 =	vld.idx.msk [tilespmem:v5+s17+$0x0], $0xffff;
	[tilespmem:s31+$0xFFFFE010] =	vst v2  }
0x281: {  	v29 =	vand.u32 $0x1FE8, v4;
	v28 =	vld.idx.msk [tilespmem:v19+s17+$0x0], $0xffff;
	[tilespmem:s30+$0x20] =	vst v30;
	v19 =	vmov v1  }
0x282: {  	_ =	sdelay $0x2  }
0x283: {  	[tilespmem:s31+$0xFFFFE020] =	vst v20  }
0x284: {  	v1 =	vld.idx.msk [tilespmem:v24+s17+$0x0], $0xffff;
	[tilespmem:s30+$0x30] =	vst v22  }
0x285: {  	v2 =	vld.idx.msk [tilespmem:v21+s17+$0x0], $0xffff;
	[tilespmem:s31+$0xFFFFE030] =	vst v23  }
0x286: {  	v4 =	vadd.s32 v10, v29;
	s0 =	sadd.s32 $0x40, s31;
	v5 =	vld.idx.msk [tilespmem:v18+s17+$0x0], $0xffff;
	[tilespmem:s31+$0x0] =	vst v26  }
0x287: {  	v16 =	vld.idx.msk [tilespmem:v16+s17+$0x0], $0xffff;
	[tilespmem:s0+$0xFFFFE000] =	vst v25  }
0x288: {  	v15 =	vld.idx.msk [tilespmem:v15+s17+$0x0], $0xffff;
	[tilespmem:s31+$0x10] =	vst v28  }
0x289: {  	v17 =	vld.idx.msk [tilespmem:v17+s17+$0x0], $0xffff;
	[tilespmem:s0+$0xFFFFE010] =	vst v1  }
0x28a: {  	[tilespmem:s0+$0xFFFFE020] =	vst v2;
	v1 =	vld.idx.msk [tilespmem:v19+s17+$0x0], $0xffff  }
0x28b: {  	[tilespmem:s0+$0xFFFFE030] =	vst v5;
	v2 =	vld.idx.msk [tilespmem:v4+s17+$0x0], $0xffff  }
0x28c: {  	[tilespmem:s31+$0x20] =	vst v16;
	v4 =	vld.idx.msk [tilespmem:v27+s17+$0x0], $0xffff  }
0x28d: {  	s4 =	sshll.u32 s29, $0xE;
	[tilespmem:s31+$0x30] =	vst v15  }
0x28e: {  	s4 =	sor.u32 s7, s4;
	[tilespmem:s0+$0x0] =	vst v17  }
0x28f: {  	s8 =	sor.u32 s25, s4;
	[tilespmem:s0+$0x10] =	vst v1  }
0x290: {  	s8 =	sshrl.u32 s8, $0x3;
	[tilespmem:s0+$0x20] =	vst v2  }
0x291: {  	s8 =	sadd.s32 s2, s8;
	[tilespmem:s0+$0x30] =	vst v4  }
0x292: {  	[hbm4b:s8+s3] =	stream.linear.scatter [tilespmem:s18], [sflag:$0x1], $0x2000, $0x38;
	[tilespmem:$0x1DC20] =	vst v63  }
0x293: {  	s29 =	sor.u32 $0x1, s1;
	s8 =	sor.u32 s28, s4  }
0x294: {  	s4 =	sor.u32 s26, s29;
	s0 =	sshrl.u32 s8, $0x3  }
0x295: {  	p1 =	seq.s32 s4, $0x1;
	s0 =	sadd.s32 s2, s0  }
0x296: {  	[hbm4b:s0+s3] =	stream.linear.scatter [tilespmem:s19], [sflag:$0x1], $0x2000, $0x38;
	[tilespmem:$0x1DC20] =	vst v63  }
0x297: {  	s8 =	simm.s32 $0x0;
	s0 =	simm.s32 @!p1 $0x2  }
0x298: {  	s4 =	simm.s32 $0x30;
	v1 =	vor.u32 s8, v0;
	_ =	swait.ge @!p1 [sflag:s0], $0x2000  }
0x299: {  	s8 =	simm.s32 $0x10;
	v4 =	vor.u32 s4, v0;
	v2 =	vand.u32 v11, v1;
	[sflag:s0] =	ssyncset.done @!p1 $0x0  }
0x29a: {  	v5 =	vor.u32 s8, v0;
	s8 =	simm.s32 $0x20;
	v15 =	vand.u32 v13, v4;
	[sflag:s0] =	ssyncadd.s32 @!p1 $0xFFFFE000  }
0x29b: {  	s4 =	simm.s32 $0x40;
	v16 =	vand.u32 v12, v5;
	v17 =	vor.u32 s8, v0;
	_ =	swait.ge @!p1 [sflag:s0], $0x2000  }
0x29c: {  	s1 =	simm.s32 $0x60;
	v21 =	vor.u32 s4, v0;
	v18 =	vand.u32 v14, v17;
	[sflag:s0] =	ssyncset.done @!p1 $0x0  }
0x29d: {  	v23 =	vor.u32 s1, v0;
	s4 =	simm.s32 $0x70;
	v19 =	vand.u32 v11, v21;
	[sflag:s0] =	ssyncadd.s32 @!p1 $0xFFFFE000  }
0x29e: {  	v25 =	vand.u32 v14, v23;
	v27 =	vor.u32 s4, v0;
	v2 =	vld.idx.msk [tilespmem:v2+s17+$0x0], $0xffff  }
0x29f: {  	v4 =	vand.u32 $0x1FF8, v4;
	s8 =	simm.s32 $0x50;
	v28 =	vand.u32 v13, v27;
	v24 =	vld.idx.msk [tilespmem:v15+s17+$0x0], $0xffff  }
0x2a0: {  	v4 =	vadd.s32 v10, v4;
	v20 =	vor.u32 s8, v0;
	v26 =	vld.idx.msk [tilespmem:v16+s17+$0x0], $0xffff  }
0x2a1: {  	v5 =	vand.u32 $0x1FD8, v5;
	v22 =	vand.u32 v12, v20;
	v18 =	vld.idx.msk [tilespmem:v18+s17+$0x0], $0xffff  }
0x2a2: {  	v5 =	vadd.s32 v10, v5;
	v36 =	vld.idx.msk [tilespmem:v19+s17+$0x0], $0xffff;
	v15 =	vand.u32 $0x1FE8, v17  }
0x2a3: {  	s30 =	simm.s32 $0x17650;
	v1 =	vand.u32 $0x1FC8, v1;
	s8 =	simm.s32 $0x80;
	v25 =	vld.idx.msk [tilespmem:v25+s17+$0x0], $0xffff;
	v19 =	vadd.s32 v10, v15  }
0x2a4: {  	s1 =	simm.s32 $0x90;
	v1 =	vadd.s32 v10, v1;
	v28 =	vld.idx.msk [tilespmem:v28+s17+$0x0], $0xffff;
	v15 =	vor.u32 s8, v0;
	[tilespmem:s30+$0xFFFFE000] =	vst v24  }
0x2a5: {  	s4 =	simm.s32 $0xA0;
	v16 =	vor.u32 s1, v0;
	v24 =	vand.u32 v11, v15;
	v4 =	vld.idx.msk [tilespmem:v4+s17+$0x0], $0xffff  }
0x2a6: {  	v17 =	vor.u32 s4, v0;
	v22 =	vld.idx.msk [tilespmem:v22+s17+$0x0], $0xffff;
	[tilespmem:s30+$0xFFFFDFE0] =	vst v26;
	v26 =	vand.u32 v12, v16  }
0x2a7: {  	v27 =	vand.u32 $0x1FF8, v27;
	s8 =	simm.s32 $0xB0;
	[tilespmem:s30+$0xFFFFDFF0] =	vst v18;
	v18 =	vand.u32 v14, v17;
	v32 =	vld.idx.msk [tilespmem:v5+s17+$0x0], $0xffff  }
0x2a8: {  	[tilespmem:s30+$0xFFFFDFD0] =	vst v2;
	v2 =	vor.u32 s8, v0;
	v5 =	vadd.s32 v10, v27;
	v33 =	vld.idx.msk [tilespmem:v19+s17+$0x0], $0xffff  }
0x2a9: {  	v20 =	vand.u32 $0x1FD8, v20;
	v27 =	vand.u32 v13, v2;
	v34 =	vld.idx.msk [tilespmem:v1+s17+$0x0], $0xffff  }
0x2aa: {  	v1 =	vadd.s32 v10, v20;
	v19 =	vld.idx.msk [tilespmem:v24+s17+$0x0], $0xffff;
	[tilespmem:s30+$0x0] =	vst v4;
	v4 =	vand.u32 $0x1FE8, v23  }
0x2ab: {  	s31 =	simm.s32 $0x17690;
	s1 =	simm.s32 $0xC0;
	v20 =	vld.idx.msk [tilespmem:v26+s17+$0x0], $0xffff;
	v23 =	vand.u32 $0x1FC8, v21;
	v29 =	vadd.s32 v10, v4  }
0x2ac: {  	s4 =	simm.s32 $0xD0;
	[tilespmem:s31+$0xFFFFE000] =	vst v28;
	v21 =	vld.idx.msk [tilespmem:v18+s17+$0x0], $0xffff;
	v18 =	vor.u32 s1, v0;
	v31 =	vadd.s32 v10, v23  }
0x2ad: {  	s8 =	simm.s32 $0xE0;
	[tilespmem:s31+$0xFFFFDFE0] =	vst v22;
	v24 =	vor.u32 s4, v0;
	v30 =	vld.idx.msk [tilespmem:v5+s17+$0x0], $0xffff;
	v22 =	vand.u32 v11, v18  }
0x2ae: {  	[tilespmem:s31+$0xFFFFDFF0] =	vst v25;
	v28 =	vld.idx.msk [tilespmem:v27+s17+$0x0], $0xffff;
	v27 =	vand.u32 v12, v24;
	v23 =	vor.u32 s8, v0  }
0x2af: {  	[tilespmem:s31+$0xFFFFDFD0] =	vst v36;
	v35 =	vand.u32 $0x1FF8, v2;
	s4 =	simm.s32 $0xF0;
	s1 =	simm.s32 $0x100;
	v26 =	vld.idx.msk [tilespmem:v1+s17+$0x0], $0xffff;
	v25 =	vand.u32 v14, v23  }
.LBB2_14:
0x2b0: {  	p1 =	slt.u32 s1, $0x1FC0;
	v1 =	vor.u32 s4, v0;
	v2 =	vadd.s32 v10, v35;
	v4 =	vld.idx.msk [tilespmem:v29+s17+$0x0], $0xffff;
	[tilespmem:s30+$0xFFFFFFE0] =	vst v32;
	v5 =	vmov v19  }
0x2b1: {  	v29 =	vand.u32 $0x1FD8, v16;
	v32 =	vmovc v20;
	v16 =	vmov v24;
	v35 =	vand.u32 v13, v1;
	v36 =	vld.idx.msk [tilespmem:v31+s17+$0x0], $0xffff;
	[tilespmem:s30+$0xFFFFFFF0] =	vst v33  }
0x2b2: {  	v37 =	vadd.s32 v10, v29;
	v33 =	vmovc v21;
	v19 =	vld.idx.msk [tilespmem:v22+s17+$0x0], $0xffff;
	v22 =	vand.u32 $0x1FE8, v17;
	[tilespmem:s30+$0xFFFFFFD0] =	vst v34;
	v17 =	vmov v23;
	s30 =	smov.u32 s31  }
.Ltmp5:
0x2b3: {  	v23 =	vand.u32 $0x1FC8, v15;
	s31 =	sadd.s32 $0x40, s31;
	v15 =	vmov v18;
	v20 =	vld.idx.msk [tilespmem:v27+s17+$0x0], $0xffff;
	v29 =	vadd.s32 v10, v22;
	[tilespmem:s30+$0x0] =	vst v30;
	(pc) =	sbr.rel @p1 .LBB2_14-.Ltmp5, $4  }
0x2b4: {  	s0 =	sadd.s32 $0x10, s1;
	v18 =	vor.u32 s1, v0;
	v31 =	vadd.s32 v10, v23;
	v21 =	vld.idx.msk [tilespmem:v25+s17+$0x0], $0xffff;
	[tilespmem:s31+$0xFFFFE000] =	vst v28  }
0x2b5: {  	v24 =	vor.u32 s0, v0;
	s0 =	sadd.s32 $0x20, s1;
	v22 =	vand.u32 v11, v18;
	[tilespmem:s31+$0xFFFFDFE0] =	vst v32;
	v30 =	vld.idx.msk [tilespmem:v2+s17+$0x0], $0xffff;
	v32 =	vmov v26  }
0x2b6: {  	v27 =	vand.u32 v12, v24;
	v23 =	vor.u32 s0, v0;
	v28 =	vld.idx.msk [tilespmem:v35+s17+$0x0], $0xffff;
	[tilespmem:s31+$0xFFFFDFF0] =	vst v33;
	v33 =	vmov v4  }
0x2b7: {  	s4 =	sadd.s32 $0x30, s1;
	s1 =	sadd.s32 $0x40, s1;
	v25 =	vand.u32 v14, v23;
	v35 =	vand.u32 $0x1FF8, v1;
	v34 =	vmov v36;
	[tilespmem:s31+$0xFFFFDFD0] =	vst v5;
	v26 =	vld.idx.msk [tilespmem:v37+s17+$0x0], $0xffff  }
0x2b8: {  	[tilespmem:s30+$0xFFFFFFE0] =	vst v32  }
0x2b9: {  	[tilespmem:s30+$0xFFFFFFF0] =	vst v33  }
0x2ba: {  	[tilespmem:s30+$0xFFFFFFD0] =	vst v34;
	s0 =	sadd.s32 $0x40, s31  }
0x2bb: {  	v1 =	vor.u32 s4, v0;
	v2 =	vadd.s32 v10, v35;
	[tilespmem:s0+$0xFFFFDFE0] =	vst v20  }
0x2bc: {  	v5 =	vld.idx.msk [tilespmem:v29+s17+$0x0], $0xffff;
	v4 =	vand.u32 v13, v1;
	[tilespmem:s0+$0xFFFFDFF0] =	vst v21  }
0x2bd: {  	v11 =	vand.u32 $0x1FD8, v16;
	v12 =	vld.idx.msk [tilespmem:v31+s17+$0x0], $0xffff;
	[tilespmem:s0+$0xFFFFDFD0] =	vst v19  }
0x2be: {  	v58 =	vld.idx.msk [tilespmem:v25+s17+$0x0], $0xffff;
	v60 =	vand.u32 $0x1FE8, v23;
	v11 =	vadd.s32 v10, v11;
	[tilespmem:s31+$0x0] =	vst v30  }
0x2bf: {  	v56 =	vand.u32 $0x1FE8, v17;
	v57 =	vld.idx.msk [tilespmem:v27+s17+$0x0], $0xffff;
	v62 =	vadd.s32 v10, v60;
	[tilespmem:s0+$0xFFFFE000] =	vst v28  }
0x2c0: {  	v14 =	vand.u32 $0x1FC8, v15;
	v13 =	vadd.s32 v10, v56;
	[tilespmem:s31+$0xFFFFFFE0] =	vst v26;
	v2 =	vld.idx.msk [tilespmem:v2+s17+$0x0], $0xffff  }
0x2c1: {  	v59 =	vand.u32 $0x1FD8, v24;
	v14 =	vadd.s32 v10, v14;
	[tilespmem:s31+$0xFFFFFFF0] =	vst v5;
	v4 =	vld.idx.msk [tilespmem:v4+s17+$0x0], $0xffff  }
0x2c2: {  	v61 =	vand.u32 $0x1FC8, v18;
	v1 =	vand.u32 $0x1FF8, v1;
	v17 =	vadd.s32 v10, v59;
	s1 =	sadd.s32 $0x40, s0;
	v5 =	vld.idx.msk [tilespmem:v22+s17+$0x0], $0xffff;
	[tilespmem:s31+$0xFFFFFFD0] =	vst v12  }
0x2c3: {  	v1 =	vadd.s32 v10, v1;
	v10 =	vadd.s32 v10, v61;
	[tilespmem:s1+$0xFFFFDFF0] =	vst v58;
	v11 =	vld.idx.msk [tilespmem:v11+s17+$0x0], $0xffff  }
0x2c4: {  	[tilespmem:s1+$0xFFFFDFE0] =	vst v57;
	v63 =	vld.idx.msk [tilespmem:v62+s17+$0x0], $0xffff  }
0x2c5: {  	[tilespmem:s0+$0x0] =	vst v2;
	v2 =	vld.idx.msk [tilespmem:v13+s17+$0x0], $0xffff  }
0x2c6: {  	[tilespmem:s1+$0xFFFFE000] =	vst v4;
	v4 =	vld.idx.msk [tilespmem:v14+s17+$0x0], $0xffff  }
0x2c7: {  	[tilespmem:s1+$0xFFFFDFD0] =	vst v5;
	v5 =	vld.idx.msk [tilespmem:v17+s17+$0x0], $0xffff  }
0x2c8: {  	[tilespmem:s0+$0xFFFFFFE0] =	vst v11;
	v10 =	vld.idx.msk [tilespmem:v10+s17+$0x0], $0xffff  }
0x2c9: {  	[tilespmem:s1+$0xFFFFFFF0] =	vst v63;
	v1 =	vld.idx.msk [tilespmem:v1+s17+$0x0], $0xffff  }
0x2ca: {  	s8 =	sshll.u32 s29, $0xD;
	[tilespmem:s0+$0xFFFFFFF0] =	vst v2  }
0x2cb: {  	[tilespmem:s0+$0xFFFFFFD0] =	vst v4;
	s0 =	sor.u32 s7, s8  }
0x2cc: {  	[tilespmem:s1+$0xFFFFFFE0] =	vst v5;
	s30 =	sor.u32 s25, s0  }
.Ltmp6:
0x2cd: {  	[tilespmem:s1+$0xFFFFFFD0] =	vst v10;
	s0 =	sor.u32 s28, s0;
	s4 =	sshrl.u32 s30, $0x3;
	(pc) =	sbr.rel @p0 .LBB2_11-.Ltmp6, $4  }
0x2ce: {  	[tilespmem:s1+$0x0] =	vst v1;
	s0 =	sshrl.u32 s0, $0x3;
	s31 =	sadd.s32 s2, s4  }
0x2cf: {  	[hbm4b:s31+s3] =	stream.linear.scatter [tilespmem:s20], [sflag:$0x2], $0x2000, $0x38;
	[tilespmem:$0x1DC20] =	vst v63  }
0x2d0: {  	s29 =	simm.s32 $0x1;
	p1 =	por $0x0, $0x0;
	s0 =	sadd.s32 s2, s0  }
0x2d1: {  	[hbm4b:s0+s3] =	stream.linear.scatter [tilespmem:s21], [sflag:$0x2], $0x2000, $0x38;
	[tilespmem:$0x1DC20] =	vst v63  }
0x2d2: {  	s24 =	sadd.s32 $0x1, s24  }
0x2d3: {  	p0 =	sne.s32 s24, $0x10  }
.Ltmp7:
0x2d4: {  	_ = 	snop;
	(pc) =	sbr.rel @p0 .LBB2_10-.Ltmp7, $1  }
0x2d5: {  	_ =	sdelay $0x3  }
0x2d6: {  	_ =	swait.ge [sflag:s15], $0x2000  }
0x2d7: {  	[sflag:s15] =	ssyncset.done $0x0  }
0x2d8: {  	[sflag:s15] =	ssyncadd.s32 $0xFFFFE000  }
0x2d9: {  	_ =	swait.ge [sflag:s15], $0x2000  }
0x2da: {  	[sflag:s15] =	ssyncset.done $0x0  }
0x2db: {  	[sflag:s15] =	ssyncadd.s32 $0xFFFFE000  }
0x2dc: {  	_ =	swait.ge [sflag:s16], $0x2000  }
0x2dd: {  	[sflag:s16] =	ssyncset.done $0x0  }
0x2de: {  	[sflag:s16] =	ssyncadd.s32 $0xFFFFE000  }
0x2df: {  	_ =	swait.ge [sflag:s16], $0x2000  }
0x2e0: {  	s22 =	sadd.s32 $0x1, s22;
	s0 =	rddreg [dreg:$0x4]  }
0x2e1: {  	p0 =	sne.s32 s22, s0  }
.Ltmp8:
0x2e2: {  	_ = 	snop;
	(pc) =	sbr.rel @p0 .LBB2_1-.Ltmp8, $3  }
0x2e3: {  	_ =	sdelay $0x1  }
0x2e4: {  	[sflag:s16] =	ssyncset.done $0x0  }
0x2e5: {  	[sflag:s16] =	ssyncadd.s32 $0xFFFFE000  }
0x2e6: {  	_ =	sfence.sel $0x180000  }
0x2e7: {  	[bflag:$0x0] =	sbarrier.arrive $0xFFFF  }
0x2e8: {  	_ =	strace $0x90000047  }
0x2e9: {  	s0 =	stileid.u32;
	[bflag:$0x2] =	sbarrier.arrive $0xFFFF  }
0x2ea: {  	p0 =	sne.s32 s0, $0x0;
	s0 =	rddreg [dreg:$0x3]  }
0x2eb: {  	s0 =	sadd.s32 @!p0 $0x100000, s0  }
0x2ec: {  	[sflag:s0] =	ssyncadd.tile.s32 @!p0 $0x1;
	_ =	shalt  }
.Lfunc_end2:
_tile_overlayer_lowered:
.L_overlay_start_2:
0x2ed: {  	(tag) =	ssettag $0x2  }
0x2ee: {  	s0 =	rddreg [dreg:$0x0];
	s2 =	stileid.u32  }
0x2ef: {  	s1 =	rddreg [dreg:$0x1];
	p0 =	sne.s32 s2, $0x0  }
0x2f0: {  	s3 =	rddreg [dreg:$0x2];
	[bflag:$0x3] =	sbarrier.arrive $0xFFFF;
	s2 =	simm.s32 @!p0 $0x1C03  }
0x2f1: {  	[timem:s3], [sflag:s2] =	dma.local @!p0 [hbm:s0], s1  }
0x2f2: {  	s0 =	simm.s32 @!p0 $0x3  }
0x2f3: {  	_ =	swait.ge @!p0 [sflag:s0], s1  }
0x2f4: {  	s1 =	ssub.s32 @!p0 $0x0, s1;
	[sflag:s0] =	ssyncset.done @!p0 $0x0  }
0x2f5: {  	[sflag:s0] =	ssyncadd.s32 @!p0 s1  }
0x2f6: {  	[bflag:$0x3] =	sbarrier.arrive $0xFFFF  }
0x2f7: {  	_ =	shalt  }

</sc_bundles>
